<compile_context>
chip_gen: v7x
topology: tpu7x:2x2x1
jax: 0.10.2.dev20260603
libtpu: 0.0.44.dev20260713+nightly
codegen_flags: <defaults>
</compile_context>

<pallas_src>
import math

import jax
import jax.numpy as jnp
from jax import lax
from jax.experimental import pallas as pl
from jax.experimental.pallas import tpu as pltpu
from jax.experimental.pallas import tpu_sc as plsc

VOCAB = 100000
DIM = 1024
B = 4
S = 2048
N = B * S

NC = 2
NS = 16
LANES = 16
NW = NC * NS
PER_W = N // NW
CH_G = 16
CH_S = 16
NCH_G = PER_W // CH_G
NCH_S = PER_W // CH_S
SUB = CH_G // CH_S
NGBUF = 4
NSBUF = 3
SCALE = float(math.sqrt(DIM))


def _sc_body(idx_hbm, table_hbm, out_hbm, idx_v, *rest):
    gbufs = rest[:NGBUF]
    sbufs = rest[NGBUF:NGBUF + NSBUF]
    gsems = rest[NGBUF + NSBUF:2 * NGBUF + NSBUF]
    ssems = rest[2 * NGBUF + NSBUF:]
    wid = lax.axis_index("s") * NC + lax.axis_index("c")
    base = wid * PER_W
    head = NGBUF * CH_G
    pltpu.sync_copy(idx_hbm.at[pl.ds(base, head)], idx_v.at[pl.ds(0, head)])

    def gather(j, b):
        h = pltpu.make_async_copy(
            table_hbm.at[idx_v.at[pl.ds(j * CH_G, CH_G)]], gbufs[b], gsems[b]
        )
        h.start()
        return h

    pending_g = [gather(j, j) for j in range(NGBUF)]
    pltpu.sync_copy(
        idx_hbm.at[pl.ds(base + head, PER_W - head)],
        idx_v.at[pl.ds(head, PER_W - head)],
    )
    pending_s = [None] * NSBUF

    for i in range(NCH_S):
        gi, half = divmod(i, SUB)
        g = gi % NGBUF
        s = i % NSBUF
        if half == 0:
            pending_g[g].wait()
        if pending_s[s] is not None:
            pending_s[s].wait()

        @plsc.parallel_loop(0, CH_S * (DIM // LANES), unroll=8)
        def _(v):
            r = v // (DIM // LANES)
            sl = pl.ds((v % (DIM // LANES)) * LANES, LANES)
            sbufs[s][r, sl] = gbufs[g][half * CH_S + r, sl] * SCALE

        hs = pltpu.make_async_copy(
            sbufs[s], out_hbm.at[pl.ds(base + i * CH_S, CH_S)], ssems[s]
        )
        hs.start()
        pending_s[s] = hs

        if half == SUB - 1:
            j = gi + NGBUF
            if j < NCH_G:
                pending_g[g] = gather(j, g)

    for h in pending_s:
        h.wait()


def _gather_scaled(idx_flat, table):
    mesh = plsc.VectorSubcoreMesh(
        core_axis_name="c", subcore_axis_name="s", num_cores=NC, num_subcores=NS
    )
    return pl.kernel(
        _sc_body,
        out_type=jax.ShapeDtypeStruct((N, DIM), jnp.float32),
        mesh=mesh,
        scratch_types=(
            [pltpu.VMEM((PER_W,), jnp.int32)]
            + [pltpu.VMEM((CH_G, DIM), jnp.float32)] * NGBUF
            + [pltpu.VMEM((CH_S, DIM), jnp.float32)] * NSBUF
            + [pltpu.SemaphoreType.DMA] * (NGBUF + NSBUF)
        ),
    )(idx_flat, table)


def kernel(x, table):
    out = _gather_scaled(x.reshape(N), table)
    return out.reshape(B, S, DIM)

# --- scband reference (transcript-rebuilt; emitter-appended) ---
"""Pipeline reference for scband-embeddings-90572270338754 (READ-ONLY COPY).

The authoritative reference and input builder live on the scoring server;
editing this copy changes nothing except your own understanding.
"""

import math
import jax, jax.numpy as jnp
import numpy as np

VOCAB = 100000
DIM = 1024
B = 4
S = 2048


def setup_inputs(seed: int = 0) -> dict:
    key = jax.random.key(seed)
    k1, k2 = jax.random.split(key)
    x = jax.random.randint(k1, (B, S), 0, VOCAB, dtype=jnp.int32)
    # learned embedding table per init_kwargs (vocab_size=100000, dim=1024)
    table = jax.random.normal(k2, (VOCAB, DIM), dtype=jnp.float32) * 0.02
    return {"x": x, "table": table}


def reference(x, table):
    # Embeddings.forward: embed(x) * sqrt(d_model)
    emb = jnp.take(table, x, axis=0)
    return emb * math.sqrt(DIM)

if __name__ == "__main__":
    import jax
    _d = setup_inputs()
    print(jax.jit(kernel)(*tuple(_d.values())))

</pallas_src>

<mosaic_0001>
#map = affine_map<(d0, d1) -> (0)>
#map1 = affine_map<(d0, d1) -> (0, 0)>
module attributes {stable_mosaic.version = 14 : i64} {
  func.func @_sc_body(%arg0: i32, %arg1: i32, %arg2: memref<8192xi32, #tpu.memory_space<hbm>>, %arg3: memref<100000x1024xf32, #tpu.memory_space<hbm>>, %arg4: memref<8192x1024xf32, #tpu.memory_space<hbm>>, %arg5: memref<256xi32, #tpu.memory_space<vmem>>, %arg6: memref<16x1024xf32, #tpu.memory_space<vmem>>, %arg7: memref<16x1024xf32, #tpu.memory_space<vmem>>, %arg8: memref<16x1024xf32, #tpu.memory_space<vmem>>, %arg9: memref<16x1024xf32, #tpu.memory_space<vmem>>, %arg10: memref<16x1024xf32, #tpu.memory_space<vmem>>, %arg11: memref<16x1024xf32, #tpu.memory_space<vmem>>, %arg12: memref<16x1024xf32, #tpu.memory_space<vmem>>, %arg13: memref<!tpu.dma_semaphore, #tpu.memory_space<semaphore_mem>>, %arg14: memref<!tpu.dma_semaphore, #tpu.memory_space<semaphore_mem>>, %arg15: memref<!tpu.dma_semaphore, #tpu.memory_space<semaphore_mem>>, %arg16: memref<!tpu.dma_semaphore, #tpu.memory_space<semaphore_mem>>, %arg17: memref<!tpu.dma_semaphore, #tpu.memory_space<semaphore_mem>>, %arg18: memref<!tpu.dma_semaphore, #tpu.memory_space<semaphore_mem>>, %arg19: memref<!tpu.dma_semaphore, #tpu.memory_space<semaphore_mem>>) attributes {dimension_semantics = [#tpu.dimension_semantics<core_parallel>, #tpu.dimension_semantics<subcore_parallel>], iteration_bounds = array<i64: 2, 16>, scalar_prefetch = 0 : i64, scratch_operands = 15 : i64, tpu.core_type = #tpu.core_type<sc_vector_subcore>, window_params = [{transform_indices = #map}, {transform_indices = #map1}, {transform_indices = #map1}]} {
    %mul3A = arith.constant 2 : i32
    %mul3A_0 = arith.muli %arg1, %mul3A : i32
    %add3A = arith.addi %mul3A_0, %arg0 : i32
    %mul3A_1 = arith.constant 256 : i32
    %mul3A_2 = arith.muli %add3A, %mul3A_1 : i32
    "tpu.region"() ({
      %run_scoped3A = tpu.sem_alloc : memref<!tpu.dma_semaphore, #tpu.memory_space<semaphore_mem>>
      %dma_start3A_370 = arith.constant 0 : i32
      %dma_start3A_371 = tpu.memref_slice %arg5[%dma_start3A_370] : memref<256xi32, #tpu.memory_space<vmem>> -> memref<64xi32, #tpu.memory_space<vmem>>
      %dma_start3A_372 = tpu.memref_slice %arg2[%mul3A_2] : memref<8192xi32, #tpu.memory_space<hbm>> -> memref<64xi32, #tpu.memory_space<hbm>>
      %dma_start3A_373 = arith.constant 0 : i32
      %dma_start3A_374 = tpu.memref_slice %arg5[%dma_start3A_373] : memref<256xi32, #tpu.memory_space<vmem>> -> memref<64xi32, #tpu.memory_space<vmem>>
      %dma_start3A_375 = tpu.memref_slice %arg2[%mul3A_2] : memref<8192xi32, #tpu.memory_space<hbm>> -> memref<64xi32, #tpu.memory_space<hbm>>
      tpu.enqueue_dma source(%dma_start3A_375 : memref<64xi32, #tpu.memory_space<hbm>>) target(%dma_start3A_374 : memref<64xi32, #tpu.memory_space<vmem>>) target_semaphore(%run_scoped3A : memref<!tpu.dma_semaphore, #tpu.memory_space<semaphore_mem>>)
      %dma_wait3A_376 = arith.constant 0 : i32
      %dma_wait3A_377 = tpu.memref_slice %arg5[%dma_wait3A_376] : memref<256xi32, #tpu.memory_space<vmem>> -> memref<64xi32, #tpu.memory_space<vmem>>
      %dma_wait3A_378 = tpu.memref_slice %arg2[%mul3A_2] : memref<8192xi32, #tpu.memory_space<hbm>> -> memref<64xi32, #tpu.memory_space<hbm>>
      %dma_wait3A_379 = arith.constant 0 : i32
      %dma_wait3A_380 = tpu.memref_slice %arg5[%dma_wait3A_379] : memref<256xi32, #tpu.memory_space<vmem>> -> memref<64xi32, #tpu.memory_space<vmem>>
      %dma_wait3A_381 = tpu.memref_slice %arg2[%mul3A_2] : memref<8192xi32, #tpu.memory_space<hbm>> -> memref<64xi32, #tpu.memory_space<hbm>>
      tpu.wait_dma2 semaphore(%run_scoped3A : memref<!tpu.dma_semaphore, #tpu.memory_space<semaphore_mem>>) src(%dma_wait3A_381 : memref<64xi32, #tpu.memory_space<hbm>>) dst(%dma_wait3A_380 : memref<64xi32, #tpu.memory_space<vmem>>)
      tpu.yield
    }) : () -> ()
    %dma_start3A = arith.constant 0 : i32
    %dma_start3A_3 = tpu.memref_slice %arg5[%dma_start3A] : memref<256xi32, #tpu.memory_space<vmem>> -> memref<16xi32, #tpu.memory_space<vmem>>
    %dma_start3A_4 = arith.constant 0 : i32
    %dma_start3A_5 = arith.constant 0 : i32
    %dma_start3A_6 = tpu.memref_slice %arg3[%dma_start3A_4, %dma_start3A_5] : memref<100000x1024xf32, #tpu.memory_space<hbm>> -> memref<100000x1024xf32, #tpu.memory_space<hbm>>
    tpu.enqueue_indirect_dma source(%dma_start3A_6 : memref<100000x1024xf32, #tpu.memory_space<hbm>>) target(%arg6 : memref<16x1024xf32, #tpu.memory_space<vmem>>) offsets(%dma_start3A_3 : memref<16xi32, #tpu.memory_space<vmem>>) semaphore(%arg13 : memref<!tpu.dma_semaphore, #tpu.memory_space<semaphore_mem>>)
    %dma_start3A_7 = arith.constant 16 : i32
    %dma_start3A_8 = tpu.memref_slice %arg5[%dma_start3A_7] : memref<256xi32, #tpu.memory_space<vmem>> -> memref<16xi32, #tpu.memory_space<vmem>>
    %dma_start3A_9 = arith.constant 0 : i32
    %dma_start3A_10 = arith.constant 0 : i32
    %dma_start3A_11 = tpu.memref_slice %arg3[%dma_start3A_9, %dma_start3A_10] : memref<100000x1024xf32, #tpu.memory_space<hbm>> -> memref<100000x1024xf32, #tpu.memory_space<hbm>>
    tpu.enqueue_indirect_dma source(%dma_start3A_11 : memref<100000x1024xf32, #tpu.memory_space<hbm>>) target(%arg7 : memref<16x1024xf32, #tpu.memory_space<vmem>>) offsets(%dma_start3A_8 : memref<16xi32, #tpu.memory_space<vmem>>) semaphore(%arg14 : memref<!tpu.dma_semaphore, #tpu.memory_space<semaphore_mem>>)
    %dma_start3A_12 = arith.constant 32 : i32
    %dma_start3A_13 = tpu.memref_slice %arg5[%dma_start3A_12] : memref<256xi32, #tpu.memory_space<vmem>> -> memref<16xi32, #tpu.memory_space<vmem>>
    %dma_start3A_14 = arith.constant 0 : i32
    %dma_start3A_15 = arith.constant 0 : i32
    %dma_start3A_16 = tpu.memref_slice %arg3[%dma_start3A_14, %dma_start3A_15] : memref<100000x1024xf32, #tpu.memory_space<hbm>> -> memref<100000x1024xf32, #tpu.memory_space<hbm>>
    tpu.enqueue_indirect_dma source(%dma_start3A_16 : memref<100000x1024xf32, #tpu.memory_space<hbm>>) target(%arg8 : memref<16x1024xf32, #tpu.memory_space<vmem>>) offsets(%dma_start3A_13 : memref<16xi32, #tpu.memory_space<vmem>>) semaphore(%arg15 : memref<!tpu.dma_semaphore, #tpu.memory_space<semaphore_mem>>)
    %dma_start3A_17 = arith.constant 48 : i32
    %dma_start3A_18 = tpu.memref_slice %arg5[%dma_start3A_17] : memref<256xi32, #tpu.memory_space<vmem>> -> memref<16xi32, #tpu.memory_space<vmem>>
    %dma_start3A_19 = arith.constant 0 : i32
    %dma_start3A_20 = arith.constant 0 : i32
    %dma_start3A_21 = tpu.memref_slice %arg3[%dma_start3A_19, %dma_start3A_20] : memref<100000x1024xf32, #tpu.memory_space<hbm>> -> memref<100000x1024xf32, #tpu.memory_space<hbm>>
    tpu.enqueue_indirect_dma source(%dma_start3A_21 : memref<100000x1024xf32, #tpu.memory_space<hbm>>) target(%arg9 : memref<16x1024xf32, #tpu.memory_space<vmem>>) offsets(%dma_start3A_18 : memref<16xi32, #tpu.memory_space<vmem>>) semaphore(%arg16 : memref<!tpu.dma_semaphore, #tpu.memory_space<semaphore_mem>>)
    %add3A_22 = arith.constant 64 : i32
    %add3A_23 = arith.addi %mul3A_2, %add3A_22 : i32
    "tpu.region"() ({
      %run_scoped3A = tpu.sem_alloc : memref<!tpu.dma_semaphore, #tpu.memory_space<semaphore_mem>>
      %dma_start3A_370 = arith.constant 64 : i32
      %dma_start3A_371 = tpu.memref_slice %arg5[%dma_start3A_370] : memref<256xi32, #tpu.memory_space<vmem>> -> memref<192xi32, #tpu.memory_space<vmem>>
      %dma_start3A_372 = tpu.memref_slice %arg2[%add3A_23] : memref<8192xi32, #tpu.memory_space<hbm>> -> memref<192xi32, #tpu.memory_space<hbm>>
      %dma_start3A_373 = arith.constant 64 : i32
      %dma_start3A_374 = tpu.memref_slice %arg5[%dma_start3A_373] : memref<256xi32, #tpu.memory_space<vmem>> -> memref<192xi32, #tpu.memory_space<vmem>>
      %dma_start3A_375 = tpu.memref_slice %arg2[%add3A_23] : memref<8192xi32, #tpu.memory_space<hbm>> -> memref<192xi32, #tpu.memory_space<hbm>>
      tpu.enqueue_dma source(%dma_start3A_375 : memref<192xi32, #tpu.memory_space<hbm>>) target(%dma_start3A_374 : memref<192xi32, #tpu.memory_space<vmem>>) target_semaphore(%run_scoped3A : memref<!tpu.dma_semaphore, #tpu.memory_space<semaphore_mem>>)
      %dma_wait3A_376 = arith.constant 64 : i32
      %dma_wait3A_377 = tpu.memref_slice %arg5[%dma_wait3A_376] : memref<256xi32, #tpu.memory_space<vmem>> -> memref<192xi32, #tpu.memory_space<vmem>>
      %dma_wait3A_378 = tpu.memref_slice %arg2[%add3A_23] : memref<8192xi32, #tpu.memory_space<hbm>> -> memref<192xi32, #tpu.memory_space<hbm>>
      %dma_wait3A_379 = arith.constant 64 : i32
      %dma_wait3A_380 = tpu.memref_slice %arg5[%dma_wait3A_379] : memref<256xi32, #tpu.memory_space<vmem>> -> memref<192xi32, #tpu.memory_space<vmem>>
      %dma_wait3A_381 = tpu.memref_slice %arg2[%add3A_23] : memref<8192xi32, #tpu.memory_space<hbm>> -> memref<192xi32, #tpu.memory_space<hbm>>
      tpu.wait_dma2 semaphore(%run_scoped3A : memref<!tpu.dma_semaphore, #tpu.memory_space<semaphore_mem>>) src(%dma_wait3A_381 : memref<192xi32, #tpu.memory_space<hbm>>) dst(%dma_wait3A_380 : memref<192xi32, #tpu.memory_space<vmem>>)
      tpu.yield
    }) : () -> ()
    %dma_wait3A = arith.constant 0 : i32
    %dma_wait3A_24 = tpu.memref_slice %arg5[%dma_wait3A] : memref<256xi32, #tpu.memory_space<vmem>> -> memref<16xi32, #tpu.memory_space<vmem>>
    %dma_wait3A_25 = arith.constant 0 : i32
    %dma_wait3A_26 = arith.constant 0 : i32
    %dma_wait3A_27 = tpu.memref_slice %arg3[%dma_wait3A_25, %dma_wait3A_26] : memref<100000x1024xf32, #tpu.memory_space<hbm>> -> memref<100000x1024xf32, #tpu.memory_space<hbm>>
    tpu.wait_indirect_dma semaphore(%arg13 : memref<!tpu.dma_semaphore, #tpu.memory_space<semaphore_mem>>) src(%dma_wait3A_27 : memref<100000x1024xf32, #tpu.memory_space<hbm>>) dst(%arg6 : memref<16x1024xf32, #tpu.memory_space<vmem>>)
    %parallel_loop3A = arith.constant 0 : i32
    %parallel_loop3A_28 = arith.constant 1024 : i32
    %parallel_loop3A_29 = arith.constant 1 : i32
    scf.for %parallel_loop3A_370 = %parallel_loop3A to %parallel_loop3A_28 step %parallel_loop3A_29  : i32 {
      %parallel_loop3A_371 = arith.constant 64 : i32
      %parallel_loop3A_372 = arith.divsi %parallel_loop3A_370, %parallel_loop3A_371 : i32
      %parallel_loop3A_373 = arith.constant 0 : i32
      %parallel_loop3A_374 = arith.cmpi sgt, %parallel_loop3A_370, %parallel_loop3A_373 : i32
      %parallel_loop3A_375 = arith.extui %parallel_loop3A_374 : i1 to i32
      %parallel_loop3A_376 = arith.constant 0 : i32
      %parallel_loop3A_377 = arith.cmpi slt, %parallel_loop3A_370, %parallel_loop3A_376 : i32
      %parallel_loop3A_378 = arith.extui %parallel_loop3A_377 : i1 to i32
      %parallel_loop3A_379 = arith.subi %parallel_loop3A_375, %parallel_loop3A_378 : i32
      %parallel_loop3A_380 = arith.constant 0 : i32
      %parallel_loop3A_381 = arith.cmpi sgt, %parallel_loop3A_371, %parallel_loop3A_380 : i32
      %parallel_loop3A_382 = arith.extui %parallel_loop3A_381 : i1 to i32
      %parallel_loop3A_383 = arith.constant 0 : i32
      %parallel_loop3A_384 = arith.cmpi slt, %parallel_loop3A_371, %parallel_loop3A_383 : i32
      %parallel_loop3A_385 = arith.extui %parallel_loop3A_384 : i1 to i32
      %parallel_loop3A_386 = arith.subi %parallel_loop3A_382, %parallel_loop3A_385 : i32
      %parallel_loop3A_387 = arith.cmpi ne, %parallel_loop3A_379, %parallel_loop3A_386 : i32
      %parallel_loop3A_388 = arith.remsi %parallel_loop3A_370, %parallel_loop3A_371 : i32
      %parallel_loop3A_389 = arith.constant 0 : i32
      %parallel_loop3A_390 = arith.cmpi ne, %parallel_loop3A_388, %parallel_loop3A_389 : i32
      %parallel_loop3A_391 = arith.andi %parallel_loop3A_387, %parallel_loop3A_390 : i1
      %parallel_loop3A_392 = arith.constant 1 : i32
      %parallel_loop3A_393 = arith.subi %parallel_loop3A_372, %parallel_loop3A_392 : i32
      %parallel_loop3A_394 = arith.select %parallel_loop3A_391, %parallel_loop3A_393, %parallel_loop3A_372 : i32
      %parallel_loop3A_395 = arith.constant 64 : i32
      %parallel_loop3A_396 = arith.constant 0 : i32
      %parallel_loop3A_397 = arith.cmpi eq, %parallel_loop3A_395, %parallel_loop3A_396 : i32
      %parallel_loop3A_398 = arith.constant 1 : i32
      %parallel_loop3A_399 = arith.select %parallel_loop3A_397, %parallel_loop3A_398, %parallel_loop3A_395 : i32
      %parallel_loop3A_400 = arith.remsi %parallel_loop3A_370, %parallel_loop3A_399 : i32
      %parallel_loop3A_401 = arith.constant 0 : i32
      %parallel_loop3A_402 = arith.cmpi ne, %parallel_loop3A_400, %parallel_loop3A_401 : i32
      %parallel_loop3A_403 = arith.constant 0 : i32
      %parallel_loop3A_404 = arith.cmpi slt, %parallel_loop3A_400, %parallel_loop3A_403 : i32
      %parallel_loop3A_405 = arith.constant 0 : i32
      %parallel_loop3A_406 = arith.cmpi slt, %parallel_loop3A_399, %parallel_loop3A_405 : i32
      %parallel_loop3A_407 = arith.xori %parallel_loop3A_404, %parallel_loop3A_406 : i1
      %parallel_loop3A_408 = arith.andi %parallel_loop3A_407, %parallel_loop3A_402 : i1
      %parallel_loop3A_409 = arith.addi %parallel_loop3A_400, %parallel_loop3A_399 : i32
      %parallel_loop3A_410 = arith.select %parallel_loop3A_408, %parallel_loop3A_409, %parallel_loop3A_400 : i32
      %parallel_loop3A_411 = arith.constant 16 : i32
      %parallel_loop3A_412 = arith.muli %parallel_loop3A_410, %parallel_loop3A_411 : i32
      %parallel_loop3A_413 = arith.constant 0 : i32
      %parallel_loop3A_414 = arith.addi %parallel_loop3A_413, %parallel_loop3A_394 : i32
      %parallel_loop3A_415 = arith.index_cast %parallel_loop3A_414 : i32 to index
      %parallel_loop3A_416 = arith.index_cast %parallel_loop3A_412 : i32 to index
      %parallel_loop3A_417 = tpu.vector_load %arg6[%parallel_loop3A_415, %parallel_loop3A_416] {strides = array<i32>} : memref<16x1024xf32, #tpu.memory_space<vmem>>, vector<1x16xf32>,
      %parallel_loop3A_418 = vector.shape_cast %parallel_loop3A_417 : vector<1x16xf32> to vector<16xf32>
      %parallel_loop3A_419 = arith.constant 3.200000e+01 : f32
      %parallel_loop3A_420 = vector.broadcast %parallel_loop3A_419 : f32 to vector<16xf32>
      %parallel_loop3A_421 = arith.mulf %parallel_loop3A_418, %parallel_loop3A_420 : vector<16xf32>
      %parallel_loop3A_422 = arith.index_cast %parallel_loop3A_394 : i32 to index
      %parallel_loop3A_423 = arith.index_cast %parallel_loop3A_412 : i32 to index
      %parallel_loop3A_424 = tpu.vector_load %arg10[%parallel_loop3A_422, %parallel_loop3A_423] {strides = array<i32>} : memref<16x1024xf32, #tpu.memory_space<vmem>>, vector<1x16xf32>,
      %parallel_loop3A_425 = vector.shape_cast %parallel_loop3A_424 : vector<1x16xf32> to vector<16xf32>
      %parallel_loop3A_426 = vector.shape_cast %parallel_loop3A_421 : vector<16xf32> to vector<1x16xf32>
      tpu.vector_store %arg10[%parallel_loop3A_422, %parallel_loop3A_423], %parallel_loop3A_426 {strides = array<i32>} : memref<16x1024xf32, #tpu.memory_space<vmem>>, vector<1x16xf32>,
    } {sc.loop_unroll_factor = 8 : i64, sc.parallel_access}
    %add3A_30 = arith.constant 0 : i32
    %add3A_31 = arith.addi %mul3A_2, %add3A_30 : i32
    %dma_start3A_32 = arith.constant 0 : i32
    %dma_start3A_33 = tpu.memref_slice %arg4[%add3A_31, %dma_start3A_32] : memref<8192x1024xf32, #tpu.memory_space<hbm>> -> memref<16x1024xf32, #tpu.memory_space<hbm>>
    %dma_start3A_34 = arith.constant 0 : i32
    %dma_start3A_35 = tpu.memref_slice %arg4[%add3A_31, %dma_start3A_34] : memref<8192x1024xf32, #tpu.memory_space<hbm>> -> memref<16x1024xf32, #tpu.memory_space<hbm>>
    tpu.enqueue_dma source(%arg10 : memref<16x1024xf32, #tpu.memory_space<vmem>>) target(%dma_start3A_35 : memref<16x1024xf32, #tpu.memory_space<hbm>>) target_semaphore(%arg17 : memref<!tpu.dma_semaphore, #tpu.memory_space<semaphore_mem>>)
    %dma_start3A_36 = arith.constant 64 : i32
    %dma_start3A_37 = tpu.memref_slice %arg5[%dma_start3A_36] : memref<256xi32, #tpu.memory_space<vmem>> -> memref<16xi32, #tpu.memory_space<vmem>>
    %dma_start3A_38 = arith.constant 0 : i32
    %dma_start3A_39 = arith.constant 0 : i32
    %dma_start3A_40 = tpu.memref_slice %arg3[%dma_start3A_38, %dma_start3A_39] : memref<100000x1024xf32, #tpu.memory_space<hbm>> -> memref<100000x1024xf32, #tpu.memory_space<hbm>>
    tpu.enqueue_indirect_dma source(%dma_start3A_40 : memref<100000x1024xf32, #tpu.memory_space<hbm>>) target(%arg6 : memref<16x1024xf32, #tpu.memory_space<vmem>>) offsets(%dma_start3A_37 : memref<16xi32, #tpu.memory_space<vmem>>) semaphore(%arg13 : memref<!tpu.dma_semaphore, #tpu.memory_space<semaphore_mem>>)
    %dma_wait3A_41 = arith.constant 16 : i32
    %dma_wait3A_42 = tpu.memref_slice %arg5[%dma_wait3A_41] : memref<256xi32, #tpu.memory_space<vmem>> -> memref<16xi32, #tpu.memory_space<vmem>>
    %dma_wait3A_43 = arith.constant 0 : i32
    %dma_wait3A_44 = arith.constant 0 : i32
    %dma_wait3A_45 = tpu.memref_slice %arg3[%dma_wait3A_43, %dma_wait3A_44] : memref<100000x1024xf32, #tpu.memory_space<hbm>> -> memref<100000x1024xf32, #tpu.memory_space<hbm>>
    tpu.wait_indirect_dma semaphore(%arg14 : memref<!tpu.dma_semaphore, #tpu.memory_space<semaphore_mem>>) src(%dma_wait3A_45 : memref<100000x1024xf32, #tpu.memory_space<hbm>>) dst(%arg7 : memref<16x1024xf32, #tpu.memory_space<vmem>>)
    %parallel_loop3A_46 = arith.constant 0 : i32
    %parallel_loop3A_47 = arith.constant 1024 : i32
    %parallel_loop3A_48 = arith.constant 1 : i32
    scf.for %parallel_loop3A_370 = %parallel_loop3A_46 to %parallel_loop3A_47 step %parallel_loop3A_48  : i32 {
      %parallel_loop3A_371 = arith.constant 64 : i32
      %parallel_loop3A_372 = arith.divsi %parallel_loop3A_370, %parallel_loop3A_371 : i32
      %parallel_loop3A_373 = arith.constant 0 : i32
      %parallel_loop3A_374 = arith.cmpi sgt, %parallel_loop3A_370, %parallel_loop3A_373 : i32
      %parallel_loop3A_375 = arith.extui %parallel_loop3A_374 : i1 to i32
      %parallel_loop3A_376 = arith.constant 0 : i32
      %parallel_loop3A_377 = arith.cmpi slt, %parallel_loop3A_370, %parallel_loop3A_376 : i32
      %parallel_loop3A_378 = arith.extui %parallel_loop3A_377 : i1 to i32
      %parallel_loop3A_379 = arith.subi %parallel_loop3A_375, %parallel_loop3A_378 : i32
      %parallel_loop3A_380 = arith.constant 0 : i32
      %parallel_loop3A_381 = arith.cmpi sgt, %parallel_loop3A_371, %parallel_loop3A_380 : i32
      %parallel_loop3A_382 = arith.extui %parallel_loop3A_381 : i1 to i32
      %parallel_loop3A_383 = arith.constant 0 : i32
      %parallel_loop3A_384 = arith.cmpi slt, %parallel_loop3A_371, %parallel_loop3A_383 : i32
      %parallel_loop3A_385 = arith.extui %parallel_loop3A_384 : i1 to i32
      %parallel_loop3A_386 = arith.subi %parallel_loop3A_382, %parallel_loop3A_385 : i32
      %parallel_loop3A_387 = arith.cmpi ne, %parallel_loop3A_379, %parallel_loop3A_386 : i32
      %parallel_loop3A_388 = arith.remsi %parallel_loop3A_370, %parallel_loop3A_371 : i32
      %parallel_loop3A_389 = arith.constant 0 : i32
      %parallel_loop3A_390 = arith.cmpi ne, %parallel_loop3A_388, %parallel_loop3A_389 : i32
      %parallel_loop3A_391 = arith.andi %parallel_loop3A_387, %parallel_loop3A_390 : i1
      %parallel_loop3A_392 = arith.constant 1 : i32
      %parallel_loop3A_393 = arith.subi %parallel_loop3A_372, %parallel_loop3A_392 : i32
      %parallel_loop3A_394 = arith.select %parallel_loop3A_391, %parallel_loop3A_393, %parallel_loop3A_372 : i32
      %parallel_loop3A_395 = arith.constant 64 : i32
      %parallel_loop3A_396 = arith.constant 0 : i32
      %parallel_loop3A_397 = arith.cmpi eq, %parallel_loop3A_395, %parallel_loop3A_396 : i32
      %parallel_loop3A_398 = arith.constant 1 : i32
      %parallel_loop3A_399 = arith.select %parallel_loop3A_397, %parallel_loop3A_398, %parallel_loop3A_395 : i32
      %parallel_loop3A_400 = arith.remsi %parallel_loop3A_370, %parallel_loop3A_399 : i32
      %parallel_loop3A_401 = arith.constant 0 : i32
      %parallel_loop3A_402 = arith.cmpi ne, %parallel_loop3A_400, %parallel_loop3A_401 : i32
      %parallel_loop3A_403 = arith.constant 0 : i32
      %parallel_loop3A_404 = arith.cmpi slt, %parallel_loop3A_400, %parallel_loop3A_403 : i32
      %parallel_loop3A_405 = arith.constant 0 : i32
      %parallel_loop3A_406 = arith.cmpi slt, %parallel_loop3A_399, %parallel_loop3A_405 : i32
      %parallel_loop3A_407 = arith.xori %parallel_loop3A_404, %parallel_loop3A_406 : i1
      %parallel_loop3A_408 = arith.andi %parallel_loop3A_407, %parallel_loop3A_402 : i1
      %parallel_loop3A_409 = arith.addi %parallel_loop3A_400, %parallel_loop3A_399 : i32
      %parallel_loop3A_410 = arith.select %parallel_loop3A_408, %parallel_loop3A_409, %parallel_loop3A_400 : i32
      %parallel_loop3A_411 = arith.constant 16 : i32
      %parallel_loop3A_412 = arith.muli %parallel_loop3A_410, %parallel_loop3A_411 : i32
      %parallel_loop3A_413 = arith.constant 0 : i32
      %parallel_loop3A_414 = arith.addi %parallel_loop3A_413, %parallel_loop3A_394 : i32
      %parallel_loop3A_415 = arith.index_cast %parallel_loop3A_414 : i32 to index
      %parallel_loop3A_416 = arith.index_cast %parallel_loop3A_412 : i32 to index
      %parallel_loop3A_417 = tpu.vector_load %arg7[%parallel_loop3A_415, %parallel_loop3A_416] {strides = array<i32>} : memref<16x1024xf32, #tpu.memory_space<vmem>>, vector<1x16xf32>,
      %parallel_loop3A_418 = vector.shape_cast %parallel_loop3A_417 : vector<1x16xf32> to vector<16xf32>
      %parallel_loop3A_419 = arith.constant 3.200000e+01 : f32
      %parallel_loop3A_420 = vector.broadcast %parallel_loop3A_419 : f32 to vector<16xf32>
      %parallel_loop3A_421 = arith.mulf %parallel_loop3A_418, %parallel_loop3A_420 : vector<16xf32>
      %parallel_loop3A_422 = arith.index_cast %parallel_loop3A_394 : i32 to index
      %parallel_loop3A_423 = arith.index_cast %parallel_loop3A_412 : i32 to index
      %parallel_loop3A_424 = tpu.vector_load %arg11[%parallel_loop3A_422, %parallel_loop3A_423] {strides = array<i32>} : memref<16x1024xf32, #tpu.memory_space<vmem>>, vector<1x16xf32>,
      %parallel_loop3A_425 = vector.shape_cast %parallel_loop3A_424 : vector<1x16xf32> to vector<16xf32>
      %parallel_loop3A_426 = vector.shape_cast %parallel_loop3A_421 : vector<16xf32> to vector<1x16xf32>
      tpu.vector_store %arg11[%parallel_loop3A_422, %parallel_loop3A_423], %parallel_loop3A_426 {strides = array<i32>} : memref<16x1024xf32, #tpu.memory_space<vmem>>, vector<1x16xf32>,
    } {sc.loop_unroll_factor = 8 : i64, sc.parallel_access}
    %add3A_49 = arith.constant 16 : i32
    %add3A_50 = arith.addi %mul3A_2, %add3A_49 : i32
    %dma_start3A_51 = arith.constant 0 : i32
    %dma_start3A_52 = tpu.memref_slice %arg4[%add3A_50, %dma_start3A_51] : memref<8192x1024xf32, #tpu.memory_space<hbm>> -> memref<16x1024xf32, #tpu.memory_space<hbm>>
    %dma_start3A_53 = arith.constant 0 : i32
    %dma_start3A_54 = tpu.memref_slice %arg4[%add3A_50, %dma_start3A_53] : memref<8192x1024xf32, #tpu.memory_space<hbm>> -> memref<16x1024xf32, #tpu.memory_space<hbm>>
    tpu.enqueue_dma source(%arg11 : memref<16x1024xf32, #tpu.memory_space<vmem>>) target(%dma_start3A_54 : memref<16x1024xf32, #tpu.memory_space<hbm>>) target_semaphore(%arg18 : memref<!tpu.dma_semaphore, #tpu.memory_space<semaphore_mem>>)
    %dma_start3A_55 = arith.constant 80 : i32
    %dma_start3A_56 = tpu.memref_slice %arg5[%dma_start3A_55] : memref<256xi32, #tpu.memory_space<vmem>> -> memref<16xi32, #tpu.memory_space<vmem>>
    %dma_start3A_57 = arith.constant 0 : i32
    %dma_start3A_58 = arith.constant 0 : i32
    %dma_start3A_59 = tpu.memref_slice %arg3[%dma_start3A_57, %dma_start3A_58] : memref<100000x1024xf32, #tpu.memory_space<hbm>> -> memref<100000x1024xf32, #tpu.memory_space<hbm>>
    tpu.enqueue_indirect_dma source(%dma_start3A_59 : memref<100000x1024xf32, #tpu.memory_space<hbm>>) target(%arg7 : memref<16x1024xf32, #tpu.memory_space<vmem>>) offsets(%dma_start3A_56 : memref<16xi32, #tpu.memory_space<vmem>>) semaphore(%arg14 : memref<!tpu.dma_semaphore, #tpu.memory_space<semaphore_mem>>)
    %dma_wait3A_60 = arith.constant 32 : i32
    %dma_wait3A_61 = tpu.memref_slice %arg5[%dma_wait3A_60] : memref<256xi32, #tpu.memory_space<vmem>> -> memref<16xi32, #tpu.memory_space<vmem>>
    %dma_wait3A_62 = arith.constant 0 : i32
    %dma_wait3A_63 = arith.constant 0 : i32
    %dma_wait3A_64 = tpu.memref_slice %arg3[%dma_wait3A_62, %dma_wait3A_63] : memref<100000x1024xf32, #tpu.memory_space<hbm>> -> memref<100000x1024xf32, #tpu.memory_space<hbm>>
    tpu.wait_indirect_dma semaphore(%arg15 : memref<!tpu.dma_semaphore, #tpu.memory_space<semaphore_mem>>) src(%dma_wait3A_64 : memref<100000x1024xf32, #tpu.memory_space<hbm>>) dst(%arg8 : memref<16x1024xf32, #tpu.memory_space<vmem>>)
    %parallel_loop3A_65 = arith.constant 0 : i32
    %parallel_loop3A_66 = arith.constant 1024 : i32
    %parallel_loop3A_67 = arith.constant 1 : i32
    scf.for %parallel_loop3A_370 = %parallel_loop3A_65 to %parallel_loop3A_66 step %parallel_loop3A_67  : i32 {
      %parallel_loop3A_371 = arith.constant 64 : i32
      %parallel_loop3A_372 = arith.divsi %parallel_loop3A_370, %parallel_loop3A_371 : i32
      %parallel_loop3A_373 = arith.constant 0 : i32
      %parallel_loop3A_374 = arith.cmpi sgt, %parallel_loop3A_370, %parallel_loop3A_373 : i32
      %parallel_loop3A_375 = arith.extui %parallel_loop3A_374 : i1 to i32
      %parallel_loop3A_376 = arith.constant 0 : i32
      %parallel_loop3A_377 = arith.cmpi slt, %parallel_loop3A_370, %parallel_loop3A_376 : i32
      %parallel_loop3A_378 = arith.extui %parallel_loop3A_377 : i1 to i32
      %parallel_loop3A_379 = arith.subi %parallel_loop3A_375, %parallel_loop3A_378 : i32
      %parallel_loop3A_380 = arith.constant 0 : i32
      %parallel_loop3A_381 = arith.cmpi sgt, %parallel_loop3A_371, %parallel_loop3A_380 : i32
      %parallel_loop3A_382 = arith.extui %parallel_loop3A_381 : i1 to i32
      %parallel_loop3A_383 = arith.constant 0 : i32
      %parallel_loop3A_384 = arith.cmpi slt, %parallel_loop3A_371, %parallel_loop3A_383 : i32
      %parallel_loop3A_385 = arith.extui %parallel_loop3A_384 : i1 to i32
      %parallel_loop3A_386 = arith.subi %parallel_loop3A_382, %parallel_loop3A_385 : i32
      %parallel_loop3A_387 = arith.cmpi ne, %parallel_loop3A_379, %parallel_loop3A_386 : i32
      %parallel_loop3A_388 = arith.remsi %parallel_loop3A_370, %parallel_loop3A_371 : i32
      %parallel_loop3A_389 = arith.constant 0 : i32
      %parallel_loop3A_390 = arith.cmpi ne, %parallel_loop3A_388, %parallel_loop3A_389 : i32
      %parallel_loop3A_391 = arith.andi %parallel_loop3A_387, %parallel_loop3A_390 : i1
      %parallel_loop3A_392 = arith.constant 1 : i32
      %parallel_loop3A_393 = arith.subi %parallel_loop3A_372, %parallel_loop3A_392 : i32
      %parallel_loop3A_394 = arith.select %parallel_loop3A_391, %parallel_loop3A_393, %parallel_loop3A_372 : i32
      %parallel_loop3A_395 = arith.constant 64 : i32
      %parallel_loop3A_396 = arith.constant 0 : i32
      %parallel_loop3A_397 = arith.cmpi eq, %parallel_loop3A_395, %parallel_loop3A_396 : i32
      %parallel_loop3A_398 = arith.constant 1 : i32
      %parallel_loop3A_399 = arith.select %parallel_loop3A_397, %parallel_loop3A_398, %parallel_loop3A_395 : i32
      %parallel_loop3A_400 = arith.remsi %parallel_loop3A_370, %parallel_loop3A_399 : i32
      %parallel_loop3A_401 = arith.constant 0 : i32
      %parallel_loop3A_402 = arith.cmpi ne, %parallel_loop3A_400, %parallel_loop3A_401 : i32
      %parallel_loop3A_403 = arith.constant 0 : i32
      %parallel_loop3A_404 = arith.cmpi slt, %parallel_loop3A_400, %parallel_loop3A_403 : i32
      %parallel_loop3A_405 = arith.constant 0 : i32
      %parallel_loop3A_406 = arith.cmpi slt, %parallel_loop3A_399, %parallel_loop3A_405 : i32
      %parallel_loop3A_407 = arith.xori %parallel_loop3A_404, %parallel_loop3A_406 : i1
      %parallel_loop3A_408 = arith.andi %parallel_loop3A_407, %parallel_loop3A_402 : i1
      %parallel_loop3A_409 = arith.addi %parallel_loop3A_400, %parallel_loop3A_399 : i32
      %parallel_loop3A_410 = arith.select %parallel_loop3A_408, %parallel_loop3A_409, %parallel_loop3A_400 : i32
      %parallel_loop3A_411 = arith.constant 16 : i32
      %parallel_loop3A_412 = arith.muli %parallel_loop3A_410, %parallel_loop3A_411 : i32
      %parallel_loop3A_413 = arith.constant 0 : i32
      %parallel_loop3A_414 = arith.addi %parallel_loop3A_413, %parallel_loop3A_394 : i32
      %parallel_loop3A_415 = arith.index_cast %parallel_loop3A_414 : i32 to index
      %parallel_loop3A_416 = arith.index_cast %parallel_loop3A_412 : i32 to index
      %parallel_loop3A_417 = tpu.vector_load %arg8[%parallel_loop3A_415, %parallel_loop3A_416] {strides = array<i32>} : memref<16x1024xf32, #tpu.memory_space<vmem>>, vector<1x16xf32>,
      %parallel_loop3A_418 = vector.shape_cast %parallel_loop3A_417 : vector<1x16xf32> to vector<16xf32>
      %parallel_loop3A_419 = arith.constant 3.200000e+01 : f32
      %parallel_loop3A_420 = vector.broadcast %parallel_loop3A_419 : f32 to vector<16xf32>
      %parallel_loop3A_421 = arith.mulf %parallel_loop3A_418, %parallel_loop3A_420 : vector<16xf32>
      %parallel_loop3A_422 = arith.index_cast %parallel_loop3A_394 : i32 to index
      %parallel_loop3A_423 = arith.index_cast %parallel_loop3A_412 : i32 to index
      %parallel_loop3A_424 = tpu.vector_load %arg12[%parallel_loop3A_422, %parallel_loop3A_423] {strides = array<i32>} : memref<16x1024xf32, #tpu.memory_space<vmem>>, vector<1x16xf32>,
      %parallel_loop3A_425 = vector.shape_cast %parallel_loop3A_424 : vector<1x16xf32> to vector<16xf32>
      %parallel_loop3A_426 = vector.shape_cast %parallel_loop3A_421 : vector<16xf32> to vector<1x16xf32>
      tpu.vector_store %arg12[%parallel_loop3A_422, %parallel_loop3A_423], %parallel_loop3A_426 {strides = array<i32>} : memref<16x1024xf32, #tpu.memory_space<vmem>>, vector<1x16xf32>,
    } {sc.loop_unroll_factor = 8 : i64, sc.parallel_access}
    %add3A_68 = arith.constant 32 : i32
    %add3A_69 = arith.addi %mul3A_2, %add3A_68 : i32
    %dma_start3A_70 = arith.constant 0 : i32
    %dma_start3A_71 = tpu.memref_slice %arg4[%add3A_69, %dma_start3A_70] : memref<8192x1024xf32, #tpu.memory_space<hbm>> -> memref<16x1024xf32, #tpu.memory_space<hbm>>
    %dma_start3A_72 = arith.constant 0 : i32
    %dma_start3A_73 = tpu.memref_slice %arg4[%add3A_69, %dma_start3A_72] : memref<8192x1024xf32, #tpu.memory_space<hbm>> -> memref<16x1024xf32, #tpu.memory_space<hbm>>
    tpu.enqueue_dma source(%arg12 : memref<16x1024xf32, #tpu.memory_space<vmem>>) target(%dma_start3A_73 : memref<16x1024xf32, #tpu.memory_space<hbm>>) target_semaphore(%arg19 : memref<!tpu.dma_semaphore, #tpu.memory_space<semaphore_mem>>)
    %dma_start3A_74 = arith.constant 96 : i32
    %dma_start3A_75 = tpu.memref_slice %arg5[%dma_start3A_74] : memref<256xi32, #tpu.memory_space<vmem>> -> memref<16xi32, #tpu.memory_space<vmem>>
    %dma_start3A_76 = arith.constant 0 : i32
    %dma_start3A_77 = arith.constant 0 : i32
    %dma_start3A_78 = tpu.memref_slice %arg3[%dma_start3A_76, %dma_start3A_77] : memref<100000x1024xf32, #tpu.memory_space<hbm>> -> memref<100000x1024xf32, #tpu.memory_space<hbm>>
    tpu.enqueue_indirect_dma source(%dma_start3A_78 : memref<100000x1024xf32, #tpu.memory_space<hbm>>) target(%arg8 : memref<16x1024xf32, #tpu.memory_space<vmem>>) offsets(%dma_start3A_75 : memref<16xi32, #tpu.memory_space<vmem>>) semaphore(%arg15 : memref<!tpu.dma_semaphore, #tpu.memory_space<semaphore_mem>>)
    %dma_wait3A_79 = arith.constant 48 : i32
    %dma_wait3A_80 = tpu.memref_slice %arg5[%dma_wait3A_79] : memref<256xi32, #tpu.memory_space<vmem>> -> memref<16xi32, #tpu.memory_space<vmem>>
    %dma_wait3A_81 = arith.constant 0 : i32
    %dma_wait3A_82 = arith.constant 0 : i32
    %dma_wait3A_83 = tpu.memref_slice %arg3[%dma_wait3A_81, %dma_wait3A_82] : memref<100000x1024xf32, #tpu.memory_space<hbm>> -> memref<100000x1024xf32, #tpu.memory_space<hbm>>
    tpu.wait_indirect_dma semaphore(%arg16 : memref<!tpu.dma_semaphore, #tpu.memory_space<semaphore_mem>>) src(%dma_wait3A_83 : memref<100000x1024xf32, #tpu.memory_space<hbm>>) dst(%arg9 : memref<16x1024xf32, #tpu.memory_space<vmem>>)
    %dma_wait3A_84 = arith.constant 0 : i32
    %dma_wait3A_85 = tpu.memref_slice %arg4[%add3A_31, %dma_wait3A_84] : memref<8192x1024xf32, #tpu.memory_space<hbm>> -> memref<16x1024xf32, #tpu.memory_space<hbm>>
    %dma_wait3A_86 = arith.constant 0 : i32
    %dma_wait3A_87 = tpu.memref_slice %arg4[%add3A_31, %dma_wait3A_86] : memref<8192x1024xf32, #tpu.memory_space<hbm>> -> memref<16x1024xf32, #tpu.memory_space<hbm>>
    tpu.wait_dma2 semaphore(%arg17 : memref<!tpu.dma_semaphore, #tpu.memory_space<semaphore_mem>>) src(%arg10 : memref<16x1024xf32, #tpu.memory_space<vmem>>) dst(%dma_wait3A_87 : memref<16x1024xf32, #tpu.memory_space<hbm>>)
    %parallel_loop3A_88 = arith.constant 0 : i32
    %parallel_loop3A_89 = arith.constant 1024 : i32
    %parallel_loop3A_90 = arith.constant 1 : i32
    scf.for %parallel_loop3A_370 = %parallel_loop3A_88 to %parallel_loop3A_89 step %parallel_loop3A_90  : i32 {
      %parallel_loop3A_371 = arith.constant 64 : i32
      %parallel_loop3A_372 = arith.divsi %parallel_loop3A_370, %parallel_loop3A_371 : i32
      %parallel_loop3A_373 = arith.constant 0 : i32
      %parallel_loop3A_374 = arith.cmpi sgt, %parallel_loop3A_370, %parallel_loop3A_373 : i32
      %parallel_loop3A_375 = arith.extui %parallel_loop3A_374 : i1 to i32
      %parallel_loop3A_376 = arith.constant 0 : i32
      %parallel_loop3A_377 = arith.cmpi slt, %parallel_loop3A_370, %parallel_loop3A_376 : i32
      %parallel_loop3A_378 = arith.extui %parallel_loop3A_377 : i1 to i32
      %parallel_loop3A_379 = arith.subi %parallel_loop3A_375, %parallel_loop3A_378 : i32
      %parallel_loop3A_380 = arith.constant 0 : i32
      %parallel_loop3A_381 = arith.cmpi sgt, %parallel_loop3A_371, %parallel_loop3A_380 : i32
      %parallel_loop3A_382 = arith.extui %parallel_loop3A_381 : i1 to i32
      %parallel_loop3A_383 = arith.constant 0 : i32
      %parallel_loop3A_384 = arith.cmpi slt, %parallel_loop3A_371, %parallel_loop3A_383 : i32
      %parallel_loop3A_385 = arith.extui %parallel_loop3A_384 : i1 to i32
      %parallel_loop3A_386 = arith.subi %parallel_loop3A_382, %parallel_loop3A_385 : i32
      %parallel_loop3A_387 = arith.cmpi ne, %parallel_loop3A_379, %parallel_loop3A_386 : i32
      %parallel_loop3A_388 = arith.remsi %parallel_loop3A_370, %parallel_loop3A_371 : i32
      %parallel_loop3A_389 = arith.constant 0 : i32
      %parallel_loop3A_390 = arith.cmpi ne, %parallel_loop3A_388, %parallel_loop3A_389 : i32
      %parallel_loop3A_391 = arith.andi %parallel_loop3A_387, %parallel_loop3A_390 : i1
      %parallel_loop3A_392 = arith.constant 1 : i32
      %parallel_loop3A_393 = arith.subi %parallel_loop3A_372, %parallel_loop3A_392 : i32
      %parallel_loop3A_394 = arith.select %parallel_loop3A_391, %parallel_loop3A_393, %parallel_loop3A_372 : i32
      %parallel_loop3A_395 = arith.constant 64 : i32
      %parallel_loop3A_396 = arith.constant 0 : i32
      %parallel_loop3A_397 = arith.cmpi eq, %parallel_loop3A_395, %parallel_loop3A_396 : i32
      %parallel_loop3A_398 = arith.constant 1 : i32
      %parallel_loop3A_399 = arith.select %parallel_loop3A_397, %parallel_loop3A_398, %parallel_loop3A_395 : i32
      %parallel_loop3A_400 = arith.remsi %parallel_loop3A_370, %parallel_loop3A_399 : i32
      %parallel_loop3A_401 = arith.constant 0 : i32
      %parallel_loop3A_402 = arith.cmpi ne, %parallel_loop3A_400, %parallel_loop3A_401 : i32
      %parallel_loop3A_403 = arith.constant 0 : i32
      %parallel_loop3A_404 = arith.cmpi slt, %parallel_loop3A_400, %parallel_loop3A_403 : i32
      %parallel_loop3A_405 = arith.constant 0 : i32
      %parallel_loop3A_406 = arith.cmpi slt, %parallel_loop3A_399, %parallel_loop3A_405 : i32
      %parallel_loop3A_407 = arith.xori %parallel_loop3A_404, %parallel_loop3A_406 : i1
      %parallel_loop3A_408 = arith.andi %parallel_loop3A_407, %parallel_loop3A_402 : i1
      %parallel_loop3A_409 = arith.addi %parallel_loop3A_400, %parallel_loop3A_399 : i32
      %parallel_loop3A_410 = arith.select %parallel_loop3A_408, %parallel_loop3A_409, %parallel_loop3A_400 : i32
      %parallel_loop3A_411 = arith.constant 16 : i32
      %parallel_loop3A_412 = arith.muli %parallel_loop3A_410, %parallel_loop3A_411 : i32
      %parallel_loop3A_413 = arith.constant 0 : i32
      %parallel_loop3A_414 = arith.addi %parallel_loop3A_413, %parallel_loop3A_394 : i32
      %parallel_loop3A_415 = arith.index_cast %parallel_loop3A_414 : i32 to index
      %parallel_loop3A_416 = arith.index_cast %parallel_loop3A_412 : i32 to index
      %parallel_loop3A_417 = tpu.vector_load %arg9[%parallel_loop3A_415, %parallel_loop3A_416] {strides = array<i32>} : memref<16x1024xf32, #tpu.memory_space<vmem>>, vector<1x16xf32>,
      %parallel_loop3A_418 = vector.shape_cast %parallel_loop3A_417 : vector<1x16xf32> to vector<16xf32>
      %parallel_loop3A_419 = arith.constant 3.200000e+01 : f32
      %parallel_loop3A_420 = vector.broadcast %parallel_loop3A_419 : f32 to vector<16xf32>
      %parallel_loop3A_421 = arith.mulf %parallel_loop3A_418, %parallel_loop3A_420 : vector<16xf32>
      %parallel_loop3A_422 = arith.index_cast %parallel_loop3A_394 : i32 to index
      %parallel_loop3A_423 = arith.index_cast %parallel_loop3A_412 : i32 to index
      %parallel_loop3A_424 = tpu.vector_load %arg10[%parallel_loop3A_422, %parallel_loop3A_423] {strides = array<i32>} : memref<16x1024xf32, #tpu.memory_space<vmem>>, vector<1x16xf32>,
      %parallel_loop3A_425 = vector.shape_cast %parallel_loop3A_424 : vector<1x16xf32> to vector<16xf32>
      %parallel_loop3A_426 = vector.shape_cast %parallel_loop3A_421 : vector<16xf32> to vector<1x16xf32>
      tpu.vector_store %arg10[%parallel_loop3A_422, %parallel_loop3A_423], %parallel_loop3A_426 {strides = array<i32>} : memref<16x1024xf32, #tpu.memory_space<vmem>>, vector<1x16xf32>,
    } {sc.loop_unroll_factor = 8 : i64, sc.parallel_access}
    %add3A_91 = arith.constant 48 : i32
    %add3A_92 = arith.addi %mul3A_2, %add3A_91 : i32
    %dma_start3A_93 = arith.constant 0 : i32
    %dma_start3A_94 = tpu.memref_slice %arg4[%add3A_92, %dma_start3A_93] : memref<8192x1024xf32, #tpu.memory_space<hbm>> -> memref<16x1024xf32, #tpu.memory_space<hbm>>
    %dma_start3A_95 = arith.constant 0 : i32
    %dma_start3A_96 = tpu.memref_slice %arg4[%add3A_92, %dma_start3A_95] : memref<8192x1024xf32, #tpu.memory_space<hbm>> -> memref<16x1024xf32, #tpu.memory_space<hbm>>
    tpu.enqueue_dma source(%arg10 : memref<16x1024xf32, #tpu.memory_space<vmem>>) target(%dma_start3A_96 : memref<16x1024xf32, #tpu.memory_space<hbm>>) target_semaphore(%arg17 : memref<!tpu.dma_semaphore, #tpu.memory_space<semaphore_mem>>)
    %dma_start3A_97 = arith.constant 112 : i32
    %dma_start3A_98 = tpu.memref_slice %arg5[%dma_start3A_97] : memref<256xi32, #tpu.memory_space<vmem>> -> memref<16xi32, #tpu.memory_space<vmem>>
    %dma_start3A_99 = arith.constant 0 : i32
    %dma_start3A_100 = arith.constant 0 : i32
    %dma_start3A_101 = tpu.memref_slice %arg3[%dma_start3A_99, %dma_start3A_100] : memref<100000x1024xf32, #tpu.memory_space<hbm>> -> memref<100000x1024xf32, #tpu.memory_space<hbm>>
    tpu.enqueue_indirect_dma source(%dma_start3A_101 : memref<100000x1024xf32, #tpu.memory_space<hbm>>) target(%arg9 : memref<16x1024xf32, #tpu.memory_space<vmem>>) offsets(%dma_start3A_98 : memref<16xi32, #tpu.memory_space<vmem>>) semaphore(%arg16 : memref<!tpu.dma_semaphore, #tpu.memory_space<semaphore_mem>>)
    %dma_wait3A_102 = arith.constant 64 : i32
    %dma_wait3A_103 = tpu.memref_slice %arg5[%dma_wait3A_102] : memref<256xi32, #tpu.memory_space<vmem>> -> memref<16xi32, #tpu.memory_space<vmem>>
    %dma_wait3A_104 = arith.constant 0 : i32
    %dma_wait3A_105 = arith.constant 0 : i32
    %dma_wait3A_106 = tpu.memref_slice %arg3[%dma_wait3A_104, %dma_wait3A_105] : memref<100000x1024xf32, #tpu.memory_space<hbm>> -> memref<100000x1024xf32, #tpu.memory_space<hbm>>
    tpu.wait_indirect_dma semaphore(%arg13 : memref<!tpu.dma_semaphore, #tpu.memory_space<semaphore_mem>>) src(%dma_wait3A_106 : memref<100000x1024xf32, #tpu.memory_space<hbm>>) dst(%arg6 : memref<16x1024xf32, #tpu.memory_space<vmem>>)
    %dma_wait3A_107 = arith.constant 0 : i32
    %dma_wait3A_108 = tpu.memref_slice %arg4[%add3A_50, %dma_wait3A_107] : memref<8192x1024xf32, #tpu.memory_space<hbm>> -> memref<16x1024xf32, #tpu.memory_space<hbm>>
    %dma_wait3A_109 = arith.constant 0 : i32
    %dma_wait3A_110 = tpu.memref_slice %arg4[%add3A_50, %dma_wait3A_109] : memref<8192x1024xf32, #tpu.memory_space<hbm>> -> memref<16x1024xf32, #tpu.memory_space<hbm>>
    tpu.wait_dma2 semaphore(%arg18 : memref<!tpu.dma_semaphore, #tpu.memory_space<semaphore_mem>>) src(%arg11 : memref<16x1024xf32, #tpu.memory_space<vmem>>) dst(%dma_wait3A_110 : memref<16x1024xf32, #tpu.memory_space<hbm>>)
    %parallel_loop3A_111 = arith.constant 0 : i32
    %parallel_loop3A_112 = arith.constant 1024 : i32
    %parallel_loop3A_113 = arith.constant 1 : i32
    scf.for %parallel_loop3A_370 = %parallel_loop3A_111 to %parallel_loop3A_112 step %parallel_loop3A_113  : i32 {
      %parallel_loop3A_371 = arith.constant 64 : i32
      %parallel_loop3A_372 = arith.divsi %parallel_loop3A_370, %parallel_loop3A_371 : i32
      %parallel_loop3A_373 = arith.constant 0 : i32
      %parallel_loop3A_374 = arith.cmpi sgt, %parallel_loop3A_370, %parallel_loop3A_373 : i32
      %parallel_loop3A_375 = arith.extui %parallel_loop3A_374 : i1 to i32
      %parallel_loop3A_376 = arith.constant 0 : i32
      %parallel_loop3A_377 = arith.cmpi slt, %parallel_loop3A_370, %parallel_loop3A_376 : i32
      %parallel_loop3A_378 = arith.extui %parallel_loop3A_377 : i1 to i32
      %parallel_loop3A_379 = arith.subi %parallel_loop3A_375, %parallel_loop3A_378 : i32
      %parallel_loop3A_380 = arith.constant 0 : i32
      %parallel_loop3A_381 = arith.cmpi sgt, %parallel_loop3A_371, %parallel_loop3A_380 : i32
      %parallel_loop3A_382 = arith.extui %parallel_loop3A_381 : i1 to i32
      %parallel_loop3A_383 = arith.constant 0 : i32
      %parallel_loop3A_384 = arith.cmpi slt, %parallel_loop3A_371, %parallel_loop3A_383 : i32
      %parallel_loop3A_385 = arith.extui %parallel_loop3A_384 : i1 to i32
      %parallel_loop3A_386 = arith.subi %parallel_loop3A_382, %parallel_loop3A_385 : i32
      %parallel_loop3A_387 = arith.cmpi ne, %parallel_loop3A_379, %parallel_loop3A_386 : i32
      %parallel_loop3A_388 = arith.remsi %parallel_loop3A_370, %parallel_loop3A_371 : i32
      %parallel_loop3A_389 = arith.constant 0 : i32
      %parallel_loop3A_390 = arith.cmpi ne, %parallel_loop3A_388, %parallel_loop3A_389 : i32
      %parallel_loop3A_391 = arith.andi %parallel_loop3A_387, %parallel_loop3A_390 : i1
      %parallel_loop3A_392 = arith.constant 1 : i32
      %parallel_loop3A_393 = arith.subi %parallel_loop3A_372, %parallel_loop3A_392 : i32
      %parallel_loop3A_394 = arith.select %parallel_loop3A_391, %parallel_loop3A_393, %parallel_loop3A_372 : i32
      %parallel_loop3A_395 = arith.constant 64 : i32
      %parallel_loop3A_396 = arith.constant 0 : i32
      %parallel_loop3A_397 = arith.cmpi eq, %parallel_loop3A_395, %parallel_loop3A_396 : i32
      %parallel_loop3A_398 = arith.constant 1 : i32
      %parallel_loop3A_399 = arith.select %parallel_loop3A_397, %parallel_loop3A_398, %parallel_loop3A_395 : i32
      %parallel_loop3A_400 = arith.remsi %parallel_loop3A_370, %parallel_loop3A_399 : i32
      %parallel_loop3A_401 = arith.constant 0 : i32
      %parallel_loop3A_402 = arith.cmpi ne, %parallel_loop3A_400, %parallel_loop3A_401 : i32
      %parallel_loop3A_403 = arith.constant 0 : i32
      %parallel_loop3A_404 = arith.cmpi slt, %parallel_loop3A_400, %parallel_loop3A_403 : i32
      %parallel_loop3A_405 = arith.constant 0 : i32
      %parallel_loop3A_406 = arith.cmpi slt, %parallel_loop3A_399, %parallel_loop3A_405 : i32
      %parallel_loop3A_407 = arith.xori %parallel_loop3A_404, %parallel_loop3A_406 : i1
      %parallel_loop3A_408 = arith.andi %parallel_loop3A_407, %parallel_loop3A_402 : i1
      %parallel_loop3A_409 = arith.addi %parallel_loop3A_400, %parallel_loop3A_399 : i32
      %parallel_loop3A_410 = arith.select %parallel_loop3A_408, %parallel_loop3A_409, %parallel_loop3A_400 : i32
      %parallel_loop3A_411 = arith.constant 16 : i32
      %parallel_loop3A_412 = arith.muli %parallel_loop3A_410, %parallel_loop3A_411 : i32
      %parallel_loop3A_413 = arith.constant 0 : i32
      %parallel_loop3A_414 = arith.addi %parallel_loop3A_413, %parallel_loop3A_394 : i32
      %parallel_loop3A_415 = arith.index_cast %parallel_loop3A_414 : i32 to index
      %parallel_loop3A_416 = arith.index_cast %parallel_loop3A_412 : i32 to index
      %parallel_loop3A_417 = tpu.vector_load %arg6[%parallel_loop3A_415, %parallel_loop3A_416] {strides = array<i32>} : memref<16x1024xf32, #tpu.memory_space<vmem>>, vector<1x16xf32>,
      %parallel_loop3A_418 = vector.shape_cast %parallel_loop3A_417 : vector<1x16xf32> to vector<16xf32>
      %parallel_loop3A_419 = arith.constant 3.200000e+01 : f32
      %parallel_loop3A_420 = vector.broadcast %parallel_loop3A_419 : f32 to vector<16xf32>
      %parallel_loop3A_421 = arith.mulf %parallel_loop3A_418, %parallel_loop3A_420 : vector<16xf32>
      %parallel_loop3A_422 = arith.index_cast %parallel_loop3A_394 : i32 to index
      %parallel_loop3A_423 = arith.index_cast %parallel_loop3A_412 : i32 to index
      %parallel_loop3A_424 = tpu.vector_load %arg11[%parallel_loop3A_422, %parallel_loop3A_423] {strides = array<i32>} : memref<16x1024xf32, #tpu.memory_space<vmem>>, vector<1x16xf32>,
      %parallel_loop3A_425 = vector.shape_cast %parallel_loop3A_424 : vector<1x16xf32> to vector<16xf32>
      %parallel_loop3A_426 = vector.shape_cast %parallel_loop3A_421 : vector<16xf32> to vector<1x16xf32>
      tpu.vector_store %arg11[%parallel_loop3A_422, %parallel_loop3A_423], %parallel_loop3A_426 {strides = array<i32>} : memref<16x1024xf32, #tpu.memory_space<vmem>>, vector<1x16xf32>,
    } {sc.loop_unroll_factor = 8 : i64, sc.parallel_access}
    %add3A_114 = arith.constant 64 : i32
    %add3A_115 = arith.addi %mul3A_2, %add3A_114 : i32
    %dma_start3A_116 = arith.constant 0 : i32
    %dma_start3A_117 = tpu.memref_slice %arg4[%add3A_115, %dma_start3A_116] : memref<8192x1024xf32, #tpu.memory_space<hbm>> -> memref<16x1024xf32, #tpu.memory_space<hbm>>
    %dma_start3A_118 = arith.constant 0 : i32
    %dma_start3A_119 = tpu.memref_slice %arg4[%add3A_115, %dma_start3A_118] : memref<8192x1024xf32, #tpu.memory_space<hbm>> -> memref<16x1024xf32, #tpu.memory_space<hbm>>
    tpu.enqueue_dma source(%arg11 : memref<16x1024xf32, #tpu.memory_space<vmem>>) target(%dma_start3A_119 : memref<16x1024xf32, #tpu.memory_space<hbm>>) target_semaphore(%arg18 : memref<!tpu.dma_semaphore, #tpu.memory_space<semaphore_mem>>)
    %dma_start3A_120 = arith.constant 128 : i32
    %dma_start3A_121 = tpu.memref_slice %arg5[%dma_start3A_120] : memref<256xi32, #tpu.memory_space<vmem>> -> memref<16xi32, #tpu.memory_space<vmem>>
    %dma_start3A_122 = arith.constant 0 : i32
    %dma_start3A_123 = arith.constant 0 : i32
    %dma_start3A_124 = tpu.memref_slice %arg3[%dma_start3A_122, %dma_start3A_123] : memref<100000x1024xf32, #tpu.memory_space<hbm>> -> memref<100000x1024xf32, #tpu.memory_space<hbm>>
    tpu.enqueue_indirect_dma source(%dma_start3A_124 : memref<100000x1024xf32, #tpu.memory_space<hbm>>) target(%arg6 : memref<16x1024xf32, #tpu.memory_space<vmem>>) offsets(%dma_start3A_121 : memref<16xi32, #tpu.memory_space<vmem>>) semaphore(%arg13 : memref<!tpu.dma_semaphore, #tpu.memory_space<semaphore_mem>>)
    %dma_wait3A_125 = arith.constant 80 : i32
    %dma_wait3A_126 = tpu.memref_slice %arg5[%dma_wait3A_125] : memref<256xi32, #tpu.memory_space<vmem>> -> memref<16xi32, #tpu.memory_space<vmem>>
    %dma_wait3A_127 = arith.constant 0 : i32
    %dma_wait3A_128 = arith.constant 0 : i32
    %dma_wait3A_129 = tpu.memref_slice %arg3[%dma_wait3A_127, %dma_wait3A_128] : memref<100000x1024xf32, #tpu.memory_space<hbm>> -> memref<100000x1024xf32, #tpu.memory_space<hbm>>
    tpu.wait_indirect_dma semaphore(%arg14 : memref<!tpu.dma_semaphore, #tpu.memory_space<semaphore_mem>>) src(%dma_wait3A_129 : memref<100000x1024xf32, #tpu.memory_space<hbm>>) dst(%arg7 : memref<16x1024xf32, #tpu.memory_space<vmem>>)
    %dma_wait3A_130 = arith.constant 0 : i32
    %dma_wait3A_131 = tpu.memref_slice %arg4[%add3A_69, %dma_wait3A_130] : memref<8192x1024xf32, #tpu.memory_space<hbm>> -> memref<16x1024xf32, #tpu.memory_space<hbm>>
    %dma_wait3A_132 = arith.constant 0 : i32
    %dma_wait3A_133 = tpu.memref_slice %arg4[%add3A_69, %dma_wait3A_132] : memref<8192x1024xf32, #tpu.memory_space<hbm>> -> memref<16x1024xf32, #tpu.memory_space<hbm>>
    tpu.wait_dma2 semaphore(%arg19 : memref<!tpu.dma_semaphore, #tpu.memory_space<semaphore_mem>>) src(%arg12 : memref<16x1024xf32, #tpu.memory_space<vmem>>) dst(%dma_wait3A_133 : memref<16x1024xf32, #tpu.memory_space<hbm>>)
    %parallel_loop3A_134 = arith.constant 0 : i32
    %parallel_loop3A_135 = arith.constant 1024 : i32
    %parallel_loop3A_136 = arith.constant 1 : i32
    scf.for %parallel_loop3A_370 = %parallel_loop3A_134 to %parallel_loop3A_135 step %parallel_loop3A_136  : i32 {
      %parallel_loop3A_371 = arith.constant 64 : i32
      %parallel_loop3A_372 = arith.divsi %parallel_loop3A_370, %parallel_loop3A_371 : i32
      %parallel_loop3A_373 = arith.constant 0 : i32
      %parallel_loop3A_374 = arith.cmpi sgt, %parallel_loop3A_370, %parallel_loop3A_373 : i32
      %parallel_loop3A_375 = arith.extui %parallel_loop3A_374 : i1 to i32
      %parallel_loop3A_376 = arith.constant 0 : i32
      %parallel_loop3A_377 = arith.cmpi slt, %parallel_loop3A_370, %parallel_loop3A_376 : i32
      %parallel_loop3A_378 = arith.extui %parallel_loop3A_377 : i1 to i32
      %parallel_loop3A_379 = arith.subi %parallel_loop3A_375, %parallel_loop3A_378 : i32
      %parallel_loop3A_380 = arith.constant 0 : i32
      %parallel_loop3A_381 = arith.cmpi sgt, %parallel_loop3A_371, %parallel_loop3A_380 : i32
      %parallel_loop3A_382 = arith.extui %parallel_loop3A_381 : i1 to i32
      %parallel_loop3A_383 = arith.constant 0 : i32
      %parallel_loop3A_384 = arith.cmpi slt, %parallel_loop3A_371, %parallel_loop3A_383 : i32
      %parallel_loop3A_385 = arith.extui %parallel_loop3A_384 : i1 to i32
      %parallel_loop3A_386 = arith.subi %parallel_loop3A_382, %parallel_loop3A_385 : i32
      %parallel_loop3A_387 = arith.cmpi ne, %parallel_loop3A_379, %parallel_loop3A_386 : i32
      %parallel_loop3A_388 = arith.remsi %parallel_loop3A_370, %parallel_loop3A_371 : i32
      %parallel_loop3A_389 = arith.constant 0 : i32
      %parallel_loop3A_390 = arith.cmpi ne, %parallel_loop3A_388, %parallel_loop3A_389 : i32
      %parallel_loop3A_391 = arith.andi %parallel_loop3A_387, %parallel_loop3A_390 : i1
      %parallel_loop3A_392 = arith.constant 1 : i32
      %parallel_loop3A_393 = arith.subi %parallel_loop3A_372, %parallel_loop3A_392 : i32
      %parallel_loop3A_394 = arith.select %parallel_loop3A_391, %parallel_loop3A_393, %parallel_loop3A_372 : i32
      %parallel_loop3A_395 = arith.constant 64 : i32
      %parallel_loop3A_396 = arith.constant 0 : i32
      %parallel_loop3A_397 = arith.cmpi eq, %parallel_loop3A_395, %parallel_loop3A_396 : i32
      %parallel_loop3A_398 = arith.constant 1 : i32
      %parallel_loop3A_399 = arith.select %parallel_loop3A_397, %parallel_loop3A_398, %parallel_loop3A_395 : i32
      %parallel_loop3A_400 = arith.remsi %parallel_loop3A_370, %parallel_loop3A_399 : i32
      %parallel_loop3A_401 = arith.constant 0 : i32
      %parallel_loop3A_402 = arith.cmpi ne, %parallel_loop3A_400, %parallel_loop3A_401 : i32
      %parallel_loop3A_403 = arith.constant 0 : i32
      %parallel_loop3A_404 = arith.cmpi slt, %parallel_loop3A_400, %parallel_loop3A_403 : i32
      %parallel_loop3A_405 = arith.constant 0 : i32
      %parallel_loop3A_406 = arith.cmpi slt, %parallel_loop3A_399, %parallel_loop3A_405 : i32
      %parallel_loop3A_407 = arith.xori %parallel_loop3A_404, %parallel_loop3A_406 : i1
      %parallel_loop3A_408 = arith.andi %parallel_loop3A_407, %parallel_loop3A_402 : i1
      %parallel_loop3A_409 = arith.addi %parallel_loop3A_400, %parallel_loop3A_399 : i32
      %parallel_loop3A_410 = arith.select %parallel_loop3A_408, %parallel_loop3A_409, %parallel_loop3A_400 : i32
      %parallel_loop3A_411 = arith.constant 16 : i32
      %parallel_loop3A_412 = arith.muli %parallel_loop3A_410, %parallel_loop3A_411 : i32
      %parallel_loop3A_413 = arith.constant 0 : i32
      %parallel_loop3A_414 = arith.addi %parallel_loop3A_413, %parallel_loop3A_394 : i32
      %parallel_loop3A_415 = arith.index_cast %parallel_loop3A_414 : i32 to index
      %parallel_loop3A_416 = arith.index_cast %parallel_loop3A_412 : i32 to index
      %parallel_loop3A_417 = tpu.vector_load %arg7[%parallel_loop3A_415, %parallel_loop3A_416] {strides = array<i32>} : memref<16x1024xf32, #tpu.memory_space<vmem>>, vector<1x16xf32>,
      %parallel_loop3A_418 = vector.shape_cast %parallel_loop3A_417 : vector<1x16xf32> to vector<16xf32>
      %parallel_loop3A_419 = arith.constant 3.200000e+01 : f32
      %parallel_loop3A_420 = vector.broadcast %parallel_loop3A_419 : f32 to vector<16xf32>
      %parallel_loop3A_421 = arith.mulf %parallel_loop3A_418, %parallel_loop3A_420 : vector<16xf32>
      %parallel_loop3A_422 = arith.index_cast %parallel_loop3A_394 : i32 to index
      %parallel_loop3A_423 = arith.index_cast %parallel_loop3A_412 : i32 to index
      %parallel_loop3A_424 = tpu.vector_load %arg12[%parallel_loop3A_422, %parallel_loop3A_423] {strides = array<i32>} : memref<16x1024xf32, #tpu.memory_space<vmem>>, vector<1x16xf32>,
      %parallel_loop3A_425 = vector.shape_cast %parallel_loop3A_424 : vector<1x16xf32> to vector<16xf32>
      %parallel_loop3A_426 = vector.shape_cast %parallel_loop3A_421 : vector<16xf32> to vector<1x16xf32>
      tpu.vector_store %arg12[%parallel_loop3A_422, %parallel_loop3A_423], %parallel_loop3A_426 {strides = array<i32>} : memref<16x1024xf32, #tpu.memory_space<vmem>>, vector<1x16xf32>,
    } {sc.loop_unroll_factor = 8 : i64, sc.parallel_access}
    %add3A_137 = arith.constant 80 : i32
    %add3A_138 = arith.addi %mul3A_2, %add3A_137 : i32
    %dma_start3A_139 = arith.constant 0 : i32
    %dma_start3A_140 = tpu.memref_slice %arg4[%add3A_138, %dma_start3A_139] : memref<8192x1024xf32, #tpu.memory_space<hbm>> -> memref<16x1024xf32, #tpu.memory_space<hbm>>
    %dma_start3A_141 = arith.constant 0 : i32
    %dma_start3A_142 = tpu.memref_slice %arg4[%add3A_138, %dma_start3A_141] : memref<8192x1024xf32, #tpu.memory_space<hbm>> -> memref<16x1024xf32, #tpu.memory_space<hbm>>
    tpu.enqueue_dma source(%arg12 : memref<16x1024xf32, #tpu.memory_space<vmem>>) target(%dma_start3A_142 : memref<16x1024xf32, #tpu.memory_space<hbm>>) target_semaphore(%arg19 : memref<!tpu.dma_semaphore, #tpu.memory_space<semaphore_mem>>)
    %dma_start3A_143 = arith.constant 144 : i32
    %dma_start3A_144 = tpu.memref_slice %arg5[%dma_start3A_143] : memref<256xi32, #tpu.memory_space<vmem>> -> memref<16xi32, #tpu.memory_space<vmem>>
    %dma_start3A_145 = arith.constant 0 : i32
    %dma_start3A_146 = arith.constant 0 : i32
    %dma_start3A_147 = tpu.memref_slice %arg3[%dma_start3A_145, %dma_start3A_146] : memref<100000x1024xf32, #tpu.memory_space<hbm>> -> memref<100000x1024xf32, #tpu.memory_space<hbm>>
    tpu.enqueue_indirect_dma source(%dma_start3A_147 : memref<100000x1024xf32, #tpu.memory_space<hbm>>) target(%arg7 : memref<16x1024xf32, #tpu.memory_space<vmem>>) offsets(%dma_start3A_144 : memref<16xi32, #tpu.memory_space<vmem>>) semaphore(%arg14 : memref<!tpu.dma_semaphore, #tpu.memory_space<semaphore_mem>>)
    %dma_wait3A_148 = arith.constant 96 : i32
    %dma_wait3A_149 = tpu.memref_slice %arg5[%dma_wait3A_148] : memref<256xi32, #tpu.memory_space<vmem>> -> memref<16xi32, #tpu.memory_space<vmem>>
    %dma_wait3A_150 = arith.constant 0 : i32
    %dma_wait3A_151 = arith.constant 0 : i32
    %dma_wait3A_152 = tpu.memref_slice %arg3[%dma_wait3A_150, %dma_wait3A_151] : memref<100000x1024xf32, #tpu.memory_space<hbm>> -> memref<100000x1024xf32, #tpu.memory_space<hbm>>
    tpu.wait_indirect_dma semaphore(%arg15 : memref<!tpu.dma_semaphore, #tpu.memory_space<semaphore_mem>>) src(%dma_wait3A_152 : memref<100000x1024xf32, #tpu.memory_space<hbm>>) dst(%arg8 : memref<16x1024xf32, #tpu.memory_space<vmem>>)
    %dma_wait3A_153 = arith.constant 0 : i32
    %dma_wait3A_154 = tpu.memref_slice %arg4[%add3A_92, %dma_wait3A_153] : memref<8192x1024xf32, #tpu.memory_space<hbm>> -> memref<16x1024xf32, #tpu.memory_space<hbm>>
    %dma_wait3A_155 = arith.constant 0 : i32
    %dma_wait3A_156 = tpu.memref_slice %arg4[%add3A_92, %dma_wait3A_155] : memref<8192x1024xf32, #tpu.memory_space<hbm>> -> memref<16x1024xf32, #tpu.memory_space<hbm>>
    tpu.wait_dma2 semaphore(%arg17 : memref<!tpu.dma_semaphore, #tpu.memory_space<semaphore_mem>>) src(%arg10 : memref<16x1024xf32, #tpu.memory_space<vmem>>) dst(%dma_wait3A_156 : memref<16x1024xf32, #tpu.memory_space<hbm>>)
    %parallel_loop3A_157 = arith.constant 0 : i32
    %parallel_loop3A_158 = arith.constant 1024 : i32
    %parallel_loop3A_159 = arith.constant 1 : i32
    scf.for %parallel_loop3A_370 = %parallel_loop3A_157 to %parallel_loop3A_158 step %parallel_loop3A_159  : i32 {
      %parallel_loop3A_371 = arith.constant 64 : i32
      %parallel_loop3A_372 = arith.divsi %parallel_loop3A_370, %parallel_loop3A_371 : i32
      %parallel_loop3A_373 = arith.constant 0 : i32
      %parallel_loop3A_374 = arith.cmpi sgt, %parallel_loop3A_370, %parallel_loop3A_373 : i32
      %parallel_loop3A_375 = arith.extui %parallel_loop3A_374 : i1 to i32
      %parallel_loop3A_376 = arith.constant 0 : i32
      %parallel_loop3A_377 = arith.cmpi slt, %parallel_loop3A_370, %parallel_loop3A_376 : i32
      %parallel_loop3A_378 = arith.extui %parallel_loop3A_377 : i1 to i32
      %parallel_loop3A_379 = arith.subi %parallel_loop3A_375, %parallel_loop3A_378 : i32
      %parallel_loop3A_380 = arith.constant 0 : i32
      %parallel_loop3A_381 = arith.cmpi sgt, %parallel_loop3A_371, %parallel_loop3A_380 : i32
      %parallel_loop3A_382 = arith.extui %parallel_loop3A_381 : i1 to i32
      %parallel_loop3A_383 = arith.constant 0 : i32
      %parallel_loop3A_384 = arith.cmpi slt, %parallel_loop3A_371, %parallel_loop3A_383 : i32
      %parallel_loop3A_385 = arith.extui %parallel_loop3A_384 : i1 to i32
      %parallel_loop3A_386 = arith.subi %parallel_loop3A_382, %parallel_loop3A_385 : i32
      %parallel_loop3A_387 = arith.cmpi ne, %parallel_loop3A_379, %parallel_loop3A_386 : i32
      %parallel_loop3A_388 = arith.remsi %parallel_loop3A_370, %parallel_loop3A_371 : i32
      %parallel_loop3A_389 = arith.constant 0 : i32
      %parallel_loop3A_390 = arith.cmpi ne, %parallel_loop3A_388, %parallel_loop3A_389 : i32
      %parallel_loop3A_391 = arith.andi %parallel_loop3A_387, %parallel_loop3A_390 : i1
      %parallel_loop3A_392 = arith.constant 1 : i32
      %parallel_loop3A_393 = arith.subi %parallel_loop3A_372, %parallel_loop3A_392 : i32
      %parallel_loop3A_394 = arith.select %parallel_loop3A_391, %parallel_loop3A_393, %parallel_loop3A_372 : i32
      %parallel_loop3A_395 = arith.constant 64 : i32
      %parallel_loop3A_396 = arith.constant 0 : i32
      %parallel_loop3A_397 = arith.cmpi eq, %parallel_loop3A_395, %parallel_loop3A_396 : i32
      %parallel_loop3A_398 = arith.constant 1 : i32
      %parallel_loop3A_399 = arith.select %parallel_loop3A_397, %parallel_loop3A_398, %parallel_loop3A_395 : i32
      %parallel_loop3A_400 = arith.remsi %parallel_loop3A_370, %parallel_loop3A_399 : i32
      %parallel_loop3A_401 = arith.constant 0 : i32
      %parallel_loop3A_402 = arith.cmpi ne, %parallel_loop3A_400, %parallel_loop3A_401 : i32
      %parallel_loop3A_403 = arith.constant 0 : i32
      %parallel_loop3A_404 = arith.cmpi slt, %parallel_loop3A_400, %parallel_loop3A_403 : i32
      %parallel_loop3A_405 = arith.constant 0 : i32
      %parallel_loop3A_406 = arith.cmpi slt, %parallel_loop3A_399, %parallel_loop3A_405 : i32
      %parallel_loop3A_407 = arith.xori %parallel_loop3A_404, %parallel_loop3A_406 : i1
      %parallel_loop3A_408 = arith.andi %parallel_loop3A_407, %parallel_loop3A_402 : i1
      %parallel_loop3A_409 = arith.addi %parallel_loop3A_400, %parallel_loop3A_399 : i32
      %parallel_loop3A_410 = arith.select %parallel_loop3A_408, %parallel_loop3A_409, %parallel_loop3A_400 : i32
      %parallel_loop3A_411 = arith.constant 16 : i32
      %parallel_loop3A_412 = arith.muli %parallel_loop3A_410, %parallel_loop3A_411 : i32
      %parallel_loop3A_413 = arith.constant 0 : i32
      %parallel_loop3A_414 = arith.addi %parallel_loop3A_413, %parallel_loop3A_394 : i32
      %parallel_loop3A_415 = arith.index_cast %parallel_loop3A_414 : i32 to index
      %parallel_loop3A_416 = arith.index_cast %parallel_loop3A_412 : i32 to index
      %parallel_loop3A_417 = tpu.vector_load %arg8[%parallel_loop3A_415, %parallel_loop3A_416] {strides = array<i32>} : memref<16x1024xf32, #tpu.memory_space<vmem>>, vector<1x16xf32>,
      %parallel_loop3A_418 = vector.shape_cast %parallel_loop3A_417 : vector<1x16xf32> to vector<16xf32>
      %parallel_loop3A_419 = arith.constant 3.200000e+01 : f32
      %parallel_loop3A_420 = vector.broadcast %parallel_loop3A_419 : f32 to vector<16xf32>
      %parallel_loop3A_421 = arith.mulf %parallel_loop3A_418, %parallel_loop3A_420 : vector<16xf32>
      %parallel_loop3A_422 = arith.index_cast %parallel_loop3A_394 : i32 to index
      %parallel_loop3A_423 = arith.index_cast %parallel_loop3A_412 : i32 to index
      %parallel_loop3A_424 = tpu.vector_load %arg10[%parallel_loop3A_422, %parallel_loop3A_423] {strides = array<i32>} : memref<16x1024xf32, #tpu.memory_space<vmem>>, vector<1x16xf32>,
      %parallel_loop3A_425 = vector.shape_cast %parallel_loop3A_424 : vector<1x16xf32> to vector<16xf32>
      %parallel_loop3A_426 = vector.shape_cast %parallel_loop3A_421 : vector<16xf32> to vector<1x16xf32>
      tpu.vector_store %arg10[%parallel_loop3A_422, %parallel_loop3A_423], %parallel_loop3A_426 {strides = array<i32>} : memref<16x1024xf32, #tpu.memory_space<vmem>>, vector<1x16xf32>,
    } {sc.loop_unroll_factor = 8 : i64, sc.parallel_access}
    %add3A_160 = arith.constant 96 : i32
    %add3A_161 = arith.addi %mul3A_2, %add3A_160 : i32
    %dma_start3A_162 = arith.constant 0 : i32
    %dma_start3A_163 = tpu.memref_slice %arg4[%add3A_161, %dma_start3A_162] : memref<8192x1024xf32, #tpu.memory_space<hbm>> -> memref<16x1024xf32, #tpu.memory_space<hbm>>
    %dma_start3A_164 = arith.constant 0 : i32
    %dma_start3A_165 = tpu.memref_slice %arg4[%add3A_161, %dma_start3A_164] : memref<8192x1024xf32, #tpu.memory_space<hbm>> -> memref<16x1024xf32, #tpu.memory_space<hbm>>
    tpu.enqueue_dma source(%arg10 : memref<16x1024xf32, #tpu.memory_space<vmem>>) target(%dma_start3A_165 : memref<16x1024xf32, #tpu.memory_space<hbm>>) target_semaphore(%arg17 : memref<!tpu.dma_semaphore, #tpu.memory_space<semaphore_mem>>)
    %dma_start3A_166 = arith.constant 160 : i32
    %dma_start3A_167 = tpu.memref_slice %arg5[%dma_start3A_166] : memref<256xi32, #tpu.memory_space<vmem>> -> memref<16xi32, #tpu.memory_space<vmem>>
    %dma_start3A_168 = arith.constant 0 : i32
    %dma_start3A_169 = arith.constant 0 : i32
    %dma_start3A_170 = tpu.memref_slice %arg3[%dma_start3A_168, %dma_start3A_169] : memref<100000x1024xf32, #tpu.memory_space<hbm>> -> memref<100000x1024xf32, #tpu.memory_space<hbm>>
    tpu.enqueue_indirect_dma source(%dma_start3A_170 : memref<100000x1024xf32, #tpu.memory_space<hbm>>) target(%arg8 : memref<16x1024xf32, #tpu.memory_space<vmem>>) offsets(%dma_start3A_167 : memref<16xi32, #tpu.memory_space<vmem>>) semaphore(%arg15 : memref<!tpu.dma_semaphore, #tpu.memory_space<semaphore_mem>>)
    %dma_wait3A_171 = arith.constant 112 : i32
    %dma_wait3A_172 = tpu.memref_slice %arg5[%dma_wait3A_171] : memref<256xi32, #tpu.memory_space<vmem>> -> memref<16xi32, #tpu.memory_space<vmem>>
    %dma_wait3A_173 = arith.constant 0 : i32
    %dma_wait3A_174 = arith.constant 0 : i32
    %dma_wait3A_175 = tpu.memref_slice %arg3[%dma_wait3A_173, %dma_wait3A_174] : memref<100000x1024xf32, #tpu.memory_space<hbm>> -> memref<100000x1024xf32, #tpu.memory_space<hbm>>
    tpu.wait_indirect_dma semaphore(%arg16 : memref<!tpu.dma_semaphore, #tpu.memory_space<semaphore_mem>>) src(%dma_wait3A_175 : memref<100000x1024xf32, #tpu.memory_space<hbm>>) dst(%arg9 : memref<16x1024xf32, #tpu.memory_space<vmem>>)
    %dma_wait3A_176 = arith.constant 0 : i32
    %dma_wait3A_177 = tpu.memref_slice %arg4[%add3A_115, %dma_wait3A_176] : memref<8192x1024xf32, #tpu.memory_space<hbm>> -> memref<16x1024xf32, #tpu.memory_space<hbm>>
    %dma_wait3A_178 = arith.constant 0 : i32
    %dma_wait3A_179 = tpu.memref_slice %arg4[%add3A_115, %dma_wait3A_178] : memref<8192x1024xf32, #tpu.memory_space<hbm>> -> memref<16x1024xf32, #tpu.memory_space<hbm>>
    tpu.wait_dma2 semaphore(%arg18 : memref<!tpu.dma_semaphore, #tpu.memory_space<semaphore_mem>>) src(%arg11 : memref<16x1024xf32, #tpu.memory_space<vmem>>) dst(%dma_wait3A_179 : memref<16x1024xf32, #tpu.memory_space<hbm>>)
    %parallel_loop3A_180 = arith.constant 0 : i32
    %parallel_loop3A_181 = arith.constant 1024 : i32
    %parallel_loop3A_182 = arith.constant 1 : i32
    scf.for %parallel_loop3A_370 = %parallel_loop3A_180 to %parallel_loop3A_181 step %parallel_loop3A_182  : i32 {
      %parallel_loop3A_371 = arith.constant 64 : i32
      %parallel_loop3A_372 = arith.divsi %parallel_loop3A_370, %parallel_loop3A_371 : i32
      %parallel_loop3A_373 = arith.constant 0 : i32
      %parallel_loop3A_374 = arith.cmpi sgt, %parallel_loop3A_370, %parallel_loop3A_373 : i32
      %parallel_loop3A_375 = arith.extui %parallel_loop3A_374 : i1 to i32
      %parallel_loop3A_376 = arith.constant 0 : i32
      %parallel_loop3A_377 = arith.cmpi slt, %parallel_loop3A_370, %parallel_loop3A_376 : i32
      %parallel_loop3A_378 = arith.extui %parallel_loop3A_377 : i1 to i32
      %parallel_loop3A_379 = arith.subi %parallel_loop3A_375, %parallel_loop3A_378 : i32
      %parallel_loop3A_380 = arith.constant 0 : i32
      %parallel_loop3A_381 = arith.cmpi sgt, %parallel_loop3A_371, %parallel_loop3A_380 : i32
      %parallel_loop3A_382 = arith.extui %parallel_loop3A_381 : i1 to i32
      %parallel_loop3A_383 = arith.constant 0 : i32
      %parallel_loop3A_384 = arith.cmpi slt, %parallel_loop3A_371, %parallel_loop3A_383 : i32
      %parallel_loop3A_385 = arith.extui %parallel_loop3A_384 : i1 to i32
      %parallel_loop3A_386 = arith.subi %parallel_loop3A_382, %parallel_loop3A_385 : i32
      %parallel_loop3A_387 = arith.cmpi ne, %parallel_loop3A_379, %parallel_loop3A_386 : i32
      %parallel_loop3A_388 = arith.remsi %parallel_loop3A_370, %parallel_loop3A_371 : i32
      %parallel_loop3A_389 = arith.constant 0 : i32
      %parallel_loop3A_390 = arith.cmpi ne, %parallel_loop3A_388, %parallel_loop3A_389 : i32
      %parallel_loop3A_391 = arith.andi %parallel_loop3A_387, %parallel_loop3A_390 : i1
      %parallel_loop3A_392 = arith.constant 1 : i32
      %parallel_loop3A_393 = arith.subi %parallel_loop3A_372, %parallel_loop3A_392 : i32
      %parallel_loop3A_394 = arith.select %parallel_loop3A_391, %parallel_loop3A_393, %parallel_loop3A_372 : i32
      %parallel_loop3A_395 = arith.constant 64 : i32
      %parallel_loop3A_396 = arith.constant 0 : i32
      %parallel_loop3A_397 = arith.cmpi eq, %parallel_loop3A_395, %parallel_loop3A_396 : i32
      %parallel_loop3A_398 = arith.constant 1 : i32
      %parallel_loop3A_399 = arith.select %parallel_loop3A_397, %parallel_loop3A_398, %parallel_loop3A_395 : i32
      %parallel_loop3A_400 = arith.remsi %parallel_loop3A_370, %parallel_loop3A_399 : i32
      %parallel_loop3A_401 = arith.constant 0 : i32
      %parallel_loop3A_402 = arith.cmpi ne, %parallel_loop3A_400, %parallel_loop3A_401 : i32
      %parallel_loop3A_403 = arith.constant 0 : i32
      %parallel_loop3A_404 = arith.cmpi slt, %parallel_loop3A_400, %parallel_loop3A_403 : i32
      %parallel_loop3A_405 = arith.constant 0 : i32
      %parallel_loop3A_406 = arith.cmpi slt, %parallel_loop3A_399, %parallel_loop3A_405 : i32
      %parallel_loop3A_407 = arith.xori %parallel_loop3A_404, %parallel_loop3A_406 : i1
      %parallel_loop3A_408 = arith.andi %parallel_loop3A_407, %parallel_loop3A_402 : i1
      %parallel_loop3A_409 = arith.addi %parallel_loop3A_400, %parallel_loop3A_399 : i32
      %parallel_loop3A_410 = arith.select %parallel_loop3A_408, %parallel_loop3A_409, %parallel_loop3A_400 : i32
      %parallel_loop3A_411 = arith.constant 16 : i32
      %parallel_loop3A_412 = arith.muli %parallel_loop3A_410, %parallel_loop3A_411 : i32
      %parallel_loop3A_413 = arith.constant 0 : i32
      %parallel_loop3A_414 = arith.addi %parallel_loop3A_413, %parallel_loop3A_394 : i32
      %parallel_loop3A_415 = arith.index_cast %parallel_loop3A_414 : i32 to index
      %parallel_loop3A_416 = arith.index_cast %parallel_loop3A_412 : i32 to index
      %parallel_loop3A_417 = tpu.vector_load %arg9[%parallel_loop3A_415, %parallel_loop3A_416] {strides = array<i32>} : memref<16x1024xf32, #tpu.memory_space<vmem>>, vector<1x16xf32>,
      %parallel_loop3A_418 = vector.shape_cast %parallel_loop3A_417 : vector<1x16xf32> to vector<16xf32>
      %parallel_loop3A_419 = arith.constant 3.200000e+01 : f32
      %parallel_loop3A_420 = vector.broadcast %parallel_loop3A_419 : f32 to vector<16xf32>
      %parallel_loop3A_421 = arith.mulf %parallel_loop3A_418, %parallel_loop3A_420 : vector<16xf32>
      %parallel_loop3A_422 = arith.index_cast %parallel_loop3A_394 : i32 to index
      %parallel_loop3A_423 = arith.index_cast %parallel_loop3A_412 : i32 to index
      %parallel_loop3A_424 = tpu.vector_load %arg11[%parallel_loop3A_422, %parallel_loop3A_423] {strides = array<i32>} : memref<16x1024xf32, #tpu.memory_space<vmem>>, vector<1x16xf32>,
      %parallel_loop3A_425 = vector.shape_cast %parallel_loop3A_424 : vector<1x16xf32> to vector<16xf32>
      %parallel_loop3A_426 = vector.shape_cast %parallel_loop3A_421 : vector<16xf32> to vector<1x16xf32>
      tpu.vector_store %arg11[%parallel_loop3A_422, %parallel_loop3A_423], %parallel_loop3A_426 {strides = array<i32>} : memref<16x1024xf32, #tpu.memory_space<vmem>>, vector<1x16xf32>,
    } {sc.loop_unroll_factor = 8 : i64, sc.parallel_access}
    %add3A_183 = arith.constant 112 : i32
    %add3A_184 = arith.addi %mul3A_2, %add3A_183 : i32
    %dma_start3A_185 = arith.constant 0 : i32
    %dma_start3A_186 = tpu.memref_slice %arg4[%add3A_184, %dma_start3A_185] : memref<8192x1024xf32, #tpu.memory_space<hbm>> -> memref<16x1024xf32, #tpu.memory_space<hbm>>
    %dma_start3A_187 = arith.constant 0 : i32
    %dma_start3A_188 = tpu.memref_slice %arg4[%add3A_184, %dma_start3A_187] : memref<8192x1024xf32, #tpu.memory_space<hbm>> -> memref<16x1024xf32, #tpu.memory_space<hbm>>
    tpu.enqueue_dma source(%arg11 : memref<16x1024xf32, #tpu.memory_space<vmem>>) target(%dma_start3A_188 : memref<16x1024xf32, #tpu.memory_space<hbm>>) target_semaphore(%arg18 : memref<!tpu.dma_semaphore, #tpu.memory_space<semaphore_mem>>)
    %dma_start3A_189 = arith.constant 176 : i32
    %dma_start3A_190 = tpu.memref_slice %arg5[%dma_start3A_189] : memref<256xi32, #tpu.memory_space<vmem>> -> memref<16xi32, #tpu.memory_space<vmem>>
    %dma_start3A_191 = arith.constant 0 : i32
    %dma_start3A_192 = arith.constant 0 : i32
    %dma_start3A_193 = tpu.memref_slice %arg3[%dma_start3A_191, %dma_start3A_192] : memref<100000x1024xf32, #tpu.memory_space<hbm>> -> memref<100000x1024xf32, #tpu.memory_space<hbm>>
    tpu.enqueue_indirect_dma source(%dma_start3A_193 : memref<100000x1024xf32, #tpu.memory_space<hbm>>) target(%arg9 : memref<16x1024xf32, #tpu.memory_space<vmem>>) offsets(%dma_start3A_190 : memref<16xi32, #tpu.memory_space<vmem>>) semaphore(%arg16 : memref<!tpu.dma_semaphore, #tpu.memory_space<semaphore_mem>>)
    %dma_wait3A_194 = arith.constant 128 : i32
    %dma_wait3A_195 = tpu.memref_slice %arg5[%dma_wait3A_194] : memref<256xi32, #tpu.memory_space<vmem>> -> memref<16xi32, #tpu.memory_space<vmem>>
    %dma_wait3A_196 = arith.constant 0 : i32
    %dma_wait3A_197 = arith.constant 0 : i32
    %dma_wait3A_198 = tpu.memref_slice %arg3[%dma_wait3A_196, %dma_wait3A_197] : memref<100000x1024xf32, #tpu.memory_space<hbm>> -> memref<100000x1024xf32, #tpu.memory_space<hbm>>
    tpu.wait_indirect_dma semaphore(%arg13 : memref<!tpu.dma_semaphore, #tpu.memory_space<semaphore_mem>>) src(%dma_wait3A_198 : memref<100000x1024xf32, #tpu.memory_space<hbm>>) dst(%arg6 : memref<16x1024xf32, #tpu.memory_space<vmem>>)
    %dma_wait3A_199 = arith.constant 0 : i32
    %dma_wait3A_200 = tpu.memref_slice %arg4[%add3A_138, %dma_wait3A_199] : memref<8192x1024xf32, #tpu.memory_space<hbm>> -> memref<16x1024xf32, #tpu.memory_space<hbm>>
    %dma_wait3A_201 = arith.constant 0 : i32
    %dma_wait3A_202 = tpu.memref_slice %arg4[%add3A_138, %dma_wait3A_201] : memref<8192x1024xf32, #tpu.memory_space<hbm>> -> memref<16x1024xf32, #tpu.memory_space<hbm>>
    tpu.wait_dma2 semaphore(%arg19 : memref<!tpu.dma_semaphore, #tpu.memory_space<semaphore_mem>>) src(%arg12 : memref<16x1024xf32, #tpu.memory_space<vmem>>) dst(%dma_wait3A_202 : memref<16x1024xf32, #tpu.memory_space<hbm>>)
    %parallel_loop3A_203 = arith.constant 0 : i32
    %parallel_loop3A_204 = arith.constant 1024 : i32
    %parallel_loop3A_205 = arith.constant 1 : i32
    scf.for %parallel_loop3A_370 = %parallel_loop3A_203 to %parallel_loop3A_204 step %parallel_loop3A_205  : i32 {
      %parallel_loop3A_371 = arith.constant 64 : i32
      %parallel_loop3A_372 = arith.divsi %parallel_loop3A_370, %parallel_loop3A_371 : i32
      %parallel_loop3A_373 = arith.constant 0 : i32
      %parallel_loop3A_374 = arith.cmpi sgt, %parallel_loop3A_370, %parallel_loop3A_373 : i32
      %parallel_loop3A_375 = arith.extui %parallel_loop3A_374 : i1 to i32
      %parallel_loop3A_376 = arith.constant 0 : i32
      %parallel_loop3A_377 = arith.cmpi slt, %parallel_loop3A_370, %parallel_loop3A_376 : i32
      %parallel_loop3A_378 = arith.extui %parallel_loop3A_377 : i1 to i32
      %parallel_loop3A_379 = arith.subi %parallel_loop3A_375, %parallel_loop3A_378 : i32
      %parallel_loop3A_380 = arith.constant 0 : i32
      %parallel_loop3A_381 = arith.cmpi sgt, %parallel_loop3A_371, %parallel_loop3A_380 : i32
      %parallel_loop3A_382 = arith.extui %parallel_loop3A_381 : i1 to i32
      %parallel_loop3A_383 = arith.constant 0 : i32
      %parallel_loop3A_384 = arith.cmpi slt, %parallel_loop3A_371, %parallel_loop3A_383 : i32
      %parallel_loop3A_385 = arith.extui %parallel_loop3A_384 : i1 to i32
      %parallel_loop3A_386 = arith.subi %parallel_loop3A_382, %parallel_loop3A_385 : i32
      %parallel_loop3A_387 = arith.cmpi ne, %parallel_loop3A_379, %parallel_loop3A_386 : i32
      %parallel_loop3A_388 = arith.remsi %parallel_loop3A_370, %parallel_loop3A_371 : i32
      %parallel_loop3A_389 = arith.constant 0 : i32
      %parallel_loop3A_390 = arith.cmpi ne, %parallel_loop3A_388, %parallel_loop3A_389 : i32
      %parallel_loop3A_391 = arith.andi %parallel_loop3A_387, %parallel_loop3A_390 : i1
      %parallel_loop3A_392 = arith.constant 1 : i32
      %parallel_loop3A_393 = arith.subi %parallel_loop3A_372, %parallel_loop3A_392 : i32
      %parallel_loop3A_394 = arith.select %parallel_loop3A_391, %parallel_loop3A_393, %parallel_loop3A_372 : i32
      %parallel_loop3A_395 = arith.constant 64 : i32
      %parallel_loop3A_396 = arith.constant 0 : i32
      %parallel_loop3A_397 = arith.cmpi eq, %parallel_loop3A_395, %parallel_loop3A_396 : i32
      %parallel_loop3A_398 = arith.constant 1 : i32
      %parallel_loop3A_399 = arith.select %parallel_loop3A_397, %parallel_loop3A_398, %parallel_loop3A_395 : i32
      %parallel_loop3A_400 = arith.remsi %parallel_loop3A_370, %parallel_loop3A_399 : i32
      %parallel_loop3A_401 = arith.constant 0 : i32
      %parallel_loop3A_402 = arith.cmpi ne, %parallel_loop3A_400, %parallel_loop3A_401 : i32
      %parallel_loop3A_403 = arith.constant 0 : i32
      %parallel_loop3A_404 = arith.cmpi slt, %parallel_loop3A_400, %parallel_loop3A_403 : i32
      %parallel_loop3A_405 = arith.constant 0 : i32
      %parallel_loop3A_406 = arith.cmpi slt, %parallel_loop3A_399, %parallel_loop3A_405 : i32
      %parallel_loop3A_407 = arith.xori %parallel_loop3A_404, %parallel_loop3A_406 : i1
      %parallel_loop3A_408 = arith.andi %parallel_loop3A_407, %parallel_loop3A_402 : i1
      %parallel_loop3A_409 = arith.addi %parallel_loop3A_400, %parallel_loop3A_399 : i32
      %parallel_loop3A_410 = arith.select %parallel_loop3A_408, %parallel_loop3A_409, %parallel_loop3A_400 : i32
      %parallel_loop3A_411 = arith.constant 16 : i32
      %parallel_loop3A_412 = arith.muli %parallel_loop3A_410, %parallel_loop3A_411 : i32
      %parallel_loop3A_413 = arith.constant 0 : i32
      %parallel_loop3A_414 = arith.addi %parallel_loop3A_413, %parallel_loop3A_394 : i32
      %parallel_loop3A_415 = arith.index_cast %parallel_loop3A_414 : i32 to index
      %parallel_loop3A_416 = arith.index_cast %parallel_loop3A_412 : i32 to index
      %parallel_loop3A_417 = tpu.vector_load %arg6[%parallel_loop3A_415, %parallel_loop3A_416] {strides = array<i32>} : memref<16x1024xf32, #tpu.memory_space<vmem>>, vector<1x16xf32>,
      %parallel_loop3A_418 = vector.shape_cast %parallel_loop3A_417 : vector<1x16xf32> to vector<16xf32>
      %parallel_loop3A_419 = arith.constant 3.200000e+01 : f32
      %parallel_loop3A_420 = vector.broadcast %parallel_loop3A_419 : f32 to vector<16xf32>
      %parallel_loop3A_421 = arith.mulf %parallel_loop3A_418, %parallel_loop3A_420 : vector<16xf32>
      %parallel_loop3A_422 = arith.index_cast %parallel_loop3A_394 : i32 to index
      %parallel_loop3A_423 = arith.index_cast %parallel_loop3A_412 : i32 to index
      %parallel_loop3A_424 = tpu.vector_load %arg12[%parallel_loop3A_422, %parallel_loop3A_423] {strides = array<i32>} : memref<16x1024xf32, #tpu.memory_space<vmem>>, vector<1x16xf32>,
      %parallel_loop3A_425 = vector.shape_cast %parallel_loop3A_424 : vector<1x16xf32> to vector<16xf32>
      %parallel_loop3A_426 = vector.shape_cast %parallel_loop3A_421 : vector<16xf32> to vector<1x16xf32>
      tpu.vector_store %arg12[%parallel_loop3A_422, %parallel_loop3A_423], %parallel_loop3A_426 {strides = array<i32>} : memref<16x1024xf32, #tpu.memory_space<vmem>>, vector<1x16xf32>,
    } {sc.loop_unroll_factor = 8 : i64, sc.parallel_access}
    %add3A_206 = arith.constant 128 : i32
    %add3A_207 = arith.addi %mul3A_2, %add3A_206 : i32
    %dma_start3A_208 = arith.constant 0 : i32
    %dma_start3A_209 = tpu.memref_slice %arg4[%add3A_207, %dma_start3A_208] : memref<8192x1024xf32, #tpu.memory_space<hbm>> -> memref<16x1024xf32, #tpu.memory_space<hbm>>
    %dma_start3A_210 = arith.constant 0 : i32
    %dma_start3A_211 = tpu.memref_slice %arg4[%add3A_207, %dma_start3A_210] : memref<8192x1024xf32, #tpu.memory_space<hbm>> -> memref<16x1024xf32, #tpu.memory_space<hbm>>
    tpu.enqueue_dma source(%arg12 : memref<16x1024xf32, #tpu.memory_space<vmem>>) target(%dma_start3A_211 : memref<16x1024xf32, #tpu.memory_space<hbm>>) target_semaphore(%arg19 : memref<!tpu.dma_semaphore, #tpu.memory_space<semaphore_mem>>)
    %dma_start3A_212 = arith.constant 192 : i32
    %dma_start3A_213 = tpu.memref_slice %arg5[%dma_start3A_212] : memref<256xi32, #tpu.memory_space<vmem>> -> memref<16xi32, #tpu.memory_space<vmem>>
    %dma_start3A_214 = arith.constant 0 : i32
    %dma_start3A_215 = arith.constant 0 : i32
    %dma_start3A_216 = tpu.memref_slice %arg3[%dma_start3A_214, %dma_start3A_215] : memref<100000x1024xf32, #tpu.memory_space<hbm>> -> memref<100000x1024xf32, #tpu.memory_space<hbm>>
    tpu.enqueue_indirect_dma source(%dma_start3A_216 : memref<100000x1024xf32, #tpu.memory_space<hbm>>) target(%arg6 : memref<16x1024xf32, #tpu.memory_space<vmem>>) offsets(%dma_start3A_213 : memref<16xi32, #tpu.memory_space<vmem>>) semaphore(%arg13 : memref<!tpu.dma_semaphore, #tpu.memory_space<semaphore_mem>>)
    %dma_wait3A_217 = arith.constant 144 : i32
    %dma_wait3A_218 = tpu.memref_slice %arg5[%dma_wait3A_217] : memref<256xi32, #tpu.memory_space<vmem>> -> memref<16xi32, #tpu.memory_space<vmem>>
    %dma_wait3A_219 = arith.constant 0 : i32
    %dma_wait3A_220 = arith.constant 0 : i32
    %dma_wait3A_221 = tpu.memref_slice %arg3[%dma_wait3A_219, %dma_wait3A_220] : memref<100000x1024xf32, #tpu.memory_space<hbm>> -> memref<100000x1024xf32, #tpu.memory_space<hbm>>
    tpu.wait_indirect_dma semaphore(%arg14 : memref<!tpu.dma_semaphore, #tpu.memory_space<semaphore_mem>>) src(%dma_wait3A_221 : memref<100000x1024xf32, #tpu.memory_space<hbm>>) dst(%arg7 : memref<16x1024xf32, #tpu.memory_space<vmem>>)
    %dma_wait3A_222 = arith.constant 0 : i32
    %dma_wait3A_223 = tpu.memref_slice %arg4[%add3A_161, %dma_wait3A_222] : memref<8192x1024xf32, #tpu.memory_space<hbm>> -> memref<16x1024xf32, #tpu.memory_space<hbm>>
    %dma_wait3A_224 = arith.constant 0 : i32
    %dma_wait3A_225 = tpu.memref_slice %arg4[%add3A_161, %dma_wait3A_224] : memref<8192x1024xf32, #tpu.memory_space<hbm>> -> memref<16x1024xf32, #tpu.memory_space<hbm>>
    tpu.wait_dma2 semaphore(%arg17 : memref<!tpu.dma_semaphore, #tpu.memory_space<semaphore_mem>>) src(%arg10 : memref<16x1024xf32, #tpu.memory_space<vmem>>) dst(%dma_wait3A_225 : memref<16x1024xf32, #tpu.memory_space<hbm>>)
    %parallel_loop3A_226 = arith.constant 0 : i32
    %parallel_loop3A_227 = arith.constant 1024 : i32
    %parallel_loop3A_228 = arith.constant 1 : i32
    scf.for %parallel_loop3A_370 = %parallel_loop3A_226 to %parallel_loop3A_227 step %parallel_loop3A_228  : i32 {
      %parallel_loop3A_371 = arith.constant 64 : i32
      %parallel_loop3A_372 = arith.divsi %parallel_loop3A_370, %parallel_loop3A_371 : i32
      %parallel_loop3A_373 = arith.constant 0 : i32
      %parallel_loop3A_374 = arith.cmpi sgt, %parallel_loop3A_370, %parallel_loop3A_373 : i32
      %parallel_loop3A_375 = arith.extui %parallel_loop3A_374 : i1 to i32
      %parallel_loop3A_376 = arith.constant 0 : i32
      %parallel_loop3A_377 = arith.cmpi slt, %parallel_loop3A_370, %parallel_loop3A_376 : i32
      %parallel_loop3A_378 = arith.extui %parallel_loop3A_377 : i1 to i32
      %parallel_loop3A_379 = arith.subi %parallel_loop3A_375, %parallel_loop3A_378 : i32
      %parallel_loop3A_380 = arith.constant 0 : i32
      %parallel_loop3A_381 = arith.cmpi sgt, %parallel_loop3A_371, %parallel_loop3A_380 : i32
      %parallel_loop3A_382 = arith.extui %parallel_loop3A_381 : i1 to i32
      %parallel_loop3A_383 = arith.constant 0 : i32
      %parallel_loop3A_384 = arith.cmpi slt, %parallel_loop3A_371, %parallel_loop3A_383 : i32
      %parallel_loop3A_385 = arith.extui %parallel_loop3A_384 : i1 to i32
      %parallel_loop3A_386 = arith.subi %parallel_loop3A_382, %parallel_loop3A_385 : i32
      %parallel_loop3A_387 = arith.cmpi ne, %parallel_loop3A_379, %parallel_loop3A_386 : i32
      %parallel_loop3A_388 = arith.remsi %parallel_loop3A_370, %parallel_loop3A_371 : i32
      %parallel_loop3A_389 = arith.constant 0 : i32
      %parallel_loop3A_390 = arith.cmpi ne, %parallel_loop3A_388, %parallel_loop3A_389 : i32
      %parallel_loop3A_391 = arith.andi %parallel_loop3A_387, %parallel_loop3A_390 : i1
      %parallel_loop3A_392 = arith.constant 1 : i32
      %parallel_loop3A_393 = arith.subi %parallel_loop3A_372, %parallel_loop3A_392 : i32
      %parallel_loop3A_394 = arith.select %parallel_loop3A_391, %parallel_loop3A_393, %parallel_loop3A_372 : i32
      %parallel_loop3A_395 = arith.constant 64 : i32
      %parallel_loop3A_396 = arith.constant 0 : i32
      %parallel_loop3A_397 = arith.cmpi eq, %parallel_loop3A_395, %parallel_loop3A_396 : i32
      %parallel_loop3A_398 = arith.constant 1 : i32
      %parallel_loop3A_399 = arith.select %parallel_loop3A_397, %parallel_loop3A_398, %parallel_loop3A_395 : i32
      %parallel_loop3A_400 = arith.remsi %parallel_loop3A_370, %parallel_loop3A_399 : i32
      %parallel_loop3A_401 = arith.constant 0 : i32
      %parallel_loop3A_402 = arith.cmpi ne, %parallel_loop3A_400, %parallel_loop3A_401 : i32
      %parallel_loop3A_403 = arith.constant 0 : i32
      %parallel_loop3A_404 = arith.cmpi slt, %parallel_loop3A_400, %parallel_loop3A_403 : i32
      %parallel_loop3A_405 = arith.constant 0 : i32
      %parallel_loop3A_406 = arith.cmpi slt, %parallel_loop3A_399, %parallel_loop3A_405 : i32
      %parallel_loop3A_407 = arith.xori %parallel_loop3A_404, %parallel_loop3A_406 : i1
      %parallel_loop3A_408 = arith.andi %parallel_loop3A_407, %parallel_loop3A_402 : i1
      %parallel_loop3A_409 = arith.addi %parallel_loop3A_400, %parallel_loop3A_399 : i32
      %parallel_loop3A_410 = arith.select %parallel_loop3A_408, %parallel_loop3A_409, %parallel_loop3A_400 : i32
      %parallel_loop3A_411 = arith.constant 16 : i32
      %parallel_loop3A_412 = arith.muli %parallel_loop3A_410, %parallel_loop3A_411 : i32
      %parallel_loop3A_413 = arith.constant 0 : i32
      %parallel_loop3A_414 = arith.addi %parallel_loop3A_413, %parallel_loop3A_394 : i32
      %parallel_loop3A_415 = arith.index_cast %parallel_loop3A_414 : i32 to index
      %parallel_loop3A_416 = arith.index_cast %parallel_loop3A_412 : i32 to index
      %parallel_loop3A_417 = tpu.vector_load %arg7[%parallel_loop3A_415, %parallel_loop3A_416] {strides = array<i32>} : memref<16x1024xf32, #tpu.memory_space<vmem>>, vector<1x16xf32>,
      %parallel_loop3A_418 = vector.shape_cast %parallel_loop3A_417 : vector<1x16xf32> to vector<16xf32>
      %parallel_loop3A_419 = arith.constant 3.200000e+01 : f32
      %parallel_loop3A_420 = vector.broadcast %parallel_loop3A_419 : f32 to vector<16xf32>
      %parallel_loop3A_421 = arith.mulf %parallel_loop3A_418, %parallel_loop3A_420 : vector<16xf32>
      %parallel_loop3A_422 = arith.index_cast %parallel_loop3A_394 : i32 to index
      %parallel_loop3A_423 = arith.index_cast %parallel_loop3A_412 : i32 to index
      %parallel_loop3A_424 = tpu.vector_load %arg10[%parallel_loop3A_422, %parallel_loop3A_423] {strides = array<i32>} : memref<16x1024xf32, #tpu.memory_space<vmem>>, vector<1x16xf32>,
      %parallel_loop3A_425 = vector.shape_cast %parallel_loop3A_424 : vector<1x16xf32> to vector<16xf32>
      %parallel_loop3A_426 = vector.shape_cast %parallel_loop3A_421 : vector<16xf32> to vector<1x16xf32>
      tpu.vector_store %arg10[%parallel_loop3A_422, %parallel_loop3A_423], %parallel_loop3A_426 {strides = array<i32>} : memref<16x1024xf32, #tpu.memory_space<vmem>>, vector<1x16xf32>,
    } {sc.loop_unroll_factor = 8 : i64, sc.parallel_access}
    %add3A_229 = arith.constant 144 : i32
    %add3A_230 = arith.addi %mul3A_2, %add3A_229 : i32
    %dma_start3A_231 = arith.constant 0 : i32
    %dma_start3A_232 = tpu.memref_slice %arg4[%add3A_230, %dma_start3A_231] : memref<8192x1024xf32, #tpu.memory_space<hbm>> -> memref<16x1024xf32, #tpu.memory_space<hbm>>
    %dma_start3A_233 = arith.constant 0 : i32
    %dma_start3A_234 = tpu.memref_slice %arg4[%add3A_230, %dma_start3A_233] : memref<8192x1024xf32, #tpu.memory_space<hbm>> -> memref<16x1024xf32, #tpu.memory_space<hbm>>
    tpu.enqueue_dma source(%arg10 : memref<16x1024xf32, #tpu.memory_space<vmem>>) target(%dma_start3A_234 : memref<16x1024xf32, #tpu.memory_space<hbm>>) target_semaphore(%arg17 : memref<!tpu.dma_semaphore, #tpu.memory_space<semaphore_mem>>)
    %dma_start3A_235 = arith.constant 208 : i32
    %dma_start3A_236 = tpu.memref_slice %arg5[%dma_start3A_235] : memref<256xi32, #tpu.memory_space<vmem>> -> memref<16xi32, #tpu.memory_space<vmem>>
    %dma_start3A_237 = arith.constant 0 : i32
    %dma_start3A_238 = arith.constant 0 : i32
    %dma_start3A_239 = tpu.memref_slice %arg3[%dma_start3A_237, %dma_start3A_238] : memref<100000x1024xf32, #tpu.memory_space<hbm>> -> memref<100000x1024xf32, #tpu.memory_space<hbm>>
    tpu.enqueue_indirect_dma source(%dma_start3A_239 : memref<100000x1024xf32, #tpu.memory_space<hbm>>) target(%arg7 : memref<16x1024xf32, #tpu.memory_space<vmem>>) offsets(%dma_start3A_236 : memref<16xi32, #tpu.memory_space<vmem>>) semaphore(%arg14 : memref<!tpu.dma_semaphore, #tpu.memory_space<semaphore_mem>>)
    %dma_wait3A_240 = arith.constant 160 : i32
    %dma_wait3A_241 = tpu.memref_slice %arg5[%dma_wait3A_240] : memref<256xi32, #tpu.memory_space<vmem>> -> memref<16xi32, #tpu.memory_space<vmem>>
    %dma_wait3A_242 = arith.constant 0 : i32
    %dma_wait3A_243 = arith.constant 0 : i32
    %dma_wait3A_244 = tpu.memref_slice %arg3[%dma_wait3A_242, %dma_wait3A_243] : memref<100000x1024xf32, #tpu.memory_space<hbm>> -> memref<100000x1024xf32, #tpu.memory_space<hbm>>
    tpu.wait_indirect_dma semaphore(%arg15 : memref<!tpu.dma_semaphore, #tpu.memory_space<semaphore_mem>>) src(%dma_wait3A_244 : memref<100000x1024xf32, #tpu.memory_space<hbm>>) dst(%arg8 : memref<16x1024xf32, #tpu.memory_space<vmem>>)
    %dma_wait3A_245 = arith.constant 0 : i32
    %dma_wait3A_246 = tpu.memref_slice %arg4[%add3A_184, %dma_wait3A_245] : memref<8192x1024xf32, #tpu.memory_space<hbm>> -> memref<16x1024xf32, #tpu.memory_space<hbm>>
    %dma_wait3A_247 = arith.constant 0 : i32
    %dma_wait3A_248 = tpu.memref_slice %arg4[%add3A_184, %dma_wait3A_247] : memref<8192x1024xf32, #tpu.memory_space<hbm>> -> memref<16x1024xf32, #tpu.memory_space<hbm>>
    tpu.wait_dma2 semaphore(%arg18 : memref<!tpu.dma_semaphore, #tpu.memory_space<semaphore_mem>>) src(%arg11 : memref<16x1024xf32, #tpu.memory_space<vmem>>) dst(%dma_wait3A_248 : memref<16x1024xf32, #tpu.memory_space<hbm>>)
    %parallel_loop3A_249 = arith.constant 0 : i32
    %parallel_loop3A_250 = arith.constant 1024 : i32
    %parallel_loop3A_251 = arith.constant 1 : i32
    scf.for %parallel_loop3A_370 = %parallel_loop3A_249 to %parallel_loop3A_250 step %parallel_loop3A_251  : i32 {
      %parallel_loop3A_371 = arith.constant 64 : i32
      %parallel_loop3A_372 = arith.divsi %parallel_loop3A_370, %parallel_loop3A_371 : i32
      %parallel_loop3A_373 = arith.constant 0 : i32
      %parallel_loop3A_374 = arith.cmpi sgt, %parallel_loop3A_370, %parallel_loop3A_373 : i32
      %parallel_loop3A_375 = arith.extui %parallel_loop3A_374 : i1 to i32
      %parallel_loop3A_376 = arith.constant 0 : i32
      %parallel_loop3A_377 = arith.cmpi slt, %parallel_loop3A_370, %parallel_loop3A_376 : i32
      %parallel_loop3A_378 = arith.extui %parallel_loop3A_377 : i1 to i32
      %parallel_loop3A_379 = arith.subi %parallel_loop3A_375, %parallel_loop3A_378 : i32
      %parallel_loop3A_380 = arith.constant 0 : i32
      %parallel_loop3A_381 = arith.cmpi sgt, %parallel_loop3A_371, %parallel_loop3A_380 : i32
      %parallel_loop3A_382 = arith.extui %parallel_loop3A_381 : i1 to i32
      %parallel_loop3A_383 = arith.constant 0 : i32
      %parallel_loop3A_384 = arith.cmpi slt, %parallel_loop3A_371, %parallel_loop3A_383 : i32
      %parallel_loop3A_385 = arith.extui %parallel_loop3A_384 : i1 to i32
      %parallel_loop3A_386 = arith.subi %parallel_loop3A_382, %parallel_loop3A_385 : i32
      %parallel_loop3A_387 = arith.cmpi ne, %parallel_loop3A_379, %parallel_loop3A_386 : i32
      %parallel_loop3A_388 = arith.remsi %parallel_loop3A_370, %parallel_loop3A_371 : i32
      %parallel_loop3A_389 = arith.constant 0 : i32
      %parallel_loop3A_390 = arith.cmpi ne, %parallel_loop3A_388, %parallel_loop3A_389 : i32
      %parallel_loop3A_391 = arith.andi %parallel_loop3A_387, %parallel_loop3A_390 : i1
      %parallel_loop3A_392 = arith.constant 1 : i32
      %parallel_loop3A_393 = arith.subi %parallel_loop3A_372, %parallel_loop3A_392 : i32
      %parallel_loop3A_394 = arith.select %parallel_loop3A_391, %parallel_loop3A_393, %parallel_loop3A_372 : i32
      %parallel_loop3A_395 = arith.constant 64 : i32
      %parallel_loop3A_396 = arith.constant 0 : i32
      %parallel_loop3A_397 = arith.cmpi eq, %parallel_loop3A_395, %parallel_loop3A_396 : i32
      %parallel_loop3A_398 = arith.constant 1 : i32
      %parallel_loop3A_399 = arith.select %parallel_loop3A_397, %parallel_loop3A_398, %parallel_loop3A_395 : i32
      %parallel_loop3A_400 = arith.remsi %parallel_loop3A_370, %parallel_loop3A_399 : i32
      %parallel_loop3A_401 = arith.constant 0 : i32
      %parallel_loop3A_402 = arith.cmpi ne, %parallel_loop3A_400, %parallel_loop3A_401 : i32
      %parallel_loop3A_403 = arith.constant 0 : i32
      %parallel_loop3A_404 = arith.cmpi slt, %parallel_loop3A_400, %parallel_loop3A_403 : i32
      %parallel_loop3A_405 = arith.constant 0 : i32
      %parallel_loop3A_406 = arith.cmpi slt, %parallel_loop3A_399, %parallel_loop3A_405 : i32
      %parallel_loop3A_407 = arith.xori %parallel_loop3A_404, %parallel_loop3A_406 : i1
      %parallel_loop3A_408 = arith.andi %parallel_loop3A_407, %parallel_loop3A_402 : i1
      %parallel_loop3A_409 = arith.addi %parallel_loop3A_400, %parallel_loop3A_399 : i32
      %parallel_loop3A_410 = arith.select %parallel_loop3A_408, %parallel_loop3A_409, %parallel_loop3A_400 : i32
      %parallel_loop3A_411 = arith.constant 16 : i32
      %parallel_loop3A_412 = arith.muli %parallel_loop3A_410, %parallel_loop3A_411 : i32
      %parallel_loop3A_413 = arith.constant 0 : i32
      %parallel_loop3A_414 = arith.addi %parallel_loop3A_413, %parallel_loop3A_394 : i32
      %parallel_loop3A_415 = arith.index_cast %parallel_loop3A_414 : i32 to index
      %parallel_loop3A_416 = arith.index_cast %parallel_loop3A_412 : i32 to index
      %parallel_loop3A_417 = tpu.vector_load %arg8[%parallel_loop3A_415, %parallel_loop3A_416] {strides = array<i32>} : memref<16x1024xf32, #tpu.memory_space<vmem>>, vector<1x16xf32>,
      %parallel_loop3A_418 = vector.shape_cast %parallel_loop3A_417 : vector<1x16xf32> to vector<16xf32>
      %parallel_loop3A_419 = arith.constant 3.200000e+01 : f32
      %parallel_loop3A_420 = vector.broadcast %parallel_loop3A_419 : f32 to vector<16xf32>
      %parallel_loop3A_421 = arith.mulf %parallel_loop3A_418, %parallel_loop3A_420 : vector<16xf32>
      %parallel_loop3A_422 = arith.index_cast %parallel_loop3A_394 : i32 to index
      %parallel_loop3A_423 = arith.index_cast %parallel_loop3A_412 : i32 to index
      %parallel_loop3A_424 = tpu.vector_load %arg11[%parallel_loop3A_422, %parallel_loop3A_423] {strides = array<i32>} : memref<16x1024xf32, #tpu.memory_space<vmem>>, vector<1x16xf32>,
      %parallel_loop3A_425 = vector.shape_cast %parallel_loop3A_424 : vector<1x16xf32> to vector<16xf32>
      %parallel_loop3A_426 = vector.shape_cast %parallel_loop3A_421 : vector<16xf32> to vector<1x16xf32>
      tpu.vector_store %arg11[%parallel_loop3A_422, %parallel_loop3A_423], %parallel_loop3A_426 {strides = array<i32>} : memref<16x1024xf32, #tpu.memory_space<vmem>>, vector<1x16xf32>,
    } {sc.loop_unroll_factor = 8 : i64, sc.parallel_access}
    %add3A_252 = arith.constant 160 : i32
    %add3A_253 = arith.addi %mul3A_2, %add3A_252 : i32
    %dma_start3A_254 = arith.constant 0 : i32
    %dma_start3A_255 = tpu.memref_slice %arg4[%add3A_253, %dma_start3A_254] : memref<8192x1024xf32, #tpu.memory_space<hbm>> -> memref<16x1024xf32, #tpu.memory_space<hbm>>
    %dma_start3A_256 = arith.constant 0 : i32
    %dma_start3A_257 = tpu.memref_slice %arg4[%add3A_253, %dma_start3A_256] : memref<8192x1024xf32, #tpu.memory_space<hbm>> -> memref<16x1024xf32, #tpu.memory_space<hbm>>
    tpu.enqueue_dma source(%arg11 : memref<16x1024xf32, #tpu.memory_space<vmem>>) target(%dma_start3A_257 : memref<16x1024xf32, #tpu.memory_space<hbm>>) target_semaphore(%arg18 : memref<!tpu.dma_semaphore, #tpu.memory_space<semaphore_mem>>)
    %dma_start3A_258 = arith.constant 224 : i32
    %dma_start3A_259 = tpu.memref_slice %arg5[%dma_start3A_258] : memref<256xi32, #tpu.memory_space<vmem>> -> memref<16xi32, #tpu.memory_space<vmem>>
    %dma_start3A_260 = arith.constant 0 : i32
    %dma_start3A_261 = arith.constant 0 : i32
    %dma_start3A_262 = tpu.memref_slice %arg3[%dma_start3A_260, %dma_start3A_261] : memref<100000x1024xf32, #tpu.memory_space<hbm>> -> memref<100000x1024xf32, #tpu.memory_space<hbm>>
    tpu.enqueue_indirect_dma source(%dma_start3A_262 : memref<100000x1024xf32, #tpu.memory_space<hbm>>) target(%arg8 : memref<16x1024xf32, #tpu.memory_space<vmem>>) offsets(%dma_start3A_259 : memref<16xi32, #tpu.memory_space<vmem>>) semaphore(%arg15 : memref<!tpu.dma_semaphore, #tpu.memory_space<semaphore_mem>>)
    %dma_wait3A_263 = arith.constant 176 : i32
    %dma_wait3A_264 = tpu.memref_slice %arg5[%dma_wait3A_263] : memref<256xi32, #tpu.memory_space<vmem>> -> memref<16xi32, #tpu.memory_space<vmem>>
    %dma_wait3A_265 = arith.constant 0 : i32
    %dma_wait3A_266 = arith.constant 0 : i32
    %dma_wait3A_267 = tpu.memref_slice %arg3[%dma_wait3A_265, %dma_wait3A_266] : memref<100000x1024xf32, #tpu.memory_space<hbm>> -> memref<100000x1024xf32, #tpu.memory_space<hbm>>
    tpu.wait_indirect_dma semaphore(%arg16 : memref<!tpu.dma_semaphore, #tpu.memory_space<semaphore_mem>>) src(%dma_wait3A_267 : memref<100000x1024xf32, #tpu.memory_space<hbm>>) dst(%arg9 : memref<16x1024xf32, #tpu.memory_space<vmem>>)
    %dma_wait3A_268 = arith.constant 0 : i32
    %dma_wait3A_269 = tpu.memref_slice %arg4[%add3A_207, %dma_wait3A_268] : memref<8192x1024xf32, #tpu.memory_space<hbm>> -> memref<16x1024xf32, #tpu.memory_space<hbm>>
    %dma_wait3A_270 = arith.constant 0 : i32
    %dma_wait3A_271 = tpu.memref_slice %arg4[%add3A_207, %dma_wait3A_270] : memref<8192x1024xf32, #tpu.memory_space<hbm>> -> memref<16x1024xf32, #tpu.memory_space<hbm>>
    tpu.wait_dma2 semaphore(%arg19 : memref<!tpu.dma_semaphore, #tpu.memory_space<semaphore_mem>>) src(%arg12 : memref<16x1024xf32, #tpu.memory_space<vmem>>) dst(%dma_wait3A_271 : memref<16x1024xf32, #tpu.memory_space<hbm>>)
    %parallel_loop3A_272 = arith.constant 0 : i32
    %parallel_loop3A_273 = arith.constant 1024 : i32
    %parallel_loop3A_274 = arith.constant 1 : i32
    scf.for %parallel_loop3A_370 = %parallel_loop3A_272 to %parallel_loop3A_273 step %parallel_loop3A_274  : i32 {
      %parallel_loop3A_371 = arith.constant 64 : i32
      %parallel_loop3A_372 = arith.divsi %parallel_loop3A_370, %parallel_loop3A_371 : i32
      %parallel_loop3A_373 = arith.constant 0 : i32
      %parallel_loop3A_374 = arith.cmpi sgt, %parallel_loop3A_370, %parallel_loop3A_373 : i32
      %parallel_loop3A_375 = arith.extui %parallel_loop3A_374 : i1 to i32
      %parallel_loop3A_376 = arith.constant 0 : i32
      %parallel_loop3A_377 = arith.cmpi slt, %parallel_loop3A_370, %parallel_loop3A_376 : i32
      %parallel_loop3A_378 = arith.extui %parallel_loop3A_377 : i1 to i32
      %parallel_loop3A_379 = arith.subi %parallel_loop3A_375, %parallel_loop3A_378 : i32
      %parallel_loop3A_380 = arith.constant 0 : i32
      %parallel_loop3A_381 = arith.cmpi sgt, %parallel_loop3A_371, %parallel_loop3A_380 : i32
      %parallel_loop3A_382 = arith.extui %parallel_loop3A_381 : i1 to i32
      %parallel_loop3A_383 = arith.constant 0 : i32
      %parallel_loop3A_384 = arith.cmpi slt, %parallel_loop3A_371, %parallel_loop3A_383 : i32
      %parallel_loop3A_385 = arith.extui %parallel_loop3A_384 : i1 to i32
      %parallel_loop3A_386 = arith.subi %parallel_loop3A_382, %parallel_loop3A_385 : i32
      %parallel_loop3A_387 = arith.cmpi ne, %parallel_loop3A_379, %parallel_loop3A_386 : i32
      %parallel_loop3A_388 = arith.remsi %parallel_loop3A_370, %parallel_loop3A_371 : i32
      %parallel_loop3A_389 = arith.constant 0 : i32
      %parallel_loop3A_390 = arith.cmpi ne, %parallel_loop3A_388, %parallel_loop3A_389 : i32
      %parallel_loop3A_391 = arith.andi %parallel_loop3A_387, %parallel_loop3A_390 : i1
      %parallel_loop3A_392 = arith.constant 1 : i32
      %parallel_loop3A_393 = arith.subi %parallel_loop3A_372, %parallel_loop3A_392 : i32
      %parallel_loop3A_394 = arith.select %parallel_loop3A_391, %parallel_loop3A_393, %parallel_loop3A_372 : i32
      %parallel_loop3A_395 = arith.constant 64 : i32
      %parallel_loop3A_396 = arith.constant 0 : i32
      %parallel_loop3A_397 = arith.cmpi eq, %parallel_loop3A_395, %parallel_loop3A_396 : i32
      %parallel_loop3A_398 = arith.constant 1 : i32
      %parallel_loop3A_399 = arith.select %parallel_loop3A_397, %parallel_loop3A_398, %parallel_loop3A_395 : i32
      %parallel_loop3A_400 = arith.remsi %parallel_loop3A_370, %parallel_loop3A_399 : i32
      %parallel_loop3A_401 = arith.constant 0 : i32
      %parallel_loop3A_402 = arith.cmpi ne, %parallel_loop3A_400, %parallel_loop3A_401 : i32
      %parallel_loop3A_403 = arith.constant 0 : i32
      %parallel_loop3A_404 = arith.cmpi slt, %parallel_loop3A_400, %parallel_loop3A_403 : i32
      %parallel_loop3A_405 = arith.constant 0 : i32
      %parallel_loop3A_406 = arith.cmpi slt, %parallel_loop3A_399, %parallel_loop3A_405 : i32
      %parallel_loop3A_407 = arith.xori %parallel_loop3A_404, %parallel_loop3A_406 : i1
      %parallel_loop3A_408 = arith.andi %parallel_loop3A_407, %parallel_loop3A_402 : i1
      %parallel_loop3A_409 = arith.addi %parallel_loop3A_400, %parallel_loop3A_399 : i32
      %parallel_loop3A_410 = arith.select %parallel_loop3A_408, %parallel_loop3A_409, %parallel_loop3A_400 : i32
      %parallel_loop3A_411 = arith.constant 16 : i32
      %parallel_loop3A_412 = arith.muli %parallel_loop3A_410, %parallel_loop3A_411 : i32
      %parallel_loop3A_413 = arith.constant 0 : i32
      %parallel_loop3A_414 = arith.addi %parallel_loop3A_413, %parallel_loop3A_394 : i32
      %parallel_loop3A_415 = arith.index_cast %parallel_loop3A_414 : i32 to index
      %parallel_loop3A_416 = arith.index_cast %parallel_loop3A_412 : i32 to index
      %parallel_loop3A_417 = tpu.vector_load %arg9[%parallel_loop3A_415, %parallel_loop3A_416] {strides = array<i32>} : memref<16x1024xf32, #tpu.memory_space<vmem>>, vector<1x16xf32>,
      %parallel_loop3A_418 = vector.shape_cast %parallel_loop3A_417 : vector<1x16xf32> to vector<16xf32>
      %parallel_loop3A_419 = arith.constant 3.200000e+01 : f32
      %parallel_loop3A_420 = vector.broadcast %parallel_loop3A_419 : f32 to vector<16xf32>
      %parallel_loop3A_421 = arith.mulf %parallel_loop3A_418, %parallel_loop3A_420 : vector<16xf32>
      %parallel_loop3A_422 = arith.index_cast %parallel_loop3A_394 : i32 to index
      %parallel_loop3A_423 = arith.index_cast %parallel_loop3A_412 : i32 to index
      %parallel_loop3A_424 = tpu.vector_load %arg12[%parallel_loop3A_422, %parallel_loop3A_423] {strides = array<i32>} : memref<16x1024xf32, #tpu.memory_space<vmem>>, vector<1x16xf32>,
      %parallel_loop3A_425 = vector.shape_cast %parallel_loop3A_424 : vector<1x16xf32> to vector<16xf32>
      %parallel_loop3A_426 = vector.shape_cast %parallel_loop3A_421 : vector<16xf32> to vector<1x16xf32>
      tpu.vector_store %arg12[%parallel_loop3A_422, %parallel_loop3A_423], %parallel_loop3A_426 {strides = array<i32>} : memref<16x1024xf32, #tpu.memory_space<vmem>>, vector<1x16xf32>,
    } {sc.loop_unroll_factor = 8 : i64, sc.parallel_access}
    %add3A_275 = arith.constant 176 : i32
    %add3A_276 = arith.addi %mul3A_2, %add3A_275 : i32
    %dma_start3A_277 = arith.constant 0 : i32
    %dma_start3A_278 = tpu.memref_slice %arg4[%add3A_276, %dma_start3A_277] : memref<8192x1024xf32, #tpu.memory_space<hbm>> -> memref<16x1024xf32, #tpu.memory_space<hbm>>
    %dma_start3A_279 = arith.constant 0 : i32
    %dma_start3A_280 = tpu.memref_slice %arg4[%add3A_276, %dma_start3A_279] : memref<8192x1024xf32, #tpu.memory_space<hbm>> -> memref<16x1024xf32, #tpu.memory_space<hbm>>
    tpu.enqueue_dma source(%arg12 : memref<16x1024xf32, #tpu.memory_space<vmem>>) target(%dma_start3A_280 : memref<16x1024xf32, #tpu.memory_space<hbm>>) target_semaphore(%arg19 : memref<!tpu.dma_semaphore, #tpu.memory_space<semaphore_mem>>)
    %dma_start3A_281 = arith.constant 240 : i32
    %dma_start3A_282 = tpu.memref_slice %arg5[%dma_start3A_281] : memref<256xi32, #tpu.memory_space<vmem>> -> memref<16xi32, #tpu.memory_space<vmem>>
    %dma_start3A_283 = arith.constant 0 : i32
    %dma_start3A_284 = arith.constant 0 : i32
    %dma_start3A_285 = tpu.memref_slice %arg3[%dma_start3A_283, %dma_start3A_284] : memref<100000x1024xf32, #tpu.memory_space<hbm>> -> memref<100000x1024xf32, #tpu.memory_space<hbm>>
    tpu.enqueue_indirect_dma source(%dma_start3A_285 : memref<100000x1024xf32, #tpu.memory_space<hbm>>) target(%arg9 : memref<16x1024xf32, #tpu.memory_space<vmem>>) offsets(%dma_start3A_282 : memref<16xi32, #tpu.memory_space<vmem>>) semaphore(%arg16 : memref<!tpu.dma_semaphore, #tpu.memory_space<semaphore_mem>>)
    %dma_wait3A_286 = arith.constant 192 : i32
    %dma_wait3A_287 = tpu.memref_slice %arg5[%dma_wait3A_286] : memref<256xi32, #tpu.memory_space<vmem>> -> memref<16xi32, #tpu.memory_space<vmem>>
    %dma_wait3A_288 = arith.constant 0 : i32
    %dma_wait3A_289 = arith.constant 0 : i32
    %dma_wait3A_290 = tpu.memref_slice %arg3[%dma_wait3A_288, %dma_wait3A_289] : memref<100000x1024xf32, #tpu.memory_space<hbm>> -> memref<100000x1024xf32, #tpu.memory_space<hbm>>
    tpu.wait_indirect_dma semaphore(%arg13 : memref<!tpu.dma_semaphore, #tpu.memory_space<semaphore_mem>>) src(%dma_wait3A_290 : memref<100000x1024xf32, #tpu.memory_space<hbm>>) dst(%arg6 : memref<16x1024xf32, #tpu.memory_space<vmem>>)
    %dma_wait3A_291 = arith.constant 0 : i32
    %dma_wait3A_292 = tpu.memref_slice %arg4[%add3A_230, %dma_wait3A_291] : memref<8192x1024xf32, #tpu.memory_space<hbm>> -> memref<16x1024xf32, #tpu.memory_space<hbm>>
    %dma_wait3A_293 = arith.constant 0 : i32
    %dma_wait3A_294 = tpu.memref_slice %arg4[%add3A_230, %dma_wait3A_293] : memref<8192x1024xf32, #tpu.memory_space<hbm>> -> memref<16x1024xf32, #tpu.memory_space<hbm>>
    tpu.wait_dma2 semaphore(%arg17 : memref<!tpu.dma_semaphore, #tpu.memory_space<semaphore_mem>>) src(%arg10 : memref<16x1024xf32, #tpu.memory_space<vmem>>) dst(%dma_wait3A_294 : memref<16x1024xf32, #tpu.memory_space<hbm>>)
    %parallel_loop3A_295 = arith.constant 0 : i32
    %parallel_loop3A_296 = arith.constant 1024 : i32
    %parallel_loop3A_297 = arith.constant 1 : i32
    scf.for %parallel_loop3A_370 = %parallel_loop3A_295 to %parallel_loop3A_296 step %parallel_loop3A_297  : i32 {
      %parallel_loop3A_371 = arith.constant 64 : i32
      %parallel_loop3A_372 = arith.divsi %parallel_loop3A_370, %parallel_loop3A_371 : i32
      %parallel_loop3A_373 = arith.constant 0 : i32
      %parallel_loop3A_374 = arith.cmpi sgt, %parallel_loop3A_370, %parallel_loop3A_373 : i32
      %parallel_loop3A_375 = arith.extui %parallel_loop3A_374 : i1 to i32
      %parallel_loop3A_376 = arith.constant 0 : i32
      %parallel_loop3A_377 = arith.cmpi slt, %parallel_loop3A_370, %parallel_loop3A_376 : i32
      %parallel_loop3A_378 = arith.extui %parallel_loop3A_377 : i1 to i32
      %parallel_loop3A_379 = arith.subi %parallel_loop3A_375, %parallel_loop3A_378 : i32
      %parallel_loop3A_380 = arith.constant 0 : i32
      %parallel_loop3A_381 = arith.cmpi sgt, %parallel_loop3A_371, %parallel_loop3A_380 : i32
      %parallel_loop3A_382 = arith.extui %parallel_loop3A_381 : i1 to i32
      %parallel_loop3A_383 = arith.constant 0 : i32
      %parallel_loop3A_384 = arith.cmpi slt, %parallel_loop3A_371, %parallel_loop3A_383 : i32
      %parallel_loop3A_385 = arith.extui %parallel_loop3A_384 : i1 to i32
      %parallel_loop3A_386 = arith.subi %parallel_loop3A_382, %parallel_loop3A_385 : i32
      %parallel_loop3A_387 = arith.cmpi ne, %parallel_loop3A_379, %parallel_loop3A_386 : i32
      %parallel_loop3A_388 = arith.remsi %parallel_loop3A_370, %parallel_loop3A_371 : i32
      %parallel_loop3A_389 = arith.constant 0 : i32
      %parallel_loop3A_390 = arith.cmpi ne, %parallel_loop3A_388, %parallel_loop3A_389 : i32
      %parallel_loop3A_391 = arith.andi %parallel_loop3A_387, %parallel_loop3A_390 : i1
      %parallel_loop3A_392 = arith.constant 1 : i32
      %parallel_loop3A_393 = arith.subi %parallel_loop3A_372, %parallel_loop3A_392 : i32
      %parallel_loop3A_394 = arith.select %parallel_loop3A_391, %parallel_loop3A_393, %parallel_loop3A_372 : i32
      %parallel_loop3A_395 = arith.constant 64 : i32
      %parallel_loop3A_396 = arith.constant 0 : i32
      %parallel_loop3A_397 = arith.cmpi eq, %parallel_loop3A_395, %parallel_loop3A_396 : i32
      %parallel_loop3A_398 = arith.constant 1 : i32
      %parallel_loop3A_399 = arith.select %parallel_loop3A_397, %parallel_loop3A_398, %parallel_loop3A_395 : i32
      %parallel_loop3A_400 = arith.remsi %parallel_loop3A_370, %parallel_loop3A_399 : i32
      %parallel_loop3A_401 = arith.constant 0 : i32
      %parallel_loop3A_402 = arith.cmpi ne, %parallel_loop3A_400, %parallel_loop3A_401 : i32
      %parallel_loop3A_403 = arith.constant 0 : i32
      %parallel_loop3A_404 = arith.cmpi slt, %parallel_loop3A_400, %parallel_loop3A_403 : i32
      %parallel_loop3A_405 = arith.constant 0 : i32
      %parallel_loop3A_406 = arith.cmpi slt, %parallel_loop3A_399, %parallel_loop3A_405 : i32
      %parallel_loop3A_407 = arith.xori %parallel_loop3A_404, %parallel_loop3A_406 : i1
      %parallel_loop3A_408 = arith.andi %parallel_loop3A_407, %parallel_loop3A_402 : i1
      %parallel_loop3A_409 = arith.addi %parallel_loop3A_400, %parallel_loop3A_399 : i32
      %parallel_loop3A_410 = arith.select %parallel_loop3A_408, %parallel_loop3A_409, %parallel_loop3A_400 : i32
      %parallel_loop3A_411 = arith.constant 16 : i32
      %parallel_loop3A_412 = arith.muli %parallel_loop3A_410, %parallel_loop3A_411 : i32
      %parallel_loop3A_413 = arith.constant 0 : i32
      %parallel_loop3A_414 = arith.addi %parallel_loop3A_413, %parallel_loop3A_394 : i32
      %parallel_loop3A_415 = arith.index_cast %parallel_loop3A_414 : i32 to index
      %parallel_loop3A_416 = arith.index_cast %parallel_loop3A_412 : i32 to index
      %parallel_loop3A_417 = tpu.vector_load %arg6[%parallel_loop3A_415, %parallel_loop3A_416] {strides = array<i32>} : memref<16x1024xf32, #tpu.memory_space<vmem>>, vector<1x16xf32>,
      %parallel_loop3A_418 = vector.shape_cast %parallel_loop3A_417 : vector<1x16xf32> to vector<16xf32>
      %parallel_loop3A_419 = arith.constant 3.200000e+01 : f32
      %parallel_loop3A_420 = vector.broadcast %parallel_loop3A_419 : f32 to vector<16xf32>
      %parallel_loop3A_421 = arith.mulf %parallel_loop3A_418, %parallel_loop3A_420 : vector<16xf32>
      %parallel_loop3A_422 = arith.index_cast %parallel_loop3A_394 : i32 to index
      %parallel_loop3A_423 = arith.index_cast %parallel_loop3A_412 : i32 to index
      %parallel_loop3A_424 = tpu.vector_load %arg10[%parallel_loop3A_422, %parallel_loop3A_423] {strides = array<i32>} : memref<16x1024xf32, #tpu.memory_space<vmem>>, vector<1x16xf32>,
      %parallel_loop3A_425 = vector.shape_cast %parallel_loop3A_424 : vector<1x16xf32> to vector<16xf32>
      %parallel_loop3A_426 = vector.shape_cast %parallel_loop3A_421 : vector<16xf32> to vector<1x16xf32>
      tpu.vector_store %arg10[%parallel_loop3A_422, %parallel_loop3A_423], %parallel_loop3A_426 {strides = array<i32>} : memref<16x1024xf32, #tpu.memory_space<vmem>>, vector<1x16xf32>,
    } {sc.loop_unroll_factor = 8 : i64, sc.parallel_access}
    %add3A_298 = arith.constant 192 : i32
    %add3A_299 = arith.addi %mul3A_2, %add3A_298 : i32
    %dma_start3A_300 = arith.constant 0 : i32
    %dma_start3A_301 = tpu.memref_slice %arg4[%add3A_299, %dma_start3A_300] : memref<8192x1024xf32, #tpu.memory_space<hbm>> -> memref<16x1024xf32, #tpu.memory_space<hbm>>
    %dma_start3A_302 = arith.constant 0 : i32
    %dma_start3A_303 = tpu.memref_slice %arg4[%add3A_299, %dma_start3A_302] : memref<8192x1024xf32, #tpu.memory_space<hbm>> -> memref<16x1024xf32, #tpu.memory_space<hbm>>
    tpu.enqueue_dma source(%arg10 : memref<16x1024xf32, #tpu.memory_space<vmem>>) target(%dma_start3A_303 : memref<16x1024xf32, #tpu.memory_space<hbm>>) target_semaphore(%arg17 : memref<!tpu.dma_semaphore, #tpu.memory_space<semaphore_mem>>)
    %dma_wait3A_304 = arith.constant 208 : i32
    %dma_wait3A_305 = tpu.memref_slice %arg5[%dma_wait3A_304] : memref<256xi32, #tpu.memory_space<vmem>> -> memref<16xi32, #tpu.memory_space<vmem>>
    %dma_wait3A_306 = arith.constant 0 : i32
    %dma_wait3A_307 = arith.constant 0 : i32
    %dma_wait3A_308 = tpu.memref_slice %arg3[%dma_wait3A_306, %dma_wait3A_307] : memref<100000x1024xf32, #tpu.memory_space<hbm>> -> memref<100000x1024xf32, #tpu.memory_space<hbm>>
    tpu.wait_indirect_dma semaphore(%arg14 : memref<!tpu.dma_semaphore, #tpu.memory_space<semaphore_mem>>) src(%dma_wait3A_308 : memref<100000x1024xf32, #tpu.memory_space<hbm>>) dst(%arg7 : memref<16x1024xf32, #tpu.memory_space<vmem>>)
    %dma_wait3A_309 = arith.constant 0 : i32
    %dma_wait3A_310 = tpu.memref_slice %arg4[%add3A_253, %dma_wait3A_309] : memref<8192x1024xf32, #tpu.memory_space<hbm>> -> memref<16x1024xf32, #tpu.memory_space<hbm>>
    %dma_wait3A_311 = arith.constant 0 : i32
    %dma_wait3A_312 = tpu.memref_slice %arg4[%add3A_253, %dma_wait3A_311] : memref<8192x1024xf32, #tpu.memory_space<hbm>> -> memref<16x1024xf32, #tpu.memory_space<hbm>>
    tpu.wait_dma2 semaphore(%arg18 : memref<!tpu.dma_semaphore, #tpu.memory_space<semaphore_mem>>) src(%arg11 : memref<16x1024xf32, #tpu.memory_space<vmem>>) dst(%dma_wait3A_312 : memref<16x1024xf32, #tpu.memory_space<hbm>>)
    %parallel_loop3A_313 = arith.constant 0 : i32
    %parallel_loop3A_314 = arith.constant 1024 : i32
    %parallel_loop3A_315 = arith.constant 1 : i32
    scf.for %parallel_loop3A_370 = %parallel_loop3A_313 to %parallel_loop3A_314 step %parallel_loop3A_315  : i32 {
      %parallel_loop3A_371 = arith.constant 64 : i32
      %parallel_loop3A_372 = arith.divsi %parallel_loop3A_370, %parallel_loop3A_371 : i32
      %parallel_loop3A_373 = arith.constant 0 : i32
      %parallel_loop3A_374 = arith.cmpi sgt, %parallel_loop3A_370, %parallel_loop3A_373 : i32
      %parallel_loop3A_375 = arith.extui %parallel_loop3A_374 : i1 to i32
      %parallel_loop3A_376 = arith.constant 0 : i32
      %parallel_loop3A_377 = arith.cmpi slt, %parallel_loop3A_370, %parallel_loop3A_376 : i32
      %parallel_loop3A_378 = arith.extui %parallel_loop3A_377 : i1 to i32
      %parallel_loop3A_379 = arith.subi %parallel_loop3A_375, %parallel_loop3A_378 : i32
      %parallel_loop3A_380 = arith.constant 0 : i32
      %parallel_loop3A_381 = arith.cmpi sgt, %parallel_loop3A_371, %parallel_loop3A_380 : i32
      %parallel_loop3A_382 = arith.extui %parallel_loop3A_381 : i1 to i32
      %parallel_loop3A_383 = arith.constant 0 : i32
      %parallel_loop3A_384 = arith.cmpi slt, %parallel_loop3A_371, %parallel_loop3A_383 : i32
      %parallel_loop3A_385 = arith.extui %parallel_loop3A_384 : i1 to i32
      %parallel_loop3A_386 = arith.subi %parallel_loop3A_382, %parallel_loop3A_385 : i32
      %parallel_loop3A_387 = arith.cmpi ne, %parallel_loop3A_379, %parallel_loop3A_386 : i32
      %parallel_loop3A_388 = arith.remsi %parallel_loop3A_370, %parallel_loop3A_371 : i32
      %parallel_loop3A_389 = arith.constant 0 : i32
      %parallel_loop3A_390 = arith.cmpi ne, %parallel_loop3A_388, %parallel_loop3A_389 : i32
      %parallel_loop3A_391 = arith.andi %parallel_loop3A_387, %parallel_loop3A_390 : i1
      %parallel_loop3A_392 = arith.constant 1 : i32
      %parallel_loop3A_393 = arith.subi %parallel_loop3A_372, %parallel_loop3A_392 : i32
      %parallel_loop3A_394 = arith.select %parallel_loop3A_391, %parallel_loop3A_393, %parallel_loop3A_372 : i32
      %parallel_loop3A_395 = arith.constant 64 : i32
      %parallel_loop3A_396 = arith.constant 0 : i32
      %parallel_loop3A_397 = arith.cmpi eq, %parallel_loop3A_395, %parallel_loop3A_396 : i32
      %parallel_loop3A_398 = arith.constant 1 : i32
      %parallel_loop3A_399 = arith.select %parallel_loop3A_397, %parallel_loop3A_398, %parallel_loop3A_395 : i32
      %parallel_loop3A_400 = arith.remsi %parallel_loop3A_370, %parallel_loop3A_399 : i32
      %parallel_loop3A_401 = arith.constant 0 : i32
      %parallel_loop3A_402 = arith.cmpi ne, %parallel_loop3A_400, %parallel_loop3A_401 : i32
      %parallel_loop3A_403 = arith.constant 0 : i32
      %parallel_loop3A_404 = arith.cmpi slt, %parallel_loop3A_400, %parallel_loop3A_403 : i32
      %parallel_loop3A_405 = arith.constant 0 : i32
      %parallel_loop3A_406 = arith.cmpi slt, %parallel_loop3A_399, %parallel_loop3A_405 : i32
      %parallel_loop3A_407 = arith.xori %parallel_loop3A_404, %parallel_loop3A_406 : i1
      %parallel_loop3A_408 = arith.andi %parallel_loop3A_407, %parallel_loop3A_402 : i1
      %parallel_loop3A_409 = arith.addi %parallel_loop3A_400, %parallel_loop3A_399 : i32
      %parallel_loop3A_410 = arith.select %parallel_loop3A_408, %parallel_loop3A_409, %parallel_loop3A_400 : i32
      %parallel_loop3A_411 = arith.constant 16 : i32
      %parallel_loop3A_412 = arith.muli %parallel_loop3A_410, %parallel_loop3A_411 : i32
      %parallel_loop3A_413 = arith.constant 0 : i32
      %parallel_loop3A_414 = arith.addi %parallel_loop3A_413, %parallel_loop3A_394 : i32
      %parallel_loop3A_415 = arith.index_cast %parallel_loop3A_414 : i32 to index
      %parallel_loop3A_416 = arith.index_cast %parallel_loop3A_412 : i32 to index
      %parallel_loop3A_417 = tpu.vector_load %arg7[%parallel_loop3A_415, %parallel_loop3A_416] {strides = array<i32>} : memref<16x1024xf32, #tpu.memory_space<vmem>>, vector<1x16xf32>,
      %parallel_loop3A_418 = vector.shape_cast %parallel_loop3A_417 : vector<1x16xf32> to vector<16xf32>
      %parallel_loop3A_419 = arith.constant 3.200000e+01 : f32
      %parallel_loop3A_420 = vector.broadcast %parallel_loop3A_419 : f32 to vector<16xf32>
      %parallel_loop3A_421 = arith.mulf %parallel_loop3A_418, %parallel_loop3A_420 : vector<16xf32>
      %parallel_loop3A_422 = arith.index_cast %parallel_loop3A_394 : i32 to index
      %parallel_loop3A_423 = arith.index_cast %parallel_loop3A_412 : i32 to index
      %parallel_loop3A_424 = tpu.vector_load %arg11[%parallel_loop3A_422, %parallel_loop3A_423] {strides = array<i32>} : memref<16x1024xf32, #tpu.memory_space<vmem>>, vector<1x16xf32>,
      %parallel_loop3A_425 = vector.shape_cast %parallel_loop3A_424 : vector<1x16xf32> to vector<16xf32>
      %parallel_loop3A_426 = vector.shape_cast %parallel_loop3A_421 : vector<16xf32> to vector<1x16xf32>
      tpu.vector_store %arg11[%parallel_loop3A_422, %parallel_loop3A_423], %parallel_loop3A_426 {strides = array<i32>} : memref<16x1024xf32, #tpu.memory_space<vmem>>, vector<1x16xf32>,
    } {sc.loop_unroll_factor = 8 : i64, sc.parallel_access}
    %add3A_316 = arith.constant 208 : i32
    %add3A_317 = arith.addi %mul3A_2, %add3A_316 : i32
    %dma_start3A_318 = arith.constant 0 : i32
    %dma_start3A_319 = tpu.memref_slice %arg4[%add3A_317, %dma_start3A_318] : memref<8192x1024xf32, #tpu.memory_space<hbm>> -> memref<16x1024xf32, #tpu.memory_space<hbm>>
    %dma_start3A_320 = arith.constant 0 : i32
    %dma_start3A_321 = tpu.memref_slice %arg4[%add3A_317, %dma_start3A_320] : memref<8192x1024xf32, #tpu.memory_space<hbm>> -> memref<16x1024xf32, #tpu.memory_space<hbm>>
    tpu.enqueue_dma source(%arg11 : memref<16x1024xf32, #tpu.memory_space<vmem>>) target(%dma_start3A_321 : memref<16x1024xf32, #tpu.memory_space<hbm>>) target_semaphore(%arg18 : memref<!tpu.dma_semaphore, #tpu.memory_space<semaphore_mem>>)
    %dma_wait3A_322 = arith.constant 224 : i32
    %dma_wait3A_323 = tpu.memref_slice %arg5[%dma_wait3A_322] : memref<256xi32, #tpu.memory_space<vmem>> -> memref<16xi32, #tpu.memory_space<vmem>>
    %dma_wait3A_324 = arith.constant 0 : i32
    %dma_wait3A_325 = arith.constant 0 : i32
    %dma_wait3A_326 = tpu.memref_slice %arg3[%dma_wait3A_324, %dma_wait3A_325] : memref<100000x1024xf32, #tpu.memory_space<hbm>> -> memref<100000x1024xf32, #tpu.memory_space<hbm>>
    tpu.wait_indirect_dma semaphore(%arg15 : memref<!tpu.dma_semaphore, #tpu.memory_space<semaphore_mem>>) src(%dma_wait3A_326 : memref<100000x1024xf32, #tpu.memory_space<hbm>>) dst(%arg8 : memref<16x1024xf32, #tpu.memory_space<vmem>>)
    %dma_wait3A_327 = arith.constant 0 : i32
    %dma_wait3A_328 = tpu.memref_slice %arg4[%add3A_276, %dma_wait3A_327] : memref<8192x1024xf32, #tpu.memory_space<hbm>> -> memref<16x1024xf32, #tpu.memory_space<hbm>>
    %dma_wait3A_329 = arith.constant 0 : i32
    %dma_wait3A_330 = tpu.memref_slice %arg4[%add3A_276, %dma_wait3A_329] : memref<8192x1024xf32, #tpu.memory_space<hbm>> -> memref<16x1024xf32, #tpu.memory_space<hbm>>
    tpu.wait_dma2 semaphore(%arg19 : memref<!tpu.dma_semaphore, #tpu.memory_space<semaphore_mem>>) src(%arg12 : memref<16x1024xf32, #tpu.memory_space<vmem>>) dst(%dma_wait3A_330 : memref<16x1024xf32, #tpu.memory_space<hbm>>)
    %parallel_loop3A_331 = arith.constant 0 : i32
    %parallel_loop3A_332 = arith.constant 1024 : i32
    %parallel_loop3A_333 = arith.constant 1 : i32
    scf.for %parallel_loop3A_370 = %parallel_loop3A_331 to %parallel_loop3A_332 step %parallel_loop3A_333  : i32 {
      %parallel_loop3A_371 = arith.constant 64 : i32
      %parallel_loop3A_372 = arith.divsi %parallel_loop3A_370, %parallel_loop3A_371 : i32
      %parallel_loop3A_373 = arith.constant 0 : i32
      %parallel_loop3A_374 = arith.cmpi sgt, %parallel_loop3A_370, %parallel_loop3A_373 : i32
      %parallel_loop3A_375 = arith.extui %parallel_loop3A_374 : i1 to i32
      %parallel_loop3A_376 = arith.constant 0 : i32
      %parallel_loop3A_377 = arith.cmpi slt, %parallel_loop3A_370, %parallel_loop3A_376 : i32
      %parallel_loop3A_378 = arith.extui %parallel_loop3A_377 : i1 to i32
      %parallel_loop3A_379 = arith.subi %parallel_loop3A_375, %parallel_loop3A_378 : i32
      %parallel_loop3A_380 = arith.constant 0 : i32
      %parallel_loop3A_381 = arith.cmpi sgt, %parallel_loop3A_371, %parallel_loop3A_380 : i32
      %parallel_loop3A_382 = arith.extui %parallel_loop3A_381 : i1 to i32
      %parallel_loop3A_383 = arith.constant 0 : i32
      %parallel_loop3A_384 = arith.cmpi slt, %parallel_loop3A_371, %parallel_loop3A_383 : i32
      %parallel_loop3A_385 = arith.extui %parallel_loop3A_384 : i1 to i32
      %parallel_loop3A_386 = arith.subi %parallel_loop3A_382, %parallel_loop3A_385 : i32
      %parallel_loop3A_387 = arith.cmpi ne, %parallel_loop3A_379, %parallel_loop3A_386 : i32
      %parallel_loop3A_388 = arith.remsi %parallel_loop3A_370, %parallel_loop3A_371 : i32
      %parallel_loop3A_389 = arith.constant 0 : i32
      %parallel_loop3A_390 = arith.cmpi ne, %parallel_loop3A_388, %parallel_loop3A_389 : i32
      %parallel_loop3A_391 = arith.andi %parallel_loop3A_387, %parallel_loop3A_390 : i1
      %parallel_loop3A_392 = arith.constant 1 : i32
      %parallel_loop3A_393 = arith.subi %parallel_loop3A_372, %parallel_loop3A_392 : i32
      %parallel_loop3A_394 = arith.select %parallel_loop3A_391, %parallel_loop3A_393, %parallel_loop3A_372 : i32
      %parallel_loop3A_395 = arith.constant 64 : i32
      %parallel_loop3A_396 = arith.constant 0 : i32
      %parallel_loop3A_397 = arith.cmpi eq, %parallel_loop3A_395, %parallel_loop3A_396 : i32
      %parallel_loop3A_398 = arith.constant 1 : i32
      %parallel_loop3A_399 = arith.select %parallel_loop3A_397, %parallel_loop3A_398, %parallel_loop3A_395 : i32
      %parallel_loop3A_400 = arith.remsi %parallel_loop3A_370, %parallel_loop3A_399 : i32
      %parallel_loop3A_401 = arith.constant 0 : i32
      %parallel_loop3A_402 = arith.cmpi ne, %parallel_loop3A_400, %parallel_loop3A_401 : i32
      %parallel_loop3A_403 = arith.constant 0 : i32
      %parallel_loop3A_404 = arith.cmpi slt, %parallel_loop3A_400, %parallel_loop3A_403 : i32
      %parallel_loop3A_405 = arith.constant 0 : i32
      %parallel_loop3A_406 = arith.cmpi slt, %parallel_loop3A_399, %parallel_loop3A_405 : i32
      %parallel_loop3A_407 = arith.xori %parallel_loop3A_404, %parallel_loop3A_406 : i1
      %parallel_loop3A_408 = arith.andi %parallel_loop3A_407, %parallel_loop3A_402 : i1
      %parallel_loop3A_409 = arith.addi %parallel_loop3A_400, %parallel_loop3A_399 : i32
      %parallel_loop3A_410 = arith.select %parallel_loop3A_408, %parallel_loop3A_409, %parallel_loop3A_400 : i32
      %parallel_loop3A_411 = arith.constant 16 : i32
      %parallel_loop3A_412 = arith.muli %parallel_loop3A_410, %parallel_loop3A_411 : i32
      %parallel_loop3A_413 = arith.constant 0 : i32
      %parallel_loop3A_414 = arith.addi %parallel_loop3A_413, %parallel_loop3A_394 : i32
      %parallel_loop3A_415 = arith.index_cast %parallel_loop3A_414 : i32 to index
      %parallel_loop3A_416 = arith.index_cast %parallel_loop3A_412 : i32 to index
      %parallel_loop3A_417 = tpu.vector_load %arg8[%parallel_loop3A_415, %parallel_loop3A_416] {strides = array<i32>} : memref<16x1024xf32, #tpu.memory_space<vmem>>, vector<1x16xf32>,
      %parallel_loop3A_418 = vector.shape_cast %parallel_loop3A_417 : vector<1x16xf32> to vector<16xf32>
      %parallel_loop3A_419 = arith.constant 3.200000e+01 : f32
      %parallel_loop3A_420 = vector.broadcast %parallel_loop3A_419 : f32 to vector<16xf32>
      %parallel_loop3A_421 = arith.mulf %parallel_loop3A_418, %parallel_loop3A_420 : vector<16xf32>
      %parallel_loop3A_422 = arith.index_cast %parallel_loop3A_394 : i32 to index
      %parallel_loop3A_423 = arith.index_cast %parallel_loop3A_412 : i32 to index
      %parallel_loop3A_424 = tpu.vector_load %arg12[%parallel_loop3A_422, %parallel_loop3A_423] {strides = array<i32>} : memref<16x1024xf32, #tpu.memory_space<vmem>>, vector<1x16xf32>,
      %parallel_loop3A_425 = vector.shape_cast %parallel_loop3A_424 : vector<1x16xf32> to vector<16xf32>
      %parallel_loop3A_426 = vector.shape_cast %parallel_loop3A_421 : vector<16xf32> to vector<1x16xf32>
      tpu.vector_store %arg12[%parallel_loop3A_422, %parallel_loop3A_423], %parallel_loop3A_426 {strides = array<i32>} : memref<16x1024xf32, #tpu.memory_space<vmem>>, vector<1x16xf32>,
    } {sc.loop_unroll_factor = 8 : i64, sc.parallel_access}
    %add3A_334 = arith.constant 224 : i32
    %add3A_335 = arith.addi %mul3A_2, %add3A_334 : i32
    %dma_start3A_336 = arith.constant 0 : i32
    %dma_start3A_337 = tpu.memref_slice %arg4[%add3A_335, %dma_start3A_336] : memref<8192x1024xf32, #tpu.memory_space<hbm>> -> memref<16x1024xf32, #tpu.memory_space<hbm>>
    %dma_start3A_338 = arith.constant 0 : i32
    %dma_start3A_339 = tpu.memref_slice %arg4[%add3A_335, %dma_start3A_338] : memref<8192x1024xf32, #tpu.memory_space<hbm>> -> memref<16x1024xf32, #tpu.memory_space<hbm>>
    tpu.enqueue_dma source(%arg12 : memref<16x1024xf32, #tpu.memory_space<vmem>>) target(%dma_start3A_339 : memref<16x1024xf32, #tpu.memory_space<hbm>>) target_semaphore(%arg19 : memref<!tpu.dma_semaphore, #tpu.memory_space<semaphore_mem>>)
    %dma_wait3A_340 = arith.constant 240 : i32
    %dma_wait3A_341 = tpu.memref_slice %arg5[%dma_wait3A_340] : memref<256xi32, #tpu.memory_space<vmem>> -> memref<16xi32, #tpu.memory_space<vmem>>
    %dma_wait3A_342 = arith.constant 0 : i32
    %dma_wait3A_343 = arith.constant 0 : i32
    %dma_wait3A_344 = tpu.memref_slice %arg3[%dma_wait3A_342, %dma_wait3A_343] : memref<100000x1024xf32, #tpu.memory_space<hbm>> -> memref<100000x1024xf32, #tpu.memory_space<hbm>>
    tpu.wait_indirect_dma semaphore(%arg16 : memref<!tpu.dma_semaphore, #tpu.memory_space<semaphore_mem>>) src(%dma_wait3A_344 : memref<100000x1024xf32, #tpu.memory_space<hbm>>) dst(%arg9 : memref<16x1024xf32, #tpu.memory_space<vmem>>)
    %dma_wait3A_345 = arith.constant 0 : i32
    %dma_wait3A_346 = tpu.memref_slice %arg4[%add3A_299, %dma_wait3A_345] : memref<8192x1024xf32, #tpu.memory_space<hbm>> -> memref<16x1024xf32, #tpu.memory_space<hbm>>
    %dma_wait3A_347 = arith.constant 0 : i32
    %dma_wait3A_348 = tpu.memref_slice %arg4[%add3A_299, %dma_wait3A_347] : memref<8192x1024xf32, #tpu.memory_space<hbm>> -> memref<16x1024xf32, #tpu.memory_space<hbm>>
    tpu.wait_dma2 semaphore(%arg17 : memref<!tpu.dma_semaphore, #tpu.memory_space<semaphore_mem>>) src(%arg10 : memref<16x1024xf32, #tpu.memory_space<vmem>>) dst(%dma_wait3A_348 : memref<16x1024xf32, #tpu.memory_space<hbm>>)
    %parallel_loop3A_349 = arith.constant 0 : i32
    %parallel_loop3A_350 = arith.constant 1024 : i32
    %parallel_loop3A_351 = arith.constant 1 : i32
    scf.for %parallel_loop3A_370 = %parallel_loop3A_349 to %parallel_loop3A_350 step %parallel_loop3A_351  : i32 {
      %parallel_loop3A_371 = arith.constant 64 : i32
      %parallel_loop3A_372 = arith.divsi %parallel_loop3A_370, %parallel_loop3A_371 : i32
      %parallel_loop3A_373 = arith.constant 0 : i32
      %parallel_loop3A_374 = arith.cmpi sgt, %parallel_loop3A_370, %parallel_loop3A_373 : i32
      %parallel_loop3A_375 = arith.extui %parallel_loop3A_374 : i1 to i32
      %parallel_loop3A_376 = arith.constant 0 : i32
      %parallel_loop3A_377 = arith.cmpi slt, %parallel_loop3A_370, %parallel_loop3A_376 : i32
      %parallel_loop3A_378 = arith.extui %parallel_loop3A_377 : i1 to i32
      %parallel_loop3A_379 = arith.subi %parallel_loop3A_375, %parallel_loop3A_378 : i32
      %parallel_loop3A_380 = arith.constant 0 : i32
      %parallel_loop3A_381 = arith.cmpi sgt, %parallel_loop3A_371, %parallel_loop3A_380 : i32
      %parallel_loop3A_382 = arith.extui %parallel_loop3A_381 : i1 to i32
      %parallel_loop3A_383 = arith.constant 0 : i32
      %parallel_loop3A_384 = arith.cmpi slt, %parallel_loop3A_371, %parallel_loop3A_383 : i32
      %parallel_loop3A_385 = arith.extui %parallel_loop3A_384 : i1 to i32
      %parallel_loop3A_386 = arith.subi %parallel_loop3A_382, %parallel_loop3A_385 : i32
      %parallel_loop3A_387 = arith.cmpi ne, %parallel_loop3A_379, %parallel_loop3A_386 : i32
      %parallel_loop3A_388 = arith.remsi %parallel_loop3A_370, %parallel_loop3A_371 : i32
      %parallel_loop3A_389 = arith.constant 0 : i32
      %parallel_loop3A_390 = arith.cmpi ne, %parallel_loop3A_388, %parallel_loop3A_389 : i32
      %parallel_loop3A_391 = arith.andi %parallel_loop3A_387, %parallel_loop3A_390 : i1
      %parallel_loop3A_392 = arith.constant 1 : i32
      %parallel_loop3A_393 = arith.subi %parallel_loop3A_372, %parallel_loop3A_392 : i32
      %parallel_loop3A_394 = arith.select %parallel_loop3A_391, %parallel_loop3A_393, %parallel_loop3A_372 : i32
      %parallel_loop3A_395 = arith.constant 64 : i32
      %parallel_loop3A_396 = arith.constant 0 : i32
      %parallel_loop3A_397 = arith.cmpi eq, %parallel_loop3A_395, %parallel_loop3A_396 : i32
      %parallel_loop3A_398 = arith.constant 1 : i32
      %parallel_loop3A_399 = arith.select %parallel_loop3A_397, %parallel_loop3A_398, %parallel_loop3A_395 : i32
      %parallel_loop3A_400 = arith.remsi %parallel_loop3A_370, %parallel_loop3A_399 : i32
      %parallel_loop3A_401 = arith.constant 0 : i32
      %parallel_loop3A_402 = arith.cmpi ne, %parallel_loop3A_400, %parallel_loop3A_401 : i32
      %parallel_loop3A_403 = arith.constant 0 : i32
      %parallel_loop3A_404 = arith.cmpi slt, %parallel_loop3A_400, %parallel_loop3A_403 : i32
      %parallel_loop3A_405 = arith.constant 0 : i32
      %parallel_loop3A_406 = arith.cmpi slt, %parallel_loop3A_399, %parallel_loop3A_405 : i32
      %parallel_loop3A_407 = arith.xori %parallel_loop3A_404, %parallel_loop3A_406 : i1
      %parallel_loop3A_408 = arith.andi %parallel_loop3A_407, %parallel_loop3A_402 : i1
      %parallel_loop3A_409 = arith.addi %parallel_loop3A_400, %parallel_loop3A_399 : i32
      %parallel_loop3A_410 = arith.select %parallel_loop3A_408, %parallel_loop3A_409, %parallel_loop3A_400 : i32
      %parallel_loop3A_411 = arith.constant 16 : i32
      %parallel_loop3A_412 = arith.muli %parallel_loop3A_410, %parallel_loop3A_411 : i32
      %parallel_loop3A_413 = arith.constant 0 : i32
      %parallel_loop3A_414 = arith.addi %parallel_loop3A_413, %parallel_loop3A_394 : i32
      %parallel_loop3A_415 = arith.index_cast %parallel_loop3A_414 : i32 to index
      %parallel_loop3A_416 = arith.index_cast %parallel_loop3A_412 : i32 to index
      %parallel_loop3A_417 = tpu.vector_load %arg9[%parallel_loop3A_415, %parallel_loop3A_416] {strides = array<i32>} : memref<16x1024xf32, #tpu.memory_space<vmem>>, vector<1x16xf32>,
      %parallel_loop3A_418 = vector.shape_cast %parallel_loop3A_417 : vector<1x16xf32> to vector<16xf32>
      %parallel_loop3A_419 = arith.constant 3.200000e+01 : f32
      %parallel_loop3A_420 = vector.broadcast %parallel_loop3A_419 : f32 to vector<16xf32>
      %parallel_loop3A_421 = arith.mulf %parallel_loop3A_418, %parallel_loop3A_420 : vector<16xf32>
      %parallel_loop3A_422 = arith.index_cast %parallel_loop3A_394 : i32 to index
      %parallel_loop3A_423 = arith.index_cast %parallel_loop3A_412 : i32 to index
      %parallel_loop3A_424 = tpu.vector_load %arg10[%parallel_loop3A_422, %parallel_loop3A_423] {strides = array<i32>} : memref<16x1024xf32, #tpu.memory_space<vmem>>, vector<1x16xf32>,
      %parallel_loop3A_425 = vector.shape_cast %parallel_loop3A_424 : vector<1x16xf32> to vector<16xf32>
      %parallel_loop3A_426 = vector.shape_cast %parallel_loop3A_421 : vector<16xf32> to vector<1x16xf32>
      tpu.vector_store %arg10[%parallel_loop3A_422, %parallel_loop3A_423], %parallel_loop3A_426 {strides = array<i32>} : memref<16x1024xf32, #tpu.memory_space<vmem>>, vector<1x16xf32>,
    } {sc.loop_unroll_factor = 8 : i64, sc.parallel_access}
    %add3A_352 = arith.constant 240 : i32
    %add3A_353 = arith.addi %mul3A_2, %add3A_352 : i32
    %dma_start3A_354 = arith.constant 0 : i32
    %dma_start3A_355 = tpu.memref_slice %arg4[%add3A_353, %dma_start3A_354] : memref<8192x1024xf32, #tpu.memory_space<hbm>> -> memref<16x1024xf32, #tpu.memory_space<hbm>>
    %dma_start3A_356 = arith.constant 0 : i32
    %dma_start3A_357 = tpu.memref_slice %arg4[%add3A_353, %dma_start3A_356] : memref<8192x1024xf32, #tpu.memory_space<hbm>> -> memref<16x1024xf32, #tpu.memory_space<hbm>>
    tpu.enqueue_dma source(%arg10 : memref<16x1024xf32, #tpu.memory_space<vmem>>) target(%dma_start3A_357 : memref<16x1024xf32, #tpu.memory_space<hbm>>) target_semaphore(%arg17 : memref<!tpu.dma_semaphore, #tpu.memory_space<semaphore_mem>>)
    %dma_wait3A_358 = arith.constant 0 : i32
    %dma_wait3A_359 = tpu.memref_slice %arg4[%add3A_353, %dma_wait3A_358] : memref<8192x1024xf32, #tpu.memory_space<hbm>> -> memref<16x1024xf32, #tpu.memory_space<hbm>>
    %dma_wait3A_360 = arith.constant 0 : i32
    %dma_wait3A_361 = tpu.memref_slice %arg4[%add3A_353, %dma_wait3A_360] : memref<8192x1024xf32, #tpu.memory_space<hbm>> -> memref<16x1024xf32, #tpu.memory_space<hbm>>
    tpu.wait_dma2 semaphore(%arg17 : memref<!tpu.dma_semaphore, #tpu.memory_space<semaphore_mem>>) src(%arg10 : memref<16x1024xf32, #tpu.memory_space<vmem>>) dst(%dma_wait3A_361 : memref<16x1024xf32, #tpu.memory_space<hbm>>)
    %dma_wait3A_362 = arith.constant 0 : i32
    %dma_wait3A_363 = tpu.memref_slice %arg4[%add3A_317, %dma_wait3A_362] : memref<8192x1024xf32, #tpu.memory_space<hbm>> -> memref<16x1024xf32, #tpu.memory_space<hbm>>
    %dma_wait3A_364 = arith.constant 0 : i32
    %dma_wait3A_365 = tpu.memref_slice %arg4[%add3A_317, %dma_wait3A_364] : memref<8192x1024xf32, #tpu.memory_space<hbm>> -> memref<16x1024xf32, #tpu.memory_space<hbm>>
    tpu.wait_dma2 semaphore(%arg18 : memref<!tpu.dma_semaphore, #tpu.memory_space<semaphore_mem>>) src(%arg11 : memref<16x1024xf32, #tpu.memory_space<vmem>>) dst(%dma_wait3A_365 : memref<16x1024xf32, #tpu.memory_space<hbm>>)
    %dma_wait3A_366 = arith.constant 0 : i32
    %dma_wait3A_367 = tpu.memref_slice %arg4[%add3A_335, %dma_wait3A_366] : memref<8192x1024xf32, #tpu.memory_space<hbm>> -> memref<16x1024xf32, #tpu.memory_space<hbm>>
    %dma_wait3A_368 = arith.constant 0 : i32
    %dma_wait3A_369 = tpu.memref_slice %arg4[%add3A_335, %dma_wait3A_368] : memref<8192x1024xf32, #tpu.memory_space<hbm>> -> memref<16x1024xf32, #tpu.memory_space<hbm>>
    tpu.wait_dma2 semaphore(%arg19 : memref<!tpu.dma_semaphore, #tpu.memory_space<semaphore_mem>>) src(%arg12 : memref<16x1024xf32, #tpu.memory_space<vmem>>) dst(%dma_wait3A_369 : memref<16x1024xf32, #tpu.memory_space<hbm>>)
    return
  }
}

</mosaic_0001>

<sc_bundles>
// kernel: kernel.3.cloned.1.call-start
scs
__scs_entry_jumppad:
0x0: {  	(pc) =	sbr.rel $0x88, $3  }
0x1: {  	(tag) =	ssettag $0x0;
	lr =	simm.s32 $0x1  }
0x2: {  	[smem:$0x3F9F] =	sst lr;
	_ =	strace $0xD0000000  }
0x3: {  	_ = 	snop  }
0x4: {  	_ = 	snop  }
0x5: {  	_ = 	snop  }
0x6: {  	_ = 	snop  }
0x7: {  	_ = 	snop  }
__scs_overlays_trampoline_lowered:
0x8: {  	[smem:$0x3FAE] =	sst s0  }
0x9: {  	[smem:$0x3FAF] =	sst s1  }
0xa: {  	[smem:$0x3FB0] =	sst s2  }
0xb: {  	[smem:$0x3FB1] =	sst s3  }
0xc: {  	[smem:$0x3FB2] =	sst s4  }
0xd: {  	[smem:$0x3FB3] =	sst s5  }
0xe: {  	[smem:$0x3FB4] =	sst s6  }
0xf: {  	[smem:$0x3FB5] =	sst s7  }
0x10: {  	[smem:$0x3FB6] =	sst s8  }
0x11: {  	[smem:$0x3FB7] =	sst s9;
	s0 =	simm.s32 @!p0 $0x0  }
0x12: {  	s1 =	sld [smem:$0x3F9D];
	s0 =	simm.s32 @p0 $0x1  }
0x13: {  	[smem:$0x3FB8] =	sst s0;
	s0 =	simm.s32 @!p1 $0x0  }
0x14: {  	s2 =	sld [smem:$0x3F9C];
	s0 =	simm.s32 @p1 $0x1  }
0x15: {  	[smem:$0x3FB9] =	sst s0;
	s0 =	simm.s32 @!p2 $0x0  }
0x16: {  	s3 =	sld [smem:$0x3FDB];
	s0 =	simm.s32 @p2 $0x1  }
0x17: {  	s4 =	simm.s32 $0x1BF5;
	[smem:$0x3FBB] =	sst s0  }
0x18: {  	s0 =	sld [smem:$0x3F9E];
	_ =	swait.ge [sflag:s4], $0x0  }
0x19: {  	s7 =	sld [smem:$0x3F9F]  }
0x1a: {  	s8 =	sadd.s32 $0xFFFFE003, lr  }
0x1b: {  	s9 =	sadd.s32 $0xFFFFFEF7, lr;
	s5 =	simm.s32 $0xFFFFFFFF;
	p2 =	slt.u32 s8, $0xFFFFF086  }
0x1c: {  	p1 =	slt.u32 s9, $0xF7A;
	s5 =	simm.s32 @!p2 $0x0  }
0x1d: {  	s5 =	simm.s32 @p1 $0x1;
	p0 =	seq.s32 s7, s2  }
0x1e: {  	s7 =	smul.u32 @!p0 $0xF7A, s2;
	p2 =	seq.s32 @!p0 s5, $0x0  }
0x1f: {  	s9 =	smul.u32 $0xF7A, s1;
	s8 =	simm.s32 @!p0 $0x1BF5;
	p2 =	por !p2, p0  }
0x20: {  	[sflag:s8] =	ssyncset.s32 @!p0 $0xFFFFF086;
	s6 =	sadd.s32 @!p0 s3, s7;
	s7 =	simm.s32 @!p0 $0x108  }
0x21: {  	s3 =	sadd.s32 s3, s9;
	s6 =	sadd.s32 @!p0 $0x88, s6;
	s7 =	simm.s32 @p2 $0x1082  }
0x22: {  	[simem:s7], [sflag:s8] =	dma.local @!p0 [hbm:s6], $0xF7A  }
0x23: {  	s9 =	sor.u32 $0xD0000000, s2;
	s6 =	simm.s32 $0x108;
	_ =	swait.ge @!p0 [sflag:s8], $0x0  }
0x24: {  	s3 =	sadd.s32 $0x88, s3;
	s6 =	simm.s32 @!p1 $0x1082;
	[sflag:s4] =	ssyncset.s32 $0xFFFFF086  }
0x25: {  	[simem:s6], [sflag:s4] =	dma.local [hbm:s3], $0xF7A  }
0x26: {  	[smem:$0x3F9F] =	sst s1;
	(tag) =	ssettag s2;
	_ =	strace s9  }
0x27: {  	s1 =	sld [smem:$0x3FAF]  }
0x28: {  	s2 =	sld [smem:$0x3FB0]  }
0x29: {  	s4 =	sld [smem:$0x3FB2]  }
0x2a: {  	p0 =	seq.s32 s5, $0x0;
	s5 =	sld [smem:$0x3FB3]  }
0x2b: {  	s6 =	sld [smem:$0x3FB4]  }
0x2c: {  	s7 =	sld [smem:$0x3FB5]  }
0x2d: {  	s3 =	simm.s32 $0x108;
	s8 =	sld [smem:$0x3FB6]  }
0x2e: {  	s3 =	simm.s32 @!p0 $0x1082;
	s9 =	sld [smem:$0x3FB7]  }
0x2f: {  	lr =	sadd.s32 s0, s3;
	s0 =	sld [smem:$0x3FAE]  }
0x30: {  	s3 =	sld [smem:$0x3FB1]  }
0x31: {  	[smem:$0x3FBA] =	sst s10  }
0x32: {  	s10 =	sld [smem:$0x3FB8];
	_ =	sdelay $0x3  }
0x33: {  	p0 =	seq.s32 s10, $0x1;
	s10 =	sld [smem:$0x3FBA];
	_ =	sdelay $0x3  }
0x34: {  	[smem:$0x3FBA] =	sst s10  }
0x35: {  	s10 =	sld [smem:$0x3FB9];
	_ =	sdelay $0x3  }
0x36: {  	p1 =	seq.s32 s10, $0x1;
	s10 =	sld [smem:$0x3FBA];
	_ =	sdelay $0x3  }
0x37: {  	[smem:$0x3FBA] =	sst s10  }
0x38: {  	s10 =	sld [smem:$0x3FBB]  }
0x39: {  	_ = 	snop;
	(pc) =	sbr.ind lr, $3  }
0x3a: {  	_ = 	snop  }
0x3b: {  	_ = 	snop  }
0x3c: {  	p2 =	seq.s32 s10, $0x1;
	s10 =	sld [smem:$0x3FBA]  }
0x3d: {  	_ =	shalt  }
0x3e: {  	_ =	shalt  }
0x3f: {  	_ =	shalt  }
0x40: {  	_ =	shalt  }
0x41: {  	_ =	shalt  }
0x42: {  	_ =	shalt  }
0x43: {  	_ =	shalt  }
0x44: {  	_ =	shalt  }
0x45: {  	_ =	shalt  }
0x46: {  	_ =	shalt  }
0x47: {  	_ =	shalt  }
0x48: {  	_ =	shalt  }
0x49: {  	_ =	shalt  }
0x4a: {  	_ =	shalt  }
0x4b: {  	_ =	shalt  }
0x4c: {  	_ =	shalt  }
0x4d: {  	_ =	shalt  }
0x4e: {  	_ =	shalt  }
0x4f: {  	_ =	shalt  }
0x50: {  	_ =	shalt  }
0x51: {  	_ =	shalt  }
0x52: {  	_ =	shalt  }
0x53: {  	_ =	shalt  }
0x54: {  	_ =	shalt  }
0x55: {  	_ =	shalt  }
0x56: {  	_ =	shalt  }
0x57: {  	_ =	shalt  }
0x58: {  	_ =	shalt  }
0x59: {  	_ =	shalt  }
0x5a: {  	_ =	shalt  }
0x5b: {  	_ =	shalt  }
0x5c: {  	_ =	shalt  }
0x5d: {  	_ =	shalt  }
0x5e: {  	_ =	shalt  }
0x5f: {  	_ =	shalt  }
0x60: {  	_ =	shalt  }
0x61: {  	_ =	shalt  }
0x62: {  	_ =	shalt  }
0x63: {  	_ =	shalt  }
0x64: {  	_ =	shalt  }
0x65: {  	_ =	shalt  }
0x66: {  	_ =	shalt  }
0x67: {  	_ =	shalt  }
0x68: {  	_ =	shalt  }
0x69: {  	_ =	shalt  }
0x6a: {  	_ =	shalt  }
0x6b: {  	_ =	shalt  }
0x6c: {  	_ =	shalt  }
0x6d: {  	_ =	shalt  }
0x6e: {  	_ =	shalt  }
0x6f: {  	_ =	shalt  }
0x70: {  	_ =	shalt  }
0x71: {  	_ =	shalt  }
0x72: {  	_ =	shalt  }
0x73: {  	_ =	shalt  }
0x74: {  	_ =	shalt  }
0x75: {  	_ =	shalt  }
0x76: {  	_ =	shalt  }
0x77: {  	_ =	shalt  }
0x78: {  	_ =	shalt  }
0x79: {  	_ =	shalt  }
0x7a: {  	_ =	shalt  }
0x7b: {  	_ =	shalt  }
0x7c: {  	_ =	shalt  }
0x7d: {  	_ =	shalt  }
0x7e: {  	_ =	shalt  }
0x7f: {  	_ =	shalt  }
0x80: {  	_ =	shalt  }
0x81: {  	_ =	shalt  }
0x82: {  	_ =	shalt  }
0x83: {  	_ =	shalt  }
0x84: {  	_ =	shalt  }
0x85: {  	_ =	shalt  }
0x86: {  	_ =	shalt  }
0x87: {  	_ =	shalt  }
.Lfunc_end0:
.L_simem_size_0:
called_computation_lowered:
.L_overlay_start_0:
0x88: {  	s2 =	sld [smem:$0x3FD9]  }
0x89: {  	s3 =	sld [smem:$0x3FFE];
	_ =	sdelay $0x1  }
0x8a: {  	s1 =	srdreg.scid  }
0x8b: {  	s0 =	sand.u32 $0x1, s1  }
0x8c: {  	s17 =	sshll.u32 s0, $0xA;
	s2 =	sadd.s32 s3, s2  }
0x8d: {  	s2 =	sadd.s32 s2, s17  }
0x8e: {  	[smem:$0x3FC6] =	sst s2  }
0x8f: {  	_ = 	snop  }
0x90: {  	s2 =	sld [smem:$0x3FC8]  }
0x91: {  	s18 =	sld [smem:$0x3FD0];
	(tm) =	ssettm $0x1  }
0x92: {  	s4 =	sld [smem:$0x3FFB];
	_ =	sdelay $0x3  }
0x93: {  	_ =	strace s4  }
0x94: {  	s4 =	sld [smem:$0x3FFC];
	_ =	sdelay $0x3  }
0x95: {  	_ =	strace s4  }
0x96: {  	s4 =	sld [smem:$0x3FFD];
	_ =	sdelay $0x3  }
0x97: {  	_ =	strace s4  }
0x98: {  	_ =	strace $0x8FFFFFFF  }
0x99: {  	s19 =	sld [smem:$0x3FDB];
	_ =	sdelay $0x1  }
0x9a: {  	s5 =	simm.s32 $_scs_section_size  }
0x9b: {  	s6 =	simm.s32 $_size__tile_overlayer_lowered;
	s7 =	simm.s32 $_tile_overlayer_lowered  }
0x9c: {  	s22 =	simm.s32 $0x1BFF;
	s21 =	sshll.u32 s7, $0x1;
	s4 =	sadd.s32 s5, s19  }
0x9d: {  	s8 =	simm.s32 $0x0;
	s20 =	sshll.u32 s6, $0x1;
	s6 =	sadd.s32 s21, s4  }
0x9e: {  	[timem:s8], [sflag:s22] =	dma.local [hbm:s6], s20  }
0x9f: {  	_ =	swait.ge [sflag:s22], s20  }
0xa0: {  	s5 =	ssub.s32 $0x0, s20;
	[sflag:s22] =	ssyncset.done $0x0  }
0xa1: {  	[sflag:s22] =	ssyncadd.s32 s5;
	_ =	sdelay $0x1  }
0xa2: {  	s23 =	simm.s32 $0x1B8B  }
0xa3: {  	_ =	swait.ge [sflag:s23], $0x1  }
0xa4: {  	[sflag:s23] =	ssyncset.done $0x0  }
0xa5: {  	s25 =	simm.s32 $0x1B8E;
	s24 =	sld [smem:$0x3FFE];
	[sflag:s23] =	ssyncadd.s32 $0xFFFFFFFF  }
0xa6: {  	s26 =	simm.s32 $execute0_lowered;
	[smem:$0x3FD2] =	sst s25  }
0xa7: {  	s6 =	sshll.u32 s26, $0x1;
	_ =	strace $0x80000046;
	[dreg:$0x1] =	wrdreg $0xFFFFFFFF  }
0xa8: {  	s28 =	simm.s32 $_size_execute0_lowered;
	s4 =	sadd.s32 s4, s6;
	[dreg:$0x0] =	wrdreg $0x0  }
0xa9: {  	s6 =	sshll.u32 s28, $0x1;
	[dreg:$0x2] =	wrdreg s4  }
0xaa: {  	[dreg:$0x3] =	wrdreg s6  }
0xab: {  	[dreg:$0x4] =	wrdreg $0xC0  }
0xac: {  	_ =	task [dreg:s8], $0x5FFFF  }
0xad: {  	[dreg:$0x1] =	wrdreg $0xFFFFFFFF  }
0xae: {  	[dreg:$0x0] =	wrdreg $0x60  }
0xaf: {  	[dreg:$0x2] =	wrdreg s24  }
0xb0: {  	[dreg:$0x3] =	wrdreg s2  }
0xb1: {  	[dreg:$0x4] =	wrdreg s18  }
0xb2: {  	[dreg:$0x5] =	wrdreg $0x9  }
0xb3: {  	_ =	task.clear_ibuf [dreg:s8], $0x6FFFF;
	_ =	strace $0x90000046  }
0xb4: {  	s29 =	simm.s32 $0x9;
	_ =	strace $0x80000048  }
0xb5: {  	_ =	swait.ge [sflag:s29], $0x1  }
0xb6: {  	[sflag:s29] =	ssyncadd.s32 $0xFFFFFFFF  }
0xb7: {  	_ =	strace $0x90000048  }
0xb8: {  	_ =	sfence  }
0xb9: {  	s30 =	sld [smem:$0x0];
	_ =	sdelay $0x2  }
0xba: {  	s31 =	sshll.u32 s1, $0xD;
	s1 =	sshrl.u32 s1, $0x2  }
0xbb: {  	s3 =	sand.u32 $0x4000, s31;
	s1 =	sadd.s32 s1, s30  }
0xbc: {  	s0 =	sor.u32 s3, s0;
	s1 =	sshll.u32 s1, $0x11  }
0xbd: {  	s0 =	sor.u32 s1, s0  }
0xbe: {  	s0 =	sadd.s32 $0x8F2B, s0  }
0xbf: {  	[sflag:s0] =	ssyncadd.remote.s32 $0x1  }
0xc0: {  	_ =	sfence.sel $0xFFFF  }
0xc1: {  	[dreg:$0x0] =	wrdreg $0xFFFFFFFF;
	(pc) =	sbr.abs _section_cstart, $3  }
0xc2: {  	[dreg:$0x1] =	wrdreg $0xFFFFFFFF  }
0xc3: {  	_ =	task.clear_ibuf [dreg:s8], $0x2FFFF;
	_ =	strace $0x9FFFFFFF  }
0xc4: {  	(tm) =	ssettm $0x7FFFFFFF  }
0xc5: {  	_ =	shalt  }
tec
execute0_lowered:
.L_overlay_start_1:
0x0: {  	(tag) =	ssettag $0x1  }
0x1: {  	s0 =	rddreg [dreg:$0x0]  }
0x2: {  	s1 =	rddreg [dreg:$0x1];
	s4 =	srdreg.scid  }
0x3: {  	s2 =	rddreg [dreg:$0x2];
	s5 =	stileid.u32;
	s4 =	sand.u32 $0x1, s4  }
0x4: {  	s3 =	simm.s32 $0x0;
	s5 =	sshll.u32 s5, $0x9;
	s6 =	sshll.u32 s4, $0x8  }
0x5: {  	[smem:$0x7FF] =	sst s3;
	s4 =	ssub.s32 $0x2, s4;
	s7 =	sor.u32 s6, s5  }
0x6: {  	s0 =	sadd.s32 $0x400, s0;
	s9 =	sshrl.u32 s4, $0x1;
	s6 =	sshrl.u32 s7, $0x3  }
0x7: {  	s4 =	ssub.s32 s4, s9;
	s9 =	sshll.u32 s7, $0x7;
	s10 =	sadd.s32 s0, s6  }
0x8: {  	_ =	strace $0x80000047;
	s9 =	sadd.s32 s2, s9;
	[dreg:$0x4] =	wrdreg s10  }
0x9: {  	s26 =	smax.u32 s4, $0x1;
	[dreg:$0x5] =	wrdreg s9  }
0xa: {  	s11 =	sadd.s32 $0x800, s9;
	[dreg:$0x16] =	wrdreg s26  }
0xb: {  	s13 =	sadd.s32 $0x1000, s9;
	[dreg:$0x7] =	wrdreg s11  }
0xc: {  	s28 =	simm.s32 $0xC900;
	s14 =	sadd.s32 $0x1800, s9;
	[dreg:$0x8] =	wrdreg s13  }
0xd: {  	s29 =	simm.s32 $0xD100;
	s15 =	sadd.s32 $0x2800, s9;
	[dreg:$0x9] =	wrdreg s14  }
0xe: {  	s30 =	simm.s32 $0xD900;
	s16 =	sadd.s32 $0x3000, s9;
	[dreg:$0xb] =	wrdreg s15  }
0xf: {  	s31 =	simm.s32 $0xE100;
	s17 =	sadd.s32 $0x3800, s9;
	[dreg:$0xc] =	wrdreg s16  }
0x10: {  	s5 =	sadd.s32 $0x100, s1;
	s18 =	sadd.s32 $0x4000, s9;
	[dreg:$0xd] =	wrdreg s17  }
0x11: {  	s8 =	sor.u32 $0x40, s7;
	s19 =	sadd.s32 $0x4800, s9;
	[dreg:$0xe] =	wrdreg s18  }
0x12: {  	s7 =	sadd.s32 $0x300, s1;
	s20 =	sadd.s32 $0x5000, s9;
	[dreg:$0xf] =	wrdreg s19  }
0x13: {  	s6 =	sadd.s32 $0x200, s1;
	s21 =	sadd.s32 $0x5800, s9;
	[dreg:$0x10] =	wrdreg s20  }
0x14: {  	s12 =	sshll.u32 s8, $0x7;
	s22 =	sadd.s32 $0x6000, s9;
	[dreg:$0x11] =	wrdreg s21  }
0x15: {  	s4 =	simm.s32 $0xF900;
	s23 =	sadd.s32 $0x6800, s9;
	[dreg:$0x12] =	wrdreg s22  }
0x16: {  	s10 =	sshrl.u32 s8, $0x3;
	s24 =	sadd.s32 $0x7000, s9;
	[dreg:$0x13] =	wrdreg s23  }
0x17: {  	s25 =	sadd.s32 $0x7800, s9;
	s26 =	simm.s32 $0x8;
	[dreg:$0x14] =	wrdreg s24  }
0x18: {  	s9 =	simm.s32 $0x1;
	s0 =	sadd.s32 s0, s10;
	[dreg:$0x15] =	wrdreg s25  }
0x19: {  	s10 =	simm.s32 $0x10100;
	s11 =	simm.s32 $0x2;
	s13 =	simm.s32 $0x3  }
0x1a: {  	s14 =	simm.s32 $0x18100;
	s15 =	simm.s32 $0x4;
	s16 =	simm.s32 $0x5  }
0x1b: {  	v2 =	vlaneseq.u32;
	s17 =	simm.s32 $0x6;
	s18 =	simm.s32 $0x7;
	s19 =	simm.s32 $0x0  }
0x1c: {  	vm0 =	vmmov $0xffff;
	v1 =	vshrl.u32 v2, $0x3;
	[dreg:$0x6] =	wrdreg s0;
	s0 =	sadd.s32 s2, s12;
	s2 =	simm.s32 $0xF100  }
0x1d: {  	v0 =	vand.u32 $0x7, v2;
	v2 =	vor.u32 $0x8, v2;
	v1 =	vmul.u32 $0x8, v1;
	s12 =	simm.s32 $0x14100;
	[dreg:$0xa] =	wrdreg s0;
	s0 =	simm.s32 $0xE900  }
.LBB2_1:
0x1e: {  	s8 =	rddreg [dreg:$0x4]  }
0x1f: {  	[tilespmem:s3], [sflag:$0x8] =	stream.linear.gather [hbm4b:s8+s3], $0x40, $0x38;
	[tilespmem:$0x1C100] =	vst v63  }
0x20: {  	_ =	swait.ge [sflag:s26], $0x40  }
0x21: {  	[sflag:s26] =	ssyncset.done $0x0  }
0x22: {  	[sflag:s26] =	ssyncadd.s32 $0xFFFFFFC0  }
0x23: {  	v3 =	vld [tilespmem:$0x0];
	_ =	sdelay $0x4  }
0x24: {  	v4 =	vshll.u32 v3, $0x3  }
0x25: {  	v3 =	vand.u32 $0x7, v3;
	v4 =	vand.u32 $0xFFFFFFC0, v4  }
0x26: {  	v3 =	vor.u32 v3, v4  }
0x27: {  	v4 =	vperm.xlane v3, v0;
	_ =	sdelay $0x1  }
0x28: {  	v4 =	vadd.s32 v1, v4;
	_ =	sdelay $0x3  }
0x29: {  	s20 =	simm.s32 $0x100  }
0x2a: {  	[tilespmem:s20], [sflag:$0x1] =	stream.indirect_vreg.gather [hbm4b:s1+s3], $0x80, v4, vm0, $0xb8;
	[tilespmem:$0x1C100] =	vst v63  }
0x2b: {  	s21 =	simm.s32 $0x900;
	v3 =	vperm.xlane v3, v2  }
0x2c: {  	[tilespmem:s21], [sflag:$0x1] =	stream.indirect_vreg.gather [hbm4b:s5+s3], $0x80, v4, vm0, $0xb8;
	[tilespmem:$0x1C100] =	vst v63  }
0x2d: {  	s22 =	simm.s32 $0x1100;
	v3 =	vadd.s32 v1, v3  }
0x2e: {  	[tilespmem:s22], [sflag:$0x1] =	stream.indirect_vreg.gather [hbm4b:s6+s3], $0x80, v4, vm0, $0xb8;
	[tilespmem:$0x1C100] =	vst v63  }
0x2f: {  	s23 =	simm.s32 $0x1900  }
0x30: {  	[tilespmem:s23], [sflag:$0x1] =	stream.indirect_vreg.gather [hbm4b:s7+s3], $0x80, v4, vm0, $0xb8;
	[tilespmem:$0x1C100] =	vst v63  }
0x31: {  	s24 =	simm.s32 $0x2100  }
0x32: {  	[tilespmem:s24], [sflag:$0x1] =	stream.indirect_vreg.gather [hbm4b:s1+s3], $0x80, v3, vm0, $0xb8;
	[tilespmem:$0x1C100] =	vst v63  }
0x33: {  	s25 =	simm.s32 $0x2900  }
0x34: {  	[tilespmem:s25], [sflag:$0x1] =	stream.indirect_vreg.gather [hbm4b:s5+s3], $0x80, v3, vm0, $0xb8;
	[tilespmem:$0x1C100] =	vst v63  }
0x35: {  	s20 =	simm.s32 $0x3100  }
0x36: {  	[tilespmem:s20], [sflag:$0x1] =	stream.indirect_vreg.gather [hbm4b:s6+s3], $0x80, v3, vm0, $0xb8;
	[tilespmem:$0x1C100] =	vst v63  }
0x37: {  	s21 =	simm.s32 $0x3900  }
0x38: {  	[tilespmem:s21], [sflag:$0x1] =	stream.indirect_vreg.gather [hbm4b:s7+s3], $0x80, v3, vm0, $0xb8;
	[tilespmem:$0x1C100] =	vst v63  }
0x39: {  	v3 =	vld [tilespmem:$0x10];
	_ =	sdelay $0x4  }
0x3a: {  	v4 =	vshll.u32 v3, $0x3  }
0x3b: {  	v3 =	vand.u32 $0x7, v3;
	v4 =	vand.u32 $0xFFFFFFC0, v4  }
0x3c: {  	v3 =	vor.u32 v3, v4  }
0x3d: {  	v4 =	vperm.xlane v3, v0;
	_ =	sdelay $0x1  }
0x3e: {  	v4 =	vadd.s32 v1, v4;
	_ =	sdelay $0x3  }
0x3f: {  	s22 =	simm.s32 $0x4100  }
0x40: {  	[tilespmem:s22], [sflag:$0x2] =	stream.indirect_vreg.gather [hbm4b:s1+s3], $0x80, v4, vm0, $0xb8;
	[tilespmem:$0x1C100] =	vst v63  }
0x41: {  	s23 =	simm.s32 $0x4900;
	v3 =	vperm.xlane v3, v2  }
0x42: {  	[tilespmem:s23], [sflag:$0x2] =	stream.indirect_vreg.gather [hbm4b:s5+s3], $0x80, v4, vm0, $0xb8;
	[tilespmem:$0x1C100] =	vst v63  }
0x43: {  	s24 =	simm.s32 $0x5100;
	v3 =	vadd.s32 v1, v3  }
0x44: {  	[tilespmem:s24], [sflag:$0x2] =	stream.indirect_vreg.gather [hbm4b:s6+s3], $0x80, v4, vm0, $0xb8;
	[tilespmem:$0x1C100] =	vst v63  }
0x45: {  	s25 =	simm.s32 $0x5900  }
0x46: {  	[tilespmem:s25], [sflag:$0x2] =	stream.indirect_vreg.gather [hbm4b:s7+s3], $0x80, v4, vm0, $0xb8;
	[tilespmem:$0x1C100] =	vst v63  }
0x47: {  	s20 =	simm.s32 $0x6100  }
0x48: {  	[tilespmem:s20], [sflag:$0x2] =	stream.indirect_vreg.gather [hbm4b:s1+s3], $0x80, v3, vm0, $0xb8;
	[tilespmem:$0x1C100] =	vst v63  }
0x49: {  	s21 =	simm.s32 $0x6900  }
0x4a: {  	[tilespmem:s21], [sflag:$0x2] =	stream.indirect_vreg.gather [hbm4b:s5+s3], $0x80, v3, vm0, $0xb8;
	[tilespmem:$0x1C100] =	vst v63  }
0x4b: {  	s22 =	simm.s32 $0x7100  }
0x4c: {  	[tilespmem:s22], [sflag:$0x2] =	stream.indirect_vreg.gather [hbm4b:s6+s3], $0x80, v3, vm0, $0xb8;
	[tilespmem:$0x1C100] =	vst v63  }
0x4d: {  	s23 =	simm.s32 $0x7900  }
0x4e: {  	[tilespmem:s23], [sflag:$0x2] =	stream.indirect_vreg.gather [hbm4b:s7+s3], $0x80, v3, vm0, $0xb8;
	[tilespmem:$0x1C100] =	vst v63  }
0x4f: {  	v3 =	vld [tilespmem:$0x20];
	_ =	sdelay $0x4  }
0x50: {  	v4 =	vshll.u32 v3, $0x3  }
0x51: {  	v3 =	vand.u32 $0x7, v3;
	v4 =	vand.u32 $0xFFFFFFC0, v4  }
0x52: {  	v3 =	vor.u32 v3, v4  }
0x53: {  	v4 =	vperm.xlane v3, v0;
	_ =	sdelay $0x1  }
0x54: {  	v4 =	vadd.s32 v1, v4;
	_ =	sdelay $0x3  }
0x55: {  	s24 =	simm.s32 $0x8100  }
0x56: {  	[tilespmem:s24], [sflag:$0x3] =	stream.indirect_vreg.gather [hbm4b:s1+s3], $0x80, v4, vm0, $0xb8;
	[tilespmem:$0x1C100] =	vst v63  }
0x57: {  	s25 =	simm.s32 $0x8900;
	v3 =	vperm.xlane v3, v2  }
0x58: {  	[tilespmem:s25], [sflag:$0x3] =	stream.indirect_vreg.gather [hbm4b:s5+s3], $0x80, v4, vm0, $0xb8;
	[tilespmem:$0x1C100] =	vst v63  }
0x59: {  	s20 =	simm.s32 $0x9100;
	v3 =	vadd.s32 v1, v3  }
0x5a: {  	[tilespmem:s20], [sflag:$0x3] =	stream.indirect_vreg.gather [hbm4b:s6+s3], $0x80, v4, vm0, $0xb8;
	[tilespmem:$0x1C100] =	vst v63  }
0x5b: {  	s21 =	simm.s32 $0x9900  }
0x5c: {  	[tilespmem:s21], [sflag:$0x3] =	stream.indirect_vreg.gather [hbm4b:s7+s3], $0x80, v4, vm0, $0xb8;
	[tilespmem:$0x1C100] =	vst v63  }
0x5d: {  	s22 =	simm.s32 $0xA100  }
0x5e: {  	[tilespmem:s22], [sflag:$0x3] =	stream.indirect_vreg.gather [hbm4b:s1+s3], $0x80, v3, vm0, $0xb8;
	[tilespmem:$0x1C100] =	vst v63  }
0x5f: {  	s23 =	simm.s32 $0xA900  }
0x60: {  	[tilespmem:s23], [sflag:$0x3] =	stream.indirect_vreg.gather [hbm4b:s5+s3], $0x80, v3, vm0, $0xb8;
	[tilespmem:$0x1C100] =	vst v63  }
0x61: {  	s24 =	simm.s32 $0xB100  }
0x62: {  	[tilespmem:s24], [sflag:$0x3] =	stream.indirect_vreg.gather [hbm4b:s6+s3], $0x80, v3, vm0, $0xb8;
	[tilespmem:$0x1C100] =	vst v63  }
0x63: {  	s25 =	simm.s32 $0xB900  }
0x64: {  	[tilespmem:s25], [sflag:$0x3] =	stream.indirect_vreg.gather [hbm4b:s7+s3], $0x80, v3, vm0, $0xb8;
	[tilespmem:$0x1C100] =	vst v63  }
0x65: {  	v3 =	vld [tilespmem:$0x30];
	_ =	sdelay $0x4  }
0x66: {  	v4 =	vshll.u32 v3, $0x3  }
0x67: {  	v3 =	vand.u32 $0x7, v3;
	v4 =	vand.u32 $0xFFFFFFC0, v4  }
0x68: {  	v3 =	vor.u32 v3, v4  }
0x69: {  	v4 =	vperm.xlane v3, v0;
	_ =	sdelay $0x1  }
0x6a: {  	v4 =	vadd.s32 v1, v4;
	_ =	sdelay $0x3  }
0x6b: {  	s20 =	simm.s32 $0xC100  }
0x6c: {  	[tilespmem:s20], [sflag:$0x4] =	stream.indirect_vreg.gather [hbm4b:s1+s3], $0x80, v4, vm0, $0xb8;
	[tilespmem:$0x1C100] =	vst v63  }
0x6d: {  	v3 =	vperm.xlane v3, v2  }
0x6e: {  	[tilespmem:s28], [sflag:$0x4] =	stream.indirect_vreg.gather [hbm4b:s5+s3], $0x80, v4, vm0, $0xb8;
	[tilespmem:$0x1C100] =	vst v63  }
0x6f: {  	v3 =	vadd.s32 v1, v3  }
0x70: {  	[tilespmem:s29], [sflag:$0x4] =	stream.indirect_vreg.gather [hbm4b:s6+s3], $0x80, v4, vm0, $0xb8;
	[tilespmem:$0x1C100] =	vst v63  }
0x71: {  	_ = 	snop  }
0x72: {  	[tilespmem:s30], [sflag:$0x4] =	stream.indirect_vreg.gather [hbm4b:s7+s3], $0x80, v4, vm0, $0xb8;
	[tilespmem:$0x1C100] =	vst v63  }
0x73: {  	_ = 	snop  }
0x74: {  	[tilespmem:s31], [sflag:$0x4] =	stream.indirect_vreg.gather [hbm4b:s1+s3], $0x80, v3, vm0, $0xb8;
	[tilespmem:$0x1C100] =	vst v63  }
0x75: {  	_ = 	snop  }
0x76: {  	[tilespmem:s0], [sflag:$0x4] =	stream.indirect_vreg.gather [hbm4b:s5+s3], $0x80, v3, vm0, $0xb8;
	[tilespmem:$0x1C100] =	vst v63  }
0x77: {  	_ = 	snop  }
0x78: {  	[tilespmem:s2], [sflag:$0x4] =	stream.indirect_vreg.gather [hbm4b:s6+s3], $0x80, v3, vm0, $0xb8;
	[tilespmem:$0x1C100] =	vst v63  }
0x79: {  	_ = 	snop  }
0x7a: {  	[tilespmem:s4], [sflag:$0x4] =	stream.indirect_vreg.gather [hbm4b:s7+s3], $0x80, v3, vm0, $0xb8;
	[tilespmem:$0x1C100] =	vst v63  }
0x7b: {  	s21 =	rddreg [dreg:$0x6];
	s20 =	simm.s32 $0x40  }
0x7c: {  	[tilespmem:s20], [sflag:$0x8] =	stream.linear.gather [hbm4b:s21+s3], $0xC0, $0x38;
	[tilespmem:$0x1C100] =	vst v63  }
0x7d: {  	_ =	swait.ge [sflag:s26], $0xC0  }
0x7e: {  	s22 =	simm.s32 $0x0;
	[sflag:s26] =	ssyncset.done $0x0  }
0x7f: {  	s20 =	sand.u32 $0x2000, s22;
	[sflag:s26] =	ssyncadd.s32 $0xFFFFFF40  }
0x80: {  	s21 =	sand.u32 $0x1C00, s3;
	s22 =	simm.s32 $0x0;
	_ =	swait.ge [sflag:s9], $0x4000  }
0x81: {  	s20 =	sor.u32 s21, s20;
	s23 =	sand.u32 $0x380, s22;
	[sflag:s9] =	ssyncset.done $0x0  }
0x82: {  	s21 =	sor.u32 s23, s20;
	[sflag:s9] =	ssyncadd.s32 $0xFFFFC000  }
0x83: {  	v3 =	vld [tilespmem:s21+$0x170]  }
0x84: {  	v4 =	vld [tilespmem:s21+$0x100]  }
0x85: {  	v5 =	vld [tilespmem:s21+$0x110]  }
0x86: {  	v6 =	vld [tilespmem:s21+$0x120]  }
0x87: {  	s24 =	simm.s32 $0x80;
	s22 =	simm.s32 $0x400;
	v8 =	vld [tilespmem:s21+$0x130]  }
0x88: {  	s20 =	sand.u32 $0x2000, s24;
	s23 =	sand.u32 $0x1C00, s22;
	s24 =	simm.s32 $0x10;
	v10 =	vld [tilespmem:s21+$0x140];
	v3 =	vmul.f32 $3.200000000e+01, v3  }
0x89: {  	s20 =	sor.u32 s23, s20;
	s25 =	sand.u32 $0x380, s24;
	v7 =	vld [tilespmem:s21+$0x150];
	v4 =	vmul.f32 $3.200000000e+01, v4  }
0x8a: {  	s20 =	sor.u32 s25, s20;
	v9 =	vmul.f32 $3.200000000e+01, v5;
	v5 =	vld [tilespmem:s21+$0x160];
	[tilespmem:s21+$0x10170] =	vst v3  }
0x8b: {  	v11 =	vmul.f32 $3.200000000e+01, v6;
	v3 =	vld [tilespmem:s20+$0x170];
	[tilespmem:s21+$0x10100] =	vst v4  }
0x8c: {  	v4 =	vld [tilespmem:s20+$0x100];
	[tilespmem:s21+$0x10110] =	vst v9;
	v9 =	vmul.f32 $3.200000000e+01, v8  }
0x8d: {  	s23 =	simm.s32 $0x8;
	v6 =	vld [tilespmem:s20+$0x110];
	[tilespmem:s21+$0x10120] =	vst v11;
	v8 =	vmul.f32 $3.200000000e+01, v10  }
.LBB2_2:
0x8e: {  	s23 =	sadd.s32 $0x8, s23;
	v10 =	vld [tilespmem:s20+$0x120];
	[tilespmem:s21+$0x10130] =	vst v9;
	v7 =	vmul.f32 $3.200000000e+01, v7  }
0x8f: {  	s22 =	sadd.s32 $0x400, s22;
	s24 =	sshll.u32 s23, $0x4;
	p0 =	slt.u32 s23, $0x3F8;
	v9 =	vld [tilespmem:s20+$0x130];
	[tilespmem:s21+$0x10140] =	vst v8;
	v5 =	vmul.f32 $3.200000000e+01, v5  }
0x90: {  	s25 =	sand.u32 $0x1C00, s22;
	s8 =	sshll.u32 s23, $0x1;
	s24 =	sand.u32 $0x2000, s24;
	v8 =	vld [tilespmem:s20+$0x140];
	v3 =	vmul.f32 $3.200000000e+01, v3;
	[tilespmem:s21+$0x10150] =	vst v7  }
.Ltmp0:
0x91: {  	s8 =	sand.u32 $0x380, s8;
	s24 =	sor.u32 s25, s24;
	v4 =	vmul.f32 $3.200000000e+01, v4;
	v7 =	vld [tilespmem:s20+$0x150];
	[tilespmem:s21+$0x10160] =	vst v5;
	(pc) =	sbr.rel @p0 .LBB2_2-.Ltmp0, $4  }
0x92: {  	s21 =	smov.u32 s20;
	v6 =	vmul.f32 $3.200000000e+01, v6;
	v5 =	vld [tilespmem:s20+$0x160];
	[tilespmem:s20+$0x10170] =	vst v3;
	s20 =	sor.u32 s8, s24  }
0x93: {  	v3 =	vld [tilespmem:s20+$0x170];
	[tilespmem:s21+$0x10100] =	vst v4;
	v10 =	vmul.f32 $3.200000000e+01, v10  }
0x94: {  	v4 =	vld [tilespmem:s20+$0x100];
	[tilespmem:s21+$0x10110] =	vst v6;
	v9 =	vmul.f32 $3.200000000e+01, v9  }
0x95: {  	v6 =	vld [tilespmem:s20+$0x110];
	[tilespmem:s21+$0x10120] =	vst v10;
	v8 =	vmul.f32 $3.200000000e+01, v8  }
0x96: {  	v10 =	vld [tilespmem:s20+$0x120];
	[tilespmem:s21+$0x10130] =	vst v9;
	v7 =	vmul.f32 $3.200000000e+01, v7  }
0x97: {  	v9 =	vld [tilespmem:s20+$0x130];
	[tilespmem:s21+$0x10140] =	vst v8;
	v5 =	vmul.f32 $3.200000000e+01, v5  }
0x98: {  	v8 =	vld [tilespmem:s20+$0x140];
	v3 =	vmul.f32 $3.200000000e+01, v3;
	[tilespmem:s21+$0x10150] =	vst v7  }
0x99: {  	v7 =	vld [tilespmem:s20+$0x150];
	v4 =	vmul.f32 $3.200000000e+01, v4;
	[tilespmem:s21+$0x10160] =	vst v5  }
0x9a: {  	v5 =	vmul.f32 $3.200000000e+01, v6;
	v6 =	vld [tilespmem:s20+$0x160];
	[tilespmem:s20+$0x10170] =	vst v3  }
0x9b: {  	[tilespmem:s20+$0x10100] =	vst v4;
	v3 =	vmul.f32 $3.200000000e+01, v10  }
0x9c: {  	v4 =	vmul.f32 $3.200000000e+01, v9;
	[tilespmem:s20+$0x10110] =	vst v5  }
0x9d: {  	[tilespmem:s20+$0x10120] =	vst v3;
	v3 =	vmul.f32 $3.200000000e+01, v8  }
0x9e: {  	[tilespmem:s20+$0x10130] =	vst v4;
	v4 =	vmul.f32 $3.200000000e+01, v7  }
0x9f: {  	[tilespmem:s20+$0x10140] =	vst v3;
	v3 =	vmul.f32 $3.200000000e+01, v6  }
0xa0: {  	[tilespmem:s20+$0x10150] =	vst v4  }
0xa1: {  	[tilespmem:s20+$0x10160] =	vst v3  }
0xa2: {  	s8 =	simm.s32 $0x0;
	s20 =	rddreg [dreg:$0x5]  }
0xa3: {  	[hbm4b:s20+s8] =	stream.linear.scatter [tilespmem:s10], [sflag:$0x5], $0x4000, $0x38;
	[tilespmem:$0x1C100] =	vst v63  }
0xa4: {  	v3 =	vld [tilespmem:$0x40];
	_ =	sdelay $0x4  }
0xa5: {  	v4 =	vshll.u32 v3, $0x3  }
0xa6: {  	v3 =	vand.u32 $0x7, v3;
	v4 =	vand.u32 $0xFFFFFFC0, v4  }
0xa7: {  	v3 =	vor.u32 v3, v4  }
0xa8: {  	v4 =	vperm.xlane v3, v0;
	_ =	sdelay $0x1  }
0xa9: {  	v4 =	vadd.s32 v1, v4;
	_ =	sdelay $0x3  }
0xaa: {  	s21 =	simm.s32 $0x100  }
0xab: {  	[tilespmem:s21], [sflag:$0x1] =	stream.indirect_vreg.gather [hbm4b:s1+s8], $0x80, v4, vm0, $0xb8;
	[tilespmem:$0x1C100] =	vst v63  }
0xac: {  	s22 =	simm.s32 $0x900;
	v3 =	vperm.xlane v3, v2  }
0xad: {  	[tilespmem:s22], [sflag:$0x1] =	stream.indirect_vreg.gather [hbm4b:s5+s8], $0x80, v4, vm0, $0xb8;
	[tilespmem:$0x1C100] =	vst v63  }
0xae: {  	s23 =	simm.s32 $0x1100;
	v3 =	vadd.s32 v1, v3  }
0xaf: {  	[tilespmem:s23], [sflag:$0x1] =	stream.indirect_vreg.gather [hbm4b:s6+s8], $0x80, v4, vm0, $0xb8;
	[tilespmem:$0x1C100] =	vst v63  }
0xb0: {  	s24 =	simm.s32 $0x1900  }
0xb1: {  	[tilespmem:s24], [sflag:$0x1] =	stream.indirect_vreg.gather [hbm4b:s7+s8], $0x80, v4, vm0, $0xb8;
	[tilespmem:$0x1C100] =	vst v63  }
0xb2: {  	s25 =	simm.s32 $0x2100  }
0xb3: {  	[tilespmem:s25], [sflag:$0x1] =	stream.indirect_vreg.gather [hbm4b:s1+s8], $0x80, v3, vm0, $0xb8;
	[tilespmem:$0x1C100] =	vst v63  }
0xb4: {  	s21 =	simm.s32 $0x2900  }
0xb5: {  	[tilespmem:s21], [sflag:$0x1] =	stream.indirect_vreg.gather [hbm4b:s5+s8], $0x80, v3, vm0, $0xb8;
	[tilespmem:$0x1C100] =	vst v63  }
0xb6: {  	s22 =	simm.s32 $0x3100;
	s24 =	simm.s32 $0x0  }
0xb7: {  	[tilespmem:s22], [sflag:$0x1] =	stream.indirect_vreg.gather [hbm4b:s6+s8], $0x80, v3, vm0, $0xb8;
	[tilespmem:$0x1C100] =	vst v63  }
0xb8: {  	s23 =	simm.s32 $0x3900;
	s20 =	sand.u32 $0x2000, s24  }
0xb9: {  	[tilespmem:s23], [sflag:$0x1] =	stream.indirect_vreg.gather [hbm4b:s7+s8], $0x80, v3, vm0, $0xb8;
	[tilespmem:$0x1C100] =	vst v63  }
0xba: {  	s25 =	simm.s32 $0x0;
	s8 =	sand.u32 $0x1C00, s8;
	_ =	swait.ge [sflag:s11], $0x4000  }
0xbb: {  	s22 =	sand.u32 $0x380, s25;
	s8 =	sor.u32 s8, s20;
	[sflag:s11] =	ssyncset.done $0x0  }
0xbc: {  	s21 =	sor.u32 s22, s8;
	[sflag:s11] =	ssyncadd.s32 $0xFFFFC000  }
0xbd: {  	v3 =	vld [tilespmem:s21+$0x4170]  }
0xbe: {  	v4 =	vld [tilespmem:s21+$0x4100]  }
0xbf: {  	v5 =	vld [tilespmem:s21+$0x4110]  }
0xc0: {  	v6 =	vld [tilespmem:s21+$0x4120]  }
0xc1: {  	s23 =	simm.s32 $0x80;
	s22 =	simm.s32 $0x400;
	v8 =	vld [tilespmem:s21+$0x4130]  }
0xc2: {  	s8 =	sand.u32 $0x2000, s23;
	s23 =	simm.s32 $0x10;
	s24 =	sand.u32 $0x1C00, s22;
	v10 =	vld [tilespmem:s21+$0x4140];
	v3 =	vmul.f32 $3.200000000e+01, v3  }
0xc3: {  	s25 =	sand.u32 $0x380, s23;
	s8 =	sor.u32 s24, s8;
	v7 =	vld [tilespmem:s21+$0x4150];
	v4 =	vmul.f32 $3.200000000e+01, v4  }
0xc4: {  	s20 =	sor.u32 s25, s8;
	v9 =	vmul.f32 $3.200000000e+01, v5;
	v5 =	vld [tilespmem:s21+$0x4160];
	[tilespmem:s21+$0x14170] =	vst v3  }
0xc5: {  	v11 =	vmul.f32 $3.200000000e+01, v6;
	v3 =	vld [tilespmem:s20+$0x4170];
	[tilespmem:s21+$0x14100] =	vst v4  }
0xc6: {  	v4 =	vld [tilespmem:s20+$0x4100];
	[tilespmem:s21+$0x14110] =	vst v9;
	v9 =	vmul.f32 $3.200000000e+01, v8  }
0xc7: {  	s23 =	simm.s32 $0x8;
	v6 =	vld [tilespmem:s20+$0x4110];
	[tilespmem:s21+$0x14120] =	vst v11;
	v8 =	vmul.f32 $3.200000000e+01, v10  }
.LBB2_4:
0xc8: {  	s23 =	sadd.s32 $0x8, s23;
	v10 =	vld [tilespmem:s20+$0x4120];
	[tilespmem:s21+$0x14130] =	vst v9;
	v7 =	vmul.f32 $3.200000000e+01, v7  }
0xc9: {  	s22 =	sadd.s32 $0x400, s22;
	s8 =	sshll.u32 s23, $0x4;
	p0 =	slt.u32 s23, $0x3F8;
	v9 =	vld [tilespmem:s20+$0x4130];
	[tilespmem:s21+$0x14140] =	vst v8;
	v5 =	vmul.f32 $3.200000000e+01, v5  }
0xca: {  	s24 =	sand.u32 $0x1C00, s22;
	s25 =	sshll.u32 s23, $0x1;
	s8 =	sand.u32 $0x2000, s8;
	v8 =	vld [tilespmem:s20+$0x4140];
	v3 =	vmul.f32 $3.200000000e+01, v3;
	[tilespmem:s21+$0x14150] =	vst v7  }
.Ltmp1:
0xcb: {  	s8 =	sor.u32 s24, s8;
	s24 =	sand.u32 $0x380, s25;
	v4 =	vmul.f32 $3.200000000e+01, v4;
	v7 =	vld [tilespmem:s20+$0x4150];
	[tilespmem:s21+$0x14160] =	vst v5;
	(pc) =	sbr.rel @p0 .LBB2_4-.Ltmp1, $4  }
0xcc: {  	s21 =	smov.u32 s20;
	v6 =	vmul.f32 $3.200000000e+01, v6;
	v5 =	vld [tilespmem:s20+$0x4160];
	[tilespmem:s20+$0x14170] =	vst v3;
	s20 =	sor.u32 s24, s8  }
0xcd: {  	v3 =	vld [tilespmem:s20+$0x4170];
	[tilespmem:s21+$0x14100] =	vst v4;
	v10 =	vmul.f32 $3.200000000e+01, v10  }
0xce: {  	v4 =	vld [tilespmem:s20+$0x4100];
	[tilespmem:s21+$0x14110] =	vst v6;
	v9 =	vmul.f32 $3.200000000e+01, v9  }
0xcf: {  	v6 =	vld [tilespmem:s20+$0x4110];
	[tilespmem:s21+$0x14120] =	vst v10;
	v8 =	vmul.f32 $3.200000000e+01, v8  }
0xd0: {  	v10 =	vld [tilespmem:s20+$0x4120];
	[tilespmem:s21+$0x14130] =	vst v9;
	v7 =	vmul.f32 $3.200000000e+01, v7  }
0xd1: {  	v9 =	vld [tilespmem:s20+$0x4130];
	[tilespmem:s21+$0x14140] =	vst v8;
	v5 =	vmul.f32 $3.200000000e+01, v5  }
0xd2: {  	v8 =	vld [tilespmem:s20+$0x4140];
	v3 =	vmul.f32 $3.200000000e+01, v3;
	[tilespmem:s21+$0x14150] =	vst v7  }
0xd3: {  	v7 =	vld [tilespmem:s20+$0x4150];
	v4 =	vmul.f32 $3.200000000e+01, v4;
	[tilespmem:s21+$0x14160] =	vst v5  }
0xd4: {  	v5 =	vmul.f32 $3.200000000e+01, v6;
	v6 =	vld [tilespmem:s20+$0x4160];
	[tilespmem:s20+$0x14170] =	vst v3  }
0xd5: {  	[tilespmem:s20+$0x14100] =	vst v4;
	v3 =	vmul.f32 $3.200000000e+01, v10  }
0xd6: {  	v4 =	vmul.f32 $3.200000000e+01, v9;
	[tilespmem:s20+$0x14110] =	vst v5  }
0xd7: {  	[tilespmem:s20+$0x14120] =	vst v3;
	v3 =	vmul.f32 $3.200000000e+01, v8  }
0xd8: {  	[tilespmem:s20+$0x14130] =	vst v4;
	v4 =	vmul.f32 $3.200000000e+01, v7  }
0xd9: {  	[tilespmem:s20+$0x14140] =	vst v3;
	v3 =	vmul.f32 $3.200000000e+01, v6  }
0xda: {  	[tilespmem:s20+$0x14150] =	vst v4  }
0xdb: {  	[tilespmem:s20+$0x14160] =	vst v3  }
0xdc: {  	s8 =	simm.s32 $0x0;
	s20 =	rddreg [dreg:$0x7]  }
0xdd: {  	[hbm4b:s20+s8] =	stream.linear.scatter [tilespmem:s12], [sflag:$0x6], $0x4000, $0x38;
	[tilespmem:$0x1C100] =	vst v63  }
0xde: {  	v3 =	vld [tilespmem:$0x50];
	_ =	sdelay $0x4  }
0xdf: {  	v4 =	vshll.u32 v3, $0x3  }
0xe0: {  	v3 =	vand.u32 $0x7, v3;
	v4 =	vand.u32 $0xFFFFFFC0, v4  }
0xe1: {  	v3 =	vor.u32 v3, v4  }
0xe2: {  	v4 =	vperm.xlane v3, v0;
	_ =	sdelay $0x1  }
0xe3: {  	v4 =	vadd.s32 v1, v4;
	_ =	sdelay $0x3  }
0xe4: {  	s21 =	simm.s32 $0x4100  }
0xe5: {  	[tilespmem:s21], [sflag:$0x2] =	stream.indirect_vreg.gather [hbm4b:s1+s8], $0x80, v4, vm0, $0xb8;
	[tilespmem:$0x1C100] =	vst v63  }
0xe6: {  	s22 =	simm.s32 $0x4900;
	v3 =	vperm.xlane v3, v2  }
0xe7: {  	[tilespmem:s22], [sflag:$0x2] =	stream.indirect_vreg.gather [hbm4b:s5+s8], $0x80, v4, vm0, $0xb8;
	[tilespmem:$0x1C100] =	vst v63  }
0xe8: {  	s23 =	simm.s32 $0x5100;
	v3 =	vadd.s32 v1, v3  }
0xe9: {  	[tilespmem:s23], [sflag:$0x2] =	stream.indirect_vreg.gather [hbm4b:s6+s8], $0x80, v4, vm0, $0xb8;
	[tilespmem:$0x1C100] =	vst v63  }
0xea: {  	s24 =	simm.s32 $0x5900  }
0xeb: {  	[tilespmem:s24], [sflag:$0x2] =	stream.indirect_vreg.gather [hbm4b:s7+s8], $0x80, v4, vm0, $0xb8;
	[tilespmem:$0x1C100] =	vst v63  }
0xec: {  	s25 =	simm.s32 $0x6100  }
0xed: {  	[tilespmem:s25], [sflag:$0x2] =	stream.indirect_vreg.gather [hbm4b:s1+s8], $0x80, v3, vm0, $0xb8;
	[tilespmem:$0x1C100] =	vst v63  }
0xee: {  	s21 =	simm.s32 $0x6900  }
0xef: {  	[tilespmem:s21], [sflag:$0x2] =	stream.indirect_vreg.gather [hbm4b:s5+s8], $0x80, v3, vm0, $0xb8;
	[tilespmem:$0x1C100] =	vst v63  }
0xf0: {  	s22 =	simm.s32 $0x7100;
	s24 =	simm.s32 $0x0  }
0xf1: {  	[tilespmem:s22], [sflag:$0x2] =	stream.indirect_vreg.gather [hbm4b:s6+s8], $0x80, v3, vm0, $0xb8;
	[tilespmem:$0x1C100] =	vst v63  }
0xf2: {  	s23 =	simm.s32 $0x7900;
	s20 =	sand.u32 $0x2000, s24  }
0xf3: {  	[tilespmem:s23], [sflag:$0x2] =	stream.indirect_vreg.gather [hbm4b:s7+s8], $0x80, v3, vm0, $0xb8;
	[tilespmem:$0x1C100] =	vst v63  }
0xf4: {  	s25 =	simm.s32 $0x0;
	s8 =	sand.u32 $0x1C00, s8;
	_ =	swait.ge [sflag:s13], $0x4000  }
0xf5: {  	s22 =	sand.u32 $0x380, s25;
	s8 =	sor.u32 s8, s20;
	[sflag:s13] =	ssyncset.done $0x0  }
0xf6: {  	s21 =	sor.u32 s22, s8;
	[sflag:s13] =	ssyncadd.s32 $0xFFFFC000  }
0xf7: {  	v3 =	vld [tilespmem:s21+$0x8170]  }
0xf8: {  	v4 =	vld [tilespmem:s21+$0x8100]  }
0xf9: {  	v5 =	vld [tilespmem:s21+$0x8110]  }
0xfa: {  	v6 =	vld [tilespmem:s21+$0x8120]  }
0xfb: {  	s23 =	simm.s32 $0x80;
	s22 =	simm.s32 $0x400;
	v8 =	vld [tilespmem:s21+$0x8130]  }
0xfc: {  	s8 =	sand.u32 $0x2000, s23;
	s23 =	simm.s32 $0x10;
	s24 =	sand.u32 $0x1C00, s22;
	v10 =	vld [tilespmem:s21+$0x8140];
	v3 =	vmul.f32 $3.200000000e+01, v3  }
0xfd: {  	s25 =	sand.u32 $0x380, s23;
	s8 =	sor.u32 s24, s8;
	v7 =	vld [tilespmem:s21+$0x8150];
	v4 =	vmul.f32 $3.200000000e+01, v4  }
0xfe: {  	s20 =	sor.u32 s25, s8;
	v9 =	vmul.f32 $3.200000000e+01, v5;
	v5 =	vld [tilespmem:s21+$0x8160];
	[tilespmem:s21+$0x18170] =	vst v3  }
0xff: {  	v11 =	vmul.f32 $3.200000000e+01, v6;
	v3 =	vld [tilespmem:s20+$0x8170];
	[tilespmem:s21+$0x18100] =	vst v4  }
0x100: {  	v4 =	vld [tilespmem:s20+$0x8100];
	[tilespmem:s21+$0x18110] =	vst v9;
	v9 =	vmul.f32 $3.200000000e+01, v8  }
0x101: {  	s23 =	simm.s32 $0x8;
	v6 =	vld [tilespmem:s20+$0x8110];
	[tilespmem:s21+$0x18120] =	vst v11;
	v8 =	vmul.f32 $3.200000000e+01, v10  }
.LBB2_6:
0x102: {  	s23 =	sadd.s32 $0x8, s23;
	v10 =	vld [tilespmem:s20+$0x8120];
	[tilespmem:s21+$0x18130] =	vst v9;
	v7 =	vmul.f32 $3.200000000e+01, v7  }
0x103: {  	s22 =	sadd.s32 $0x400, s22;
	s8 =	sshll.u32 s23, $0x4;
	p0 =	slt.u32 s23, $0x3F8;
	v9 =	vld [tilespmem:s20+$0x8130];
	[tilespmem:s21+$0x18140] =	vst v8;
	v5 =	vmul.f32 $3.200000000e+01, v5  }
0x104: {  	s24 =	sand.u32 $0x1C00, s22;
	s25 =	sshll.u32 s23, $0x1;
	s8 =	sand.u32 $0x2000, s8;
	v8 =	vld [tilespmem:s20+$0x8140];
	v3 =	vmul.f32 $3.200000000e+01, v3;
	[tilespmem:s21+$0x18150] =	vst v7  }
.Ltmp2:
0x105: {  	s8 =	sor.u32 s24, s8;
	s24 =	sand.u32 $0x380, s25;
	v4 =	vmul.f32 $3.200000000e+01, v4;
	v7 =	vld [tilespmem:s20+$0x8150];
	[tilespmem:s21+$0x18160] =	vst v5;
	(pc) =	sbr.rel @p0 .LBB2_6-.Ltmp2, $4  }
0x106: {  	s21 =	smov.u32 s20;
	v6 =	vmul.f32 $3.200000000e+01, v6;
	v5 =	vld [tilespmem:s20+$0x8160];
	[tilespmem:s20+$0x18170] =	vst v3;
	s20 =	sor.u32 s24, s8  }
0x107: {  	v3 =	vld [tilespmem:s20+$0x8170];
	[tilespmem:s21+$0x18100] =	vst v4;
	v10 =	vmul.f32 $3.200000000e+01, v10  }
0x108: {  	v4 =	vld [tilespmem:s20+$0x8100];
	[tilespmem:s21+$0x18110] =	vst v6;
	v9 =	vmul.f32 $3.200000000e+01, v9  }
0x109: {  	v6 =	vld [tilespmem:s20+$0x8110];
	[tilespmem:s21+$0x18120] =	vst v10;
	v8 =	vmul.f32 $3.200000000e+01, v8  }
0x10a: {  	v10 =	vld [tilespmem:s20+$0x8120];
	[tilespmem:s21+$0x18130] =	vst v9;
	v7 =	vmul.f32 $3.200000000e+01, v7  }
0x10b: {  	v9 =	vld [tilespmem:s20+$0x8130];
	[tilespmem:s21+$0x18140] =	vst v8;
	v5 =	vmul.f32 $3.200000000e+01, v5  }
0x10c: {  	v8 =	vld [tilespmem:s20+$0x8140];
	v3 =	vmul.f32 $3.200000000e+01, v3;
	[tilespmem:s21+$0x18150] =	vst v7  }
0x10d: {  	v7 =	vld [tilespmem:s20+$0x8150];
	v4 =	vmul.f32 $3.200000000e+01, v4;
	[tilespmem:s21+$0x18160] =	vst v5  }
0x10e: {  	v5 =	vmul.f32 $3.200000000e+01, v6;
	v6 =	vld [tilespmem:s20+$0x8160];
	[tilespmem:s20+$0x18170] =	vst v3  }
0x10f: {  	[tilespmem:s20+$0x18100] =	vst v4;
	v3 =	vmul.f32 $3.200000000e+01, v10  }
0x110: {  	v4 =	vmul.f32 $3.200000000e+01, v9;
	[tilespmem:s20+$0x18110] =	vst v5  }
0x111: {  	[tilespmem:s20+$0x18120] =	vst v3;
	v3 =	vmul.f32 $3.200000000e+01, v8  }
0x112: {  	[tilespmem:s20+$0x18130] =	vst v4;
	v4 =	vmul.f32 $3.200000000e+01, v7  }
0x113: {  	[tilespmem:s20+$0x18140] =	vst v3;
	v3 =	vmul.f32 $3.200000000e+01, v6  }
0x114: {  	[tilespmem:s20+$0x18150] =	vst v4  }
0x115: {  	[tilespmem:s20+$0x18160] =	vst v3  }
0x116: {  	s8 =	simm.s32 $0x0;
	s20 =	rddreg [dreg:$0x8]  }
0x117: {  	[hbm4b:s20+s8] =	stream.linear.scatter [tilespmem:s14], [sflag:$0x7], $0x4000, $0x38;
	[tilespmem:$0x1C100] =	vst v63  }
0x118: {  	v3 =	vld [tilespmem:$0x60];
	_ =	sdelay $0x4  }
0x119: {  	v4 =	vshll.u32 v3, $0x3  }
0x11a: {  	v3 =	vand.u32 $0x7, v3;
	v4 =	vand.u32 $0xFFFFFFC0, v4  }
0x11b: {  	v3 =	vor.u32 v3, v4  }
0x11c: {  	v4 =	vperm.xlane v3, v0;
	_ =	sdelay $0x1  }
0x11d: {  	v4 =	vadd.s32 v1, v4;
	_ =	sdelay $0x3  }
0x11e: {  	s21 =	simm.s32 $0x8100  }
0x11f: {  	[tilespmem:s21], [sflag:$0x3] =	stream.indirect_vreg.gather [hbm4b:s1+s8], $0x80, v4, vm0, $0xb8;
	[tilespmem:$0x1C100] =	vst v63  }
0x120: {  	s22 =	simm.s32 $0x8900;
	v3 =	vperm.xlane v3, v2  }
0x121: {  	[tilespmem:s22], [sflag:$0x3] =	stream.indirect_vreg.gather [hbm4b:s5+s8], $0x80, v4, vm0, $0xb8;
	[tilespmem:$0x1C100] =	vst v63  }
0x122: {  	s23 =	simm.s32 $0x9100;
	v3 =	vadd.s32 v1, v3  }
0x123: {  	[tilespmem:s23], [sflag:$0x3] =	stream.indirect_vreg.gather [hbm4b:s6+s8], $0x80, v4, vm0, $0xb8;
	[tilespmem:$0x1C100] =	vst v63  }
0x124: {  	s24 =	simm.s32 $0x9900  }
0x125: {  	[tilespmem:s24], [sflag:$0x3] =	stream.indirect_vreg.gather [hbm4b:s7+s8], $0x80, v4, vm0, $0xb8;
	[tilespmem:$0x1C100] =	vst v63  }
0x126: {  	s25 =	simm.s32 $0xA100  }
0x127: {  	[tilespmem:s25], [sflag:$0x3] =	stream.indirect_vreg.gather [hbm4b:s1+s8], $0x80, v3, vm0, $0xb8;
	[tilespmem:$0x1C100] =	vst v63  }
0x128: {  	s21 =	simm.s32 $0xA900  }
0x129: {  	[tilespmem:s21], [sflag:$0x3] =	stream.indirect_vreg.gather [hbm4b:s5+s8], $0x80, v3, vm0, $0xb8;
	[tilespmem:$0x1C100] =	vst v63  }
0x12a: {  	s22 =	simm.s32 $0xB100  }
0x12b: {  	[tilespmem:s22], [sflag:$0x3] =	stream.indirect_vreg.gather [hbm4b:s6+s8], $0x80, v3, vm0, $0xb8;
	[tilespmem:$0x1C100] =	vst v63  }
0x12c: {  	s23 =	simm.s32 $0xB900  }
0x12d: {  	[tilespmem:s23], [sflag:$0x3] =	stream.indirect_vreg.gather [hbm4b:s7+s8], $0x80, v3, vm0, $0xb8;
	[tilespmem:$0x1C100] =	vst v63  }
0x12e: {  	_ =	swait.ge [sflag:s15], $0x4000  }
0x12f: {  	s24 =	simm.s32 $0x0;
	[sflag:s15] =	ssyncset.done $0x0  }
0x130: {  	s20 =	sand.u32 $0x2000, s24;
	[sflag:s15] =	ssyncadd.s32 $0xFFFFC000  }
0x131: {  	s25 =	simm.s32 $0x0;
	s8 =	sand.u32 $0x1C00, s8;
	_ =	swait.ge [sflag:s16], $0x4000  }
0x132: {  	s22 =	sand.u32 $0x380, s25;
	s8 =	sor.u32 s8, s20;
	[sflag:s16] =	ssyncset.done $0x0  }
0x133: {  	s21 =	sor.u32 s22, s8;
	[sflag:s16] =	ssyncadd.s32 $0xFFFFC000  }
0x134: {  	v3 =	vld [tilespmem:s21+$0xC170]  }
0x135: {  	v4 =	vld [tilespmem:s21+$0xC100]  }
0x136: {  	v5 =	vld [tilespmem:s21+$0xC110]  }
0x137: {  	v6 =	vld [tilespmem:s21+$0xC120]  }
0x138: {  	s23 =	simm.s32 $0x80;
	s22 =	simm.s32 $0x400;
	v8 =	vld [tilespmem:s21+$0xC130]  }
0x139: {  	s8 =	sand.u32 $0x2000, s23;
	s23 =	simm.s32 $0x10;
	s24 =	sand.u32 $0x1C00, s22;
	v10 =	vld [tilespmem:s21+$0xC140];
	v3 =	vmul.f32 $3.200000000e+01, v3  }
0x13a: {  	s25 =	sand.u32 $0x380, s23;
	s8 =	sor.u32 s24, s8;
	v7 =	vld [tilespmem:s21+$0xC150];
	v4 =	vmul.f32 $3.200000000e+01, v4  }
0x13b: {  	s20 =	sor.u32 s25, s8;
	v9 =	vmul.f32 $3.200000000e+01, v5;
	v5 =	vld [tilespmem:s21+$0xC160];
	[tilespmem:s21+$0x10170] =	vst v3  }
0x13c: {  	v11 =	vmul.f32 $3.200000000e+01, v6;
	v3 =	vld [tilespmem:s20+$0xC170];
	[tilespmem:s21+$0x10100] =	vst v4  }
0x13d: {  	v4 =	vld [tilespmem:s20+$0xC100];
	[tilespmem:s21+$0x10110] =	vst v9;
	v9 =	vmul.f32 $3.200000000e+01, v8  }
0x13e: {  	s23 =	simm.s32 $0x8;
	v6 =	vld [tilespmem:s20+$0xC110];
	[tilespmem:s21+$0x10120] =	vst v11;
	v8 =	vmul.f32 $3.200000000e+01, v10  }
.LBB2_8:
0x13f: {  	s23 =	sadd.s32 $0x8, s23;
	v10 =	vld [tilespmem:s20+$0xC120];
	[tilespmem:s21+$0x10130] =	vst v9;
	v7 =	vmul.f32 $3.200000000e+01, v7  }
0x140: {  	s22 =	sadd.s32 $0x400, s22;
	s8 =	sshll.u32 s23, $0x4;
	p0 =	slt.u32 s23, $0x3F8;
	v9 =	vld [tilespmem:s20+$0xC130];
	[tilespmem:s21+$0x10140] =	vst v8;
	v5 =	vmul.f32 $3.200000000e+01, v5  }
0x141: {  	s24 =	sand.u32 $0x1C00, s22;
	s25 =	sshll.u32 s23, $0x1;
	s8 =	sand.u32 $0x2000, s8;
	v8 =	vld [tilespmem:s20+$0xC140];
	v3 =	vmul.f32 $3.200000000e+01, v3;
	[tilespmem:s21+$0x10150] =	vst v7  }
.Ltmp3:
0x142: {  	s8 =	sor.u32 s24, s8;
	s24 =	sand.u32 $0x380, s25;
	v4 =	vmul.f32 $3.200000000e+01, v4;
	v7 =	vld [tilespmem:s20+$0xC150];
	[tilespmem:s21+$0x10160] =	vst v5;
	(pc) =	sbr.rel @p0 .LBB2_8-.Ltmp3, $4  }
0x143: {  	s21 =	smov.u32 s20;
	v6 =	vmul.f32 $3.200000000e+01, v6;
	v5 =	vld [tilespmem:s20+$0xC160];
	[tilespmem:s20+$0x10170] =	vst v3;
	s20 =	sor.u32 s24, s8  }
0x144: {  	v3 =	vld [tilespmem:s20+$0xC170];
	[tilespmem:s21+$0x10100] =	vst v4;
	v10 =	vmul.f32 $3.200000000e+01, v10  }
0x145: {  	v4 =	vld [tilespmem:s20+$0xC100];
	[tilespmem:s21+$0x10110] =	vst v6;
	v9 =	vmul.f32 $3.200000000e+01, v9  }
0x146: {  	v6 =	vld [tilespmem:s20+$0xC110];
	[tilespmem:s21+$0x10120] =	vst v10;
	v8 =	vmul.f32 $3.200000000e+01, v8  }
0x147: {  	v10 =	vld [tilespmem:s20+$0xC120];
	[tilespmem:s21+$0x10130] =	vst v9;
	v7 =	vmul.f32 $3.200000000e+01, v7  }
0x148: {  	v9 =	vld [tilespmem:s20+$0xC130];
	[tilespmem:s21+$0x10140] =	vst v8;
	v5 =	vmul.f32 $3.200000000e+01, v5  }
0x149: {  	v8 =	vld [tilespmem:s20+$0xC140];
	v3 =	vmul.f32 $3.200000000e+01, v3;
	[tilespmem:s21+$0x10150] =	vst v7  }
0x14a: {  	v7 =	vld [tilespmem:s20+$0xC150];
	v4 =	vmul.f32 $3.200000000e+01, v4;
	[tilespmem:s21+$0x10160] =	vst v5  }
0x14b: {  	v5 =	vmul.f32 $3.200000000e+01, v6;
	v6 =	vld [tilespmem:s20+$0xC160];
	[tilespmem:s20+$0x10170] =	vst v3  }
0x14c: {  	[tilespmem:s20+$0x10100] =	vst v4;
	v3 =	vmul.f32 $3.200000000e+01, v10  }
0x14d: {  	v4 =	vmul.f32 $3.200000000e+01, v9;
	[tilespmem:s20+$0x10110] =	vst v5  }
0x14e: {  	[tilespmem:s20+$0x10120] =	vst v3;
	v3 =	vmul.f32 $3.200000000e+01, v8  }
0x14f: {  	[tilespmem:s20+$0x10130] =	vst v4;
	v4 =	vmul.f32 $3.200000000e+01, v7  }
0x150: {  	[tilespmem:s20+$0x10140] =	vst v3;
	v3 =	vmul.f32 $3.200000000e+01, v6  }
0x151: {  	[tilespmem:s20+$0x10150] =	vst v4  }
0x152: {  	[tilespmem:s20+$0x10160] =	vst v3  }
0x153: {  	s8 =	simm.s32 $0x0;
	s20 =	rddreg [dreg:$0x9]  }
0x154: {  	[hbm4b:s20+s8] =	stream.linear.scatter [tilespmem:s10], [sflag:$0x5], $0x4000, $0x38;
	[tilespmem:$0x1C100] =	vst v63  }
0x155: {  	v3 =	vld [tilespmem:$0x70];
	_ =	sdelay $0x4  }
0x156: {  	v4 =	vshll.u32 v3, $0x3  }
0x157: {  	v3 =	vand.u32 $0x7, v3;
	v4 =	vand.u32 $0xFFFFFFC0, v4  }
0x158: {  	v3 =	vor.u32 v3, v4  }
0x159: {  	v4 =	vperm.xlane v3, v0;
	_ =	sdelay $0x1  }
0x15a: {  	v4 =	vadd.s32 v1, v4;
	_ =	sdelay $0x3  }
0x15b: {  	s23 =	simm.s32 $0xC100  }
0x15c: {  	[tilespmem:s23], [sflag:$0x4] =	stream.indirect_vreg.gather [hbm4b:s1+s8], $0x80, v4, vm0, $0xb8;
	[tilespmem:$0x1C100] =	vst v63  }
0x15d: {  	v3 =	vperm.xlane v3, v2  }
0x15e: {  	[tilespmem:s28], [sflag:$0x4] =	stream.indirect_vreg.gather [hbm4b:s5+s8], $0x80, v4, vm0, $0xb8;
	[tilespmem:$0x1C100] =	vst v63  }
0x15f: {  	v3 =	vadd.s32 v1, v3  }
0x160: {  	[tilespmem:s29], [sflag:$0x4] =	stream.indirect_vreg.gather [hbm4b:s6+s8], $0x80, v4, vm0, $0xb8;
	[tilespmem:$0x1C100] =	vst v63  }
0x161: {  	_ = 	snop  }
0x162: {  	[tilespmem:s30], [sflag:$0x4] =	stream.indirect_vreg.gather [hbm4b:s7+s8], $0x80, v4, vm0, $0xb8;
	[tilespmem:$0x1C100] =	vst v63  }
0x163: {  	_ = 	snop  }
0x164: {  	[tilespmem:s31], [sflag:$0x4] =	stream.indirect_vreg.gather [hbm4b:s1+s8], $0x80, v3, vm0, $0xb8;
	[tilespmem:$0x1C100] =	vst v63  }
0x165: {  	_ = 	snop  }
0x166: {  	[tilespmem:s0], [sflag:$0x4] =	stream.indirect_vreg.gather [hbm4b:s5+s8], $0x80, v3, vm0, $0xb8;
	[tilespmem:$0x1C100] =	vst v63  }
0x167: {  	_ = 	snop  }
0x168: {  	[tilespmem:s2], [sflag:$0x4] =	stream.indirect_vreg.gather [hbm4b:s6+s8], $0x80, v3, vm0, $0xb8;
	[tilespmem:$0x1C100] =	vst v63  }
0x169: {  	_ = 	snop  }
0x16a: {  	[tilespmem:s4], [sflag:$0x4] =	stream.indirect_vreg.gather [hbm4b:s7+s8], $0x80, v3, vm0, $0xb8;
	[tilespmem:$0x1C100] =	vst v63  }
0x16b: {  	_ =	swait.ge [sflag:s9], $0x4000  }
0x16c: {  	[sflag:s9] =	ssyncset.done $0x0  }
0x16d: {  	s24 =	simm.s32 $0x0;
	s25 =	simm.s32 $0x0;
	[sflag:s9] =	ssyncadd.s32 $0xFFFFC000  }
0x16e: {  	s20 =	sand.u32 $0x2000, s24;
	s8 =	sand.u32 $0x1C00, s8;
	_ =	swait.ge [sflag:s17], $0x4000  }
0x16f: {  	s22 =	sand.u32 $0x380, s25;
	s8 =	sor.u32 s8, s20;
	[sflag:s17] =	ssyncset.done $0x0  }
0x170: {  	s21 =	sor.u32 s22, s8;
	[sflag:s17] =	ssyncadd.s32 $0xFFFFC000  }
0x171: {  	v3 =	vld [tilespmem:s21+$0x170]  }
0x172: {  	v4 =	vld [tilespmem:s21+$0x100]  }
0x173: {  	v5 =	vld [tilespmem:s21+$0x110]  }
0x174: {  	v6 =	vld [tilespmem:s21+$0x120]  }
0x175: {  	s23 =	simm.s32 $0x80;
	s22 =	simm.s32 $0x400;
	v8 =	vld [tilespmem:s21+$0x130]  }
0x176: {  	s8 =	sand.u32 $0x2000, s23;
	s23 =	simm.s32 $0x10;
	s24 =	sand.u32 $0x1C00, s22;
	v10 =	vld [tilespmem:s21+$0x140];
	v3 =	vmul.f32 $3.200000000e+01, v3  }
0x177: {  	s25 =	sand.u32 $0x380, s23;
	s8 =	sor.u32 s24, s8;
	v7 =	vld [tilespmem:s21+$0x150];
	v4 =	vmul.f32 $3.200000000e+01, v4  }
0x178: {  	s20 =	sor.u32 s25, s8;
	v9 =	vmul.f32 $3.200000000e+01, v5;
	v5 =	vld [tilespmem:s21+$0x160];
	[tilespmem:s21+$0x14170] =	vst v3  }
0x179: {  	v11 =	vmul.f32 $3.200000000e+01, v6;
	v3 =	vld [tilespmem:s20+$0x170];
	[tilespmem:s21+$0x14100] =	vst v4  }
0x17a: {  	v4 =	vld [tilespmem:s20+$0x100];
	[tilespmem:s21+$0x14110] =	vst v9;
	v9 =	vmul.f32 $3.200000000e+01, v8  }
0x17b: {  	s23 =	simm.s32 $0x8;
	v6 =	vld [tilespmem:s20+$0x110];
	[tilespmem:s21+$0x14120] =	vst v11;
	v8 =	vmul.f32 $3.200000000e+01, v10  }
.LBB2_10:
0x17c: {  	s23 =	sadd.s32 $0x8, s23;
	v10 =	vld [tilespmem:s20+$0x120];
	[tilespmem:s21+$0x14130] =	vst v9;
	v7 =	vmul.f32 $3.200000000e+01, v7  }
0x17d: {  	s22 =	sadd.s32 $0x400, s22;
	s8 =	sshll.u32 s23, $0x4;
	p0 =	slt.u32 s23, $0x3F8;
	v9 =	vld [tilespmem:s20+$0x130];
	[tilespmem:s21+$0x14140] =	vst v8;
	v5 =	vmul.f32 $3.200000000e+01, v5  }
0x17e: {  	s24 =	sand.u32 $0x1C00, s22;
	s25 =	sshll.u32 s23, $0x1;
	s8 =	sand.u32 $0x2000, s8;
	v8 =	vld [tilespmem:s20+$0x140];
	v3 =	vmul.f32 $3.200000000e+01, v3;
	[tilespmem:s21+$0x14150] =	vst v7  }
.Ltmp4:
0x17f: {  	s8 =	sor.u32 s24, s8;
	s24 =	sand.u32 $0x380, s25;
	v4 =	vmul.f32 $3.200000000e+01, v4;
	v7 =	vld [tilespmem:s20+$0x150];
	[tilespmem:s21+$0x14160] =	vst v5;
	(pc) =	sbr.rel @p0 .LBB2_10-.Ltmp4, $4  }
0x180: {  	s21 =	smov.u32 s20;
	v6 =	vmul.f32 $3.200000000e+01, v6;
	v5 =	vld [tilespmem:s20+$0x160];
	[tilespmem:s20+$0x14170] =	vst v3;
	s20 =	sor.u32 s24, s8  }
0x181: {  	v3 =	vld [tilespmem:s20+$0x170];
	[tilespmem:s21+$0x14100] =	vst v4;
	v10 =	vmul.f32 $3.200000000e+01, v10  }
0x182: {  	v4 =	vld [tilespmem:s20+$0x100];
	[tilespmem:s21+$0x14110] =	vst v6;
	v9 =	vmul.f32 $3.200000000e+01, v9  }
0x183: {  	v6 =	vld [tilespmem:s20+$0x110];
	[tilespmem:s21+$0x14120] =	vst v10;
	v8 =	vmul.f32 $3.200000000e+01, v8  }
0x184: {  	v10 =	vld [tilespmem:s20+$0x120];
	[tilespmem:s21+$0x14130] =	vst v9;
	v7 =	vmul.f32 $3.200000000e+01, v7  }
0x185: {  	v9 =	vld [tilespmem:s20+$0x130];
	[tilespmem:s21+$0x14140] =	vst v8;
	v5 =	vmul.f32 $3.200000000e+01, v5  }
0x186: {  	v8 =	vld [tilespmem:s20+$0x140];
	v3 =	vmul.f32 $3.200000000e+01, v3;
	[tilespmem:s21+$0x14150] =	vst v7  }
0x187: {  	v7 =	vld [tilespmem:s20+$0x150];
	v4 =	vmul.f32 $3.200000000e+01, v4;
	[tilespmem:s21+$0x14160] =	vst v5  }
0x188: {  	v5 =	vmul.f32 $3.200000000e+01, v6;
	v6 =	vld [tilespmem:s20+$0x160];
	[tilespmem:s20+$0x14170] =	vst v3  }
0x189: {  	[tilespmem:s20+$0x14100] =	vst v4;
	v3 =	vmul.f32 $3.200000000e+01, v10  }
0x18a: {  	v4 =	vmul.f32 $3.200000000e+01, v9;
	[tilespmem:s20+$0x14110] =	vst v5  }
0x18b: {  	[tilespmem:s20+$0x14120] =	vst v3;
	v3 =	vmul.f32 $3.200000000e+01, v8  }
0x18c: {  	[tilespmem:s20+$0x14130] =	vst v4;
	v4 =	vmul.f32 $3.200000000e+01, v7  }
0x18d: {  	[tilespmem:s20+$0x14140] =	vst v3;
	v3 =	vmul.f32 $3.200000000e+01, v6  }
0x18e: {  	[tilespmem:s20+$0x14150] =	vst v4  }
0x18f: {  	[tilespmem:s20+$0x14160] =	vst v3  }
0x190: {  	s8 =	simm.s32 $0x0;
	s20 =	rddreg [dreg:$0xa]  }
0x191: {  	[hbm4b:s20+s8] =	stream.linear.scatter [tilespmem:s12], [sflag:$0x6], $0x4000, $0x38;
	[tilespmem:$0x1C100] =	vst v63  }
0x192: {  	v3 =	vld [tilespmem:$0x80];
	_ =	sdelay $0x4  }
0x193: {  	v4 =	vshll.u32 v3, $0x3  }
0x194: {  	v3 =	vand.u32 $0x7, v3;
	v4 =	vand.u32 $0xFFFFFFC0, v4  }
0x195: {  	v3 =	vor.u32 v3, v4  }
0x196: {  	v4 =	vperm.xlane v3, v0;
	_ =	sdelay $0x1  }
0x197: {  	v4 =	vadd.s32 v1, v4;
	_ =	sdelay $0x3  }
0x198: {  	s21 =	simm.s32 $0x100  }
0x199: {  	[tilespmem:s21], [sflag:$0x1] =	stream.indirect_vreg.gather [hbm4b:s1+s8], $0x80, v4, vm0, $0xb8;
	[tilespmem:$0x1C100] =	vst v63  }
0x19a: {  	s22 =	simm.s32 $0x900;
	v3 =	vperm.xlane v3, v2  }
0x19b: {  	[tilespmem:s22], [sflag:$0x1] =	stream.indirect_vreg.gather [hbm4b:s5+s8], $0x80, v4, vm0, $0xb8;
	[tilespmem:$0x1C100] =	vst v63  }
0x19c: {  	s23 =	simm.s32 $0x1100;
	v3 =	vadd.s32 v1, v3  }
0x19d: {  	[tilespmem:s23], [sflag:$0x1] =	stream.indirect_vreg.gather [hbm4b:s6+s8], $0x80, v4, vm0, $0xb8;
	[tilespmem:$0x1C100] =	vst v63  }
0x19e: {  	s24 =	simm.s32 $0x1900  }
0x19f: {  	[tilespmem:s24], [sflag:$0x1] =	stream.indirect_vreg.gather [hbm4b:s7+s8], $0x80, v4, vm0, $0xb8;
	[tilespmem:$0x1C100] =	vst v63  }
0x1a0: {  	s25 =	simm.s32 $0x2100  }
0x1a1: {  	[tilespmem:s25], [sflag:$0x1] =	stream.indirect_vreg.gather [hbm4b:s1+s8], $0x80, v3, vm0, $0xb8;
	[tilespmem:$0x1C100] =	vst v63  }
0x1a2: {  	s21 =	simm.s32 $0x2900  }
0x1a3: {  	[tilespmem:s21], [sflag:$0x1] =	stream.indirect_vreg.gather [hbm4b:s5+s8], $0x80, v3, vm0, $0xb8;
	[tilespmem:$0x1C100] =	vst v63  }
0x1a4: {  	s22 =	simm.s32 $0x3100  }
0x1a5: {  	[tilespmem:s22], [sflag:$0x1] =	stream.indirect_vreg.gather [hbm4b:s6+s8], $0x80, v3, vm0, $0xb8;
	[tilespmem:$0x1C100] =	vst v63  }
0x1a6: {  	s23 =	simm.s32 $0x3900  }
0x1a7: {  	[tilespmem:s23], [sflag:$0x1] =	stream.indirect_vreg.gather [hbm4b:s7+s8], $0x80, v3, vm0, $0xb8;
	[tilespmem:$0x1C100] =	vst v63  }
0x1a8: {  	_ =	swait.ge [sflag:s11], $0x4000  }
0x1a9: {  	s24 =	simm.s32 $0x0;
	[sflag:s11] =	ssyncset.done $0x0  }
0x1aa: {  	s20 =	sand.u32 $0x2000, s24;
	[sflag:s11] =	ssyncadd.s32 $0xFFFFC000  }
0x1ab: {  	s25 =	simm.s32 $0x0;
	s8 =	sand.u32 $0x1C00, s8;
	_ =	swait.ge [sflag:s18], $0x4000  }
0x1ac: {  	s22 =	sand.u32 $0x380, s25;
	s8 =	sor.u32 s8, s20;
	[sflag:s18] =	ssyncset.done $0x0  }
0x1ad: {  	s21 =	sor.u32 s22, s8;
	[sflag:s18] =	ssyncadd.s32 $0xFFFFC000  }
0x1ae: {  	v3 =	vld [tilespmem:s21+$0x4170]  }
0x1af: {  	v4 =	vld [tilespmem:s21+$0x4100]  }
0x1b0: {  	v5 =	vld [tilespmem:s21+$0x4110]  }
0x1b1: {  	v6 =	vld [tilespmem:s21+$0x4120]  }
0x1b2: {  	s23 =	simm.s32 $0x80;
	s22 =	simm.s32 $0x400;
	v8 =	vld [tilespmem:s21+$0x4130]  }
0x1b3: {  	s8 =	sand.u32 $0x2000, s23;
	s23 =	simm.s32 $0x10;
	s24 =	sand.u32 $0x1C00, s22;
	v10 =	vld [tilespmem:s21+$0x4140];
	v3 =	vmul.f32 $3.200000000e+01, v3  }
0x1b4: {  	s25 =	sand.u32 $0x380, s23;
	s8 =	sor.u32 s24, s8;
	v7 =	vld [tilespmem:s21+$0x4150];
	v4 =	vmul.f32 $3.200000000e+01, v4  }
0x1b5: {  	s20 =	sor.u32 s25, s8;
	v9 =	vmul.f32 $3.200000000e+01, v5;
	v5 =	vld [tilespmem:s21+$0x4160];
	[tilespmem:s21+$0x18170] =	vst v3  }
0x1b6: {  	v11 =	vmul.f32 $3.200000000e+01, v6;
	v3 =	vld [tilespmem:s20+$0x4170];
	[tilespmem:s21+$0x18100] =	vst v4  }
0x1b7: {  	v4 =	vld [tilespmem:s20+$0x4100];
	[tilespmem:s21+$0x18110] =	vst v9;
	v9 =	vmul.f32 $3.200000000e+01, v8  }
0x1b8: {  	s23 =	simm.s32 $0x8;
	v6 =	vld [tilespmem:s20+$0x4110];
	[tilespmem:s21+$0x18120] =	vst v11;
	v8 =	vmul.f32 $3.200000000e+01, v10  }
.LBB2_12:
0x1b9: {  	s23 =	sadd.s32 $0x8, s23;
	v10 =	vld [tilespmem:s20+$0x4120];
	[tilespmem:s21+$0x18130] =	vst v9;
	v7 =	vmul.f32 $3.200000000e+01, v7  }
0x1ba: {  	s22 =	sadd.s32 $0x400, s22;
	s8 =	sshll.u32 s23, $0x4;
	p0 =	slt.u32 s23, $0x3F8;
	v9 =	vld [tilespmem:s20+$0x4130];
	[tilespmem:s21+$0x18140] =	vst v8;
	v5 =	vmul.f32 $3.200000000e+01, v5  }
0x1bb: {  	s24 =	sand.u32 $0x1C00, s22;
	s25 =	sshll.u32 s23, $0x1;
	s8 =	sand.u32 $0x2000, s8;
	v8 =	vld [tilespmem:s20+$0x4140];
	v3 =	vmul.f32 $3.200000000e+01, v3;
	[tilespmem:s21+$0x18150] =	vst v7  }
.Ltmp5:
0x1bc: {  	s8 =	sor.u32 s24, s8;
	s24 =	sand.u32 $0x380, s25;
	v4 =	vmul.f32 $3.200000000e+01, v4;
	v7 =	vld [tilespmem:s20+$0x4150];
	[tilespmem:s21+$0x18160] =	vst v5;
	(pc) =	sbr.rel @p0 .LBB2_12-.Ltmp5, $4  }
0x1bd: {  	s21 =	smov.u32 s20;
	v6 =	vmul.f32 $3.200000000e+01, v6;
	v5 =	vld [tilespmem:s20+$0x4160];
	[tilespmem:s20+$0x18170] =	vst v3;
	s20 =	sor.u32 s24, s8  }
0x1be: {  	v3 =	vld [tilespmem:s20+$0x4170];
	[tilespmem:s21+$0x18100] =	vst v4;
	v10 =	vmul.f32 $3.200000000e+01, v10  }
0x1bf: {  	v4 =	vld [tilespmem:s20+$0x4100];
	[tilespmem:s21+$0x18110] =	vst v6;
	v9 =	vmul.f32 $3.200000000e+01, v9  }
0x1c0: {  	v6 =	vld [tilespmem:s20+$0x4110];
	[tilespmem:s21+$0x18120] =	vst v10;
	v8 =	vmul.f32 $3.200000000e+01, v8  }
0x1c1: {  	v10 =	vld [tilespmem:s20+$0x4120];
	[tilespmem:s21+$0x18130] =	vst v9;
	v7 =	vmul.f32 $3.200000000e+01, v7  }
0x1c2: {  	v9 =	vld [tilespmem:s20+$0x4130];
	[tilespmem:s21+$0x18140] =	vst v8;
	v5 =	vmul.f32 $3.200000000e+01, v5  }
0x1c3: {  	v8 =	vld [tilespmem:s20+$0x4140];
	v3 =	vmul.f32 $3.200000000e+01, v3;
	[tilespmem:s21+$0x18150] =	vst v7  }
0x1c4: {  	v7 =	vld [tilespmem:s20+$0x4150];
	v4 =	vmul.f32 $3.200000000e+01, v4;
	[tilespmem:s21+$0x18160] =	vst v5  }
0x1c5: {  	v5 =	vmul.f32 $3.200000000e+01, v6;
	v6 =	vld [tilespmem:s20+$0x4160];
	[tilespmem:s20+$0x18170] =	vst v3  }
0x1c6: {  	[tilespmem:s20+$0x18100] =	vst v4;
	v3 =	vmul.f32 $3.200000000e+01, v10  }
0x1c7: {  	v4 =	vmul.f32 $3.200000000e+01, v9;
	[tilespmem:s20+$0x18110] =	vst v5  }
0x1c8: {  	[tilespmem:s20+$0x18120] =	vst v3;
	v3 =	vmul.f32 $3.200000000e+01, v8  }
0x1c9: {  	[tilespmem:s20+$0x18130] =	vst v4;
	v4 =	vmul.f32 $3.200000000e+01, v7  }
0x1ca: {  	[tilespmem:s20+$0x18140] =	vst v3;
	v3 =	vmul.f32 $3.200000000e+01, v6  }
0x1cb: {  	[tilespmem:s20+$0x18150] =	vst v4  }
0x1cc: {  	[tilespmem:s20+$0x18160] =	vst v3  }
0x1cd: {  	s8 =	simm.s32 $0x0;
	s20 =	rddreg [dreg:$0xb]  }
0x1ce: {  	[hbm4b:s20+s8] =	stream.linear.scatter [tilespmem:s14], [sflag:$0x7], $0x4000, $0x38;
	[tilespmem:$0x1C100] =	vst v63  }
0x1cf: {  	v3 =	vld [tilespmem:$0x90];
	_ =	sdelay $0x4  }
0x1d0: {  	v4 =	vshll.u32 v3, $0x3  }
0x1d1: {  	v3 =	vand.u32 $0x7, v3;
	v4 =	vand.u32 $0xFFFFFFC0, v4  }
0x1d2: {  	v3 =	vor.u32 v3, v4  }
0x1d3: {  	v4 =	vperm.xlane v3, v0;
	_ =	sdelay $0x1  }
0x1d4: {  	v4 =	vadd.s32 v1, v4;
	_ =	sdelay $0x3  }
0x1d5: {  	s21 =	simm.s32 $0x4100  }
0x1d6: {  	[tilespmem:s21], [sflag:$0x2] =	stream.indirect_vreg.gather [hbm4b:s1+s8], $0x80, v4, vm0, $0xb8;
	[tilespmem:$0x1C100] =	vst v63  }
0x1d7: {  	s22 =	simm.s32 $0x4900;
	v3 =	vperm.xlane v3, v2  }
0x1d8: {  	[tilespmem:s22], [sflag:$0x2] =	stream.indirect_vreg.gather [hbm4b:s5+s8], $0x80, v4, vm0, $0xb8;
	[tilespmem:$0x1C100] =	vst v63  }
0x1d9: {  	s23 =	simm.s32 $0x5100;
	v3 =	vadd.s32 v1, v3  }
0x1da: {  	[tilespmem:s23], [sflag:$0x2] =	stream.indirect_vreg.gather [hbm4b:s6+s8], $0x80, v4, vm0, $0xb8;
	[tilespmem:$0x1C100] =	vst v63  }
0x1db: {  	s24 =	simm.s32 $0x5900  }
0x1dc: {  	[tilespmem:s24], [sflag:$0x2] =	stream.indirect_vreg.gather [hbm4b:s7+s8], $0x80, v4, vm0, $0xb8;
	[tilespmem:$0x1C100] =	vst v63  }
0x1dd: {  	s25 =	simm.s32 $0x6100  }
0x1de: {  	[tilespmem:s25], [sflag:$0x2] =	stream.indirect_vreg.gather [hbm4b:s1+s8], $0x80, v3, vm0, $0xb8;
	[tilespmem:$0x1C100] =	vst v63  }
0x1df: {  	s21 =	simm.s32 $0x6900  }
0x1e0: {  	[tilespmem:s21], [sflag:$0x2] =	stream.indirect_vreg.gather [hbm4b:s5+s8], $0x80, v3, vm0, $0xb8;
	[tilespmem:$0x1C100] =	vst v63  }
0x1e1: {  	s22 =	simm.s32 $0x7100  }
0x1e2: {  	[tilespmem:s22], [sflag:$0x2] =	stream.indirect_vreg.gather [hbm4b:s6+s8], $0x80, v3, vm0, $0xb8;
	[tilespmem:$0x1C100] =	vst v63  }
0x1e3: {  	s23 =	simm.s32 $0x7900  }
0x1e4: {  	[tilespmem:s23], [sflag:$0x2] =	stream.indirect_vreg.gather [hbm4b:s7+s8], $0x80, v3, vm0, $0xb8;
	[tilespmem:$0x1C100] =	vst v63  }
0x1e5: {  	_ =	swait.ge [sflag:s13], $0x4000  }
0x1e6: {  	s24 =	simm.s32 $0x0;
	[sflag:s13] =	ssyncset.done $0x0  }
0x1e7: {  	s20 =	sand.u32 $0x2000, s24;
	[sflag:s13] =	ssyncadd.s32 $0xFFFFC000  }
0x1e8: {  	s25 =	simm.s32 $0x0;
	s8 =	sand.u32 $0x1C00, s8;
	_ =	swait.ge [sflag:s16], $0x4000  }
0x1e9: {  	s22 =	sand.u32 $0x380, s25;
	s8 =	sor.u32 s8, s20;
	[sflag:s16] =	ssyncset.done $0x0  }
0x1ea: {  	s21 =	sor.u32 s22, s8;
	[sflag:s16] =	ssyncadd.s32 $0xFFFFC000  }
0x1eb: {  	v3 =	vld [tilespmem:s21+$0x8170]  }
0x1ec: {  	v4 =	vld [tilespmem:s21+$0x8100]  }
0x1ed: {  	v5 =	vld [tilespmem:s21+$0x8110]  }
0x1ee: {  	v6 =	vld [tilespmem:s21+$0x8120]  }
0x1ef: {  	s23 =	simm.s32 $0x80;
	s22 =	simm.s32 $0x400;
	v8 =	vld [tilespmem:s21+$0x8130]  }
0x1f0: {  	s8 =	sand.u32 $0x2000, s23;
	s23 =	simm.s32 $0x10;
	s24 =	sand.u32 $0x1C00, s22;
	v10 =	vld [tilespmem:s21+$0x8140];
	v3 =	vmul.f32 $3.200000000e+01, v3  }
0x1f1: {  	s25 =	sand.u32 $0x380, s23;
	s8 =	sor.u32 s24, s8;
	v7 =	vld [tilespmem:s21+$0x8150];
	v4 =	vmul.f32 $3.200000000e+01, v4  }
0x1f2: {  	s20 =	sor.u32 s25, s8;
	v9 =	vmul.f32 $3.200000000e+01, v5;
	v5 =	vld [tilespmem:s21+$0x8160];
	[tilespmem:s21+$0x10170] =	vst v3  }
0x1f3: {  	v11 =	vmul.f32 $3.200000000e+01, v6;
	v3 =	vld [tilespmem:s20+$0x8170];
	[tilespmem:s21+$0x10100] =	vst v4  }
0x1f4: {  	v4 =	vld [tilespmem:s20+$0x8100];
	[tilespmem:s21+$0x10110] =	vst v9;
	v9 =	vmul.f32 $3.200000000e+01, v8  }
0x1f5: {  	s23 =	simm.s32 $0x8;
	v6 =	vld [tilespmem:s20+$0x8110];
	[tilespmem:s21+$0x10120] =	vst v11;
	v8 =	vmul.f32 $3.200000000e+01, v10  }
.LBB2_14:
0x1f6: {  	s23 =	sadd.s32 $0x8, s23;
	v10 =	vld [tilespmem:s20+$0x8120];
	[tilespmem:s21+$0x10130] =	vst v9;
	v7 =	vmul.f32 $3.200000000e+01, v7  }
0x1f7: {  	s22 =	sadd.s32 $0x400, s22;
	s8 =	sshll.u32 s23, $0x4;
	p0 =	slt.u32 s23, $0x3F8;
	v9 =	vld [tilespmem:s20+$0x8130];
	[tilespmem:s21+$0x10140] =	vst v8;
	v5 =	vmul.f32 $3.200000000e+01, v5  }
0x1f8: {  	s24 =	sand.u32 $0x1C00, s22;
	s25 =	sshll.u32 s23, $0x1;
	s8 =	sand.u32 $0x2000, s8;
	v8 =	vld [tilespmem:s20+$0x8140];
	v3 =	vmul.f32 $3.200000000e+01, v3;
	[tilespmem:s21+$0x10150] =	vst v7  }
.Ltmp6:
0x1f9: {  	s8 =	sor.u32 s24, s8;
	s24 =	sand.u32 $0x380, s25;
	v4 =	vmul.f32 $3.200000000e+01, v4;
	v7 =	vld [tilespmem:s20+$0x8150];
	[tilespmem:s21+$0x10160] =	vst v5;
	(pc) =	sbr.rel @p0 .LBB2_14-.Ltmp6, $4  }
0x1fa: {  	s21 =	smov.u32 s20;
	v6 =	vmul.f32 $3.200000000e+01, v6;
	v5 =	vld [tilespmem:s20+$0x8160];
	[tilespmem:s20+$0x10170] =	vst v3;
	s20 =	sor.u32 s24, s8  }
0x1fb: {  	v3 =	vld [tilespmem:s20+$0x8170];
	[tilespmem:s21+$0x10100] =	vst v4;
	v10 =	vmul.f32 $3.200000000e+01, v10  }
0x1fc: {  	v4 =	vld [tilespmem:s20+$0x8100];
	[tilespmem:s21+$0x10110] =	vst v6;
	v9 =	vmul.f32 $3.200000000e+01, v9  }
0x1fd: {  	v6 =	vld [tilespmem:s20+$0x8110];
	[tilespmem:s21+$0x10120] =	vst v10;
	v8 =	vmul.f32 $3.200000000e+01, v8  }
0x1fe: {  	v10 =	vld [tilespmem:s20+$0x8120];
	[tilespmem:s21+$0x10130] =	vst v9;
	v7 =	vmul.f32 $3.200000000e+01, v7  }
0x1ff: {  	v9 =	vld [tilespmem:s20+$0x8130];
	[tilespmem:s21+$0x10140] =	vst v8;
	v5 =	vmul.f32 $3.200000000e+01, v5  }
0x200: {  	v8 =	vld [tilespmem:s20+$0x8140];
	v3 =	vmul.f32 $3.200000000e+01, v3;
	[tilespmem:s21+$0x10150] =	vst v7  }
0x201: {  	v7 =	vld [tilespmem:s20+$0x8150];
	v4 =	vmul.f32 $3.200000000e+01, v4;
	[tilespmem:s21+$0x10160] =	vst v5  }
0x202: {  	v5 =	vmul.f32 $3.200000000e+01, v6;
	v6 =	vld [tilespmem:s20+$0x8160];
	[tilespmem:s20+$0x10170] =	vst v3  }
0x203: {  	[tilespmem:s20+$0x10100] =	vst v4;
	v3 =	vmul.f32 $3.200000000e+01, v10  }
0x204: {  	v4 =	vmul.f32 $3.200000000e+01, v9;
	[tilespmem:s20+$0x10110] =	vst v5  }
0x205: {  	[tilespmem:s20+$0x10120] =	vst v3;
	v3 =	vmul.f32 $3.200000000e+01, v8  }
0x206: {  	[tilespmem:s20+$0x10130] =	vst v4;
	v4 =	vmul.f32 $3.200000000e+01, v7  }
0x207: {  	[tilespmem:s20+$0x10140] =	vst v3;
	v3 =	vmul.f32 $3.200000000e+01, v6  }
0x208: {  	[tilespmem:s20+$0x10150] =	vst v4  }
0x209: {  	[tilespmem:s20+$0x10160] =	vst v3  }
0x20a: {  	s8 =	simm.s32 $0x0;
	s20 =	rddreg [dreg:$0xc]  }
0x20b: {  	[hbm4b:s20+s8] =	stream.linear.scatter [tilespmem:s10], [sflag:$0x5], $0x4000, $0x38;
	[tilespmem:$0x1C100] =	vst v63  }
0x20c: {  	v3 =	vld [tilespmem:$0xA0];
	_ =	sdelay $0x4  }
0x20d: {  	v4 =	vshll.u32 v3, $0x3  }
0x20e: {  	v3 =	vand.u32 $0x7, v3;
	v4 =	vand.u32 $0xFFFFFFC0, v4  }
0x20f: {  	v3 =	vor.u32 v3, v4  }
0x210: {  	v4 =	vperm.xlane v3, v0;
	_ =	sdelay $0x1  }
0x211: {  	v4 =	vadd.s32 v1, v4;
	_ =	sdelay $0x3  }
0x212: {  	s21 =	simm.s32 $0x8100  }
0x213: {  	[tilespmem:s21], [sflag:$0x3] =	stream.indirect_vreg.gather [hbm4b:s1+s8], $0x80, v4, vm0, $0xb8;
	[tilespmem:$0x1C100] =	vst v63  }
0x214: {  	s22 =	simm.s32 $0x8900;
	v3 =	vperm.xlane v3, v2  }
0x215: {  	[tilespmem:s22], [sflag:$0x3] =	stream.indirect_vreg.gather [hbm4b:s5+s8], $0x80, v4, vm0, $0xb8;
	[tilespmem:$0x1C100] =	vst v63  }
0x216: {  	s23 =	simm.s32 $0x9100;
	v3 =	vadd.s32 v1, v3  }
0x217: {  	[tilespmem:s23], [sflag:$0x3] =	stream.indirect_vreg.gather [hbm4b:s6+s8], $0x80, v4, vm0, $0xb8;
	[tilespmem:$0x1C100] =	vst v63  }
0x218: {  	s24 =	simm.s32 $0x9900  }
0x219: {  	[tilespmem:s24], [sflag:$0x3] =	stream.indirect_vreg.gather [hbm4b:s7+s8], $0x80, v4, vm0, $0xb8;
	[tilespmem:$0x1C100] =	vst v63  }
0x21a: {  	s25 =	simm.s32 $0xA100  }
0x21b: {  	[tilespmem:s25], [sflag:$0x3] =	stream.indirect_vreg.gather [hbm4b:s1+s8], $0x80, v3, vm0, $0xb8;
	[tilespmem:$0x1C100] =	vst v63  }
0x21c: {  	s21 =	simm.s32 $0xA900  }
0x21d: {  	[tilespmem:s21], [sflag:$0x3] =	stream.indirect_vreg.gather [hbm4b:s5+s8], $0x80, v3, vm0, $0xb8;
	[tilespmem:$0x1C100] =	vst v63  }
0x21e: {  	s22 =	simm.s32 $0xB100  }
0x21f: {  	[tilespmem:s22], [sflag:$0x3] =	stream.indirect_vreg.gather [hbm4b:s6+s8], $0x80, v3, vm0, $0xb8;
	[tilespmem:$0x1C100] =	vst v63  }
0x220: {  	s23 =	simm.s32 $0xB900  }
0x221: {  	[tilespmem:s23], [sflag:$0x3] =	stream.indirect_vreg.gather [hbm4b:s7+s8], $0x80, v3, vm0, $0xb8;
	[tilespmem:$0x1C100] =	vst v63  }
0x222: {  	_ =	swait.ge [sflag:s15], $0x4000  }
0x223: {  	s24 =	simm.s32 $0x0;
	[sflag:s15] =	ssyncset.done $0x0  }
0x224: {  	s20 =	sand.u32 $0x2000, s24;
	[sflag:s15] =	ssyncadd.s32 $0xFFFFC000  }
0x225: {  	s25 =	simm.s32 $0x0;
	s8 =	sand.u32 $0x1C00, s8;
	_ =	swait.ge [sflag:s17], $0x4000  }
0x226: {  	s22 =	sand.u32 $0x380, s25;
	s8 =	sor.u32 s8, s20;
	[sflag:s17] =	ssyncset.done $0x0  }
0x227: {  	s21 =	sor.u32 s22, s8;
	[sflag:s17] =	ssyncadd.s32 $0xFFFFC000  }
0x228: {  	v3 =	vld [tilespmem:s21+$0xC170]  }
0x229: {  	v4 =	vld [tilespmem:s21+$0xC100]  }
0x22a: {  	v5 =	vld [tilespmem:s21+$0xC110]  }
0x22b: {  	v6 =	vld [tilespmem:s21+$0xC120]  }
0x22c: {  	s23 =	simm.s32 $0x80;
	s22 =	simm.s32 $0x400;
	v8 =	vld [tilespmem:s21+$0xC130]  }
0x22d: {  	s8 =	sand.u32 $0x2000, s23;
	s23 =	simm.s32 $0x10;
	s24 =	sand.u32 $0x1C00, s22;
	v10 =	vld [tilespmem:s21+$0xC140];
	v3 =	vmul.f32 $3.200000000e+01, v3  }
0x22e: {  	s25 =	sand.u32 $0x380, s23;
	s8 =	sor.u32 s24, s8;
	v7 =	vld [tilespmem:s21+$0xC150];
	v4 =	vmul.f32 $3.200000000e+01, v4  }
0x22f: {  	s20 =	sor.u32 s25, s8;
	v9 =	vmul.f32 $3.200000000e+01, v5;
	v5 =	vld [tilespmem:s21+$0xC160];
	[tilespmem:s21+$0x14170] =	vst v3  }
0x230: {  	v11 =	vmul.f32 $3.200000000e+01, v6;
	v3 =	vld [tilespmem:s20+$0xC170];
	[tilespmem:s21+$0x14100] =	vst v4  }
0x231: {  	v4 =	vld [tilespmem:s20+$0xC100];
	[tilespmem:s21+$0x14110] =	vst v9;
	v9 =	vmul.f32 $3.200000000e+01, v8  }
0x232: {  	s23 =	simm.s32 $0x8;
	v6 =	vld [tilespmem:s20+$0xC110];
	[tilespmem:s21+$0x14120] =	vst v11;
	v8 =	vmul.f32 $3.200000000e+01, v10  }
.LBB2_16:
0x233: {  	s23 =	sadd.s32 $0x8, s23;
	v10 =	vld [tilespmem:s20+$0xC120];
	[tilespmem:s21+$0x14130] =	vst v9;
	v7 =	vmul.f32 $3.200000000e+01, v7  }
0x234: {  	s22 =	sadd.s32 $0x400, s22;
	s8 =	sshll.u32 s23, $0x4;
	p0 =	slt.u32 s23, $0x3F8;
	v9 =	vld [tilespmem:s20+$0xC130];
	[tilespmem:s21+$0x14140] =	vst v8;
	v5 =	vmul.f32 $3.200000000e+01, v5  }
0x235: {  	s24 =	sand.u32 $0x1C00, s22;
	s25 =	sshll.u32 s23, $0x1;
	s8 =	sand.u32 $0x2000, s8;
	v8 =	vld [tilespmem:s20+$0xC140];
	v3 =	vmul.f32 $3.200000000e+01, v3;
	[tilespmem:s21+$0x14150] =	vst v7  }
.Ltmp7:
0x236: {  	s8 =	sor.u32 s24, s8;
	s24 =	sand.u32 $0x380, s25;
	v4 =	vmul.f32 $3.200000000e+01, v4;
	v7 =	vld [tilespmem:s20+$0xC150];
	[tilespmem:s21+$0x14160] =	vst v5;
	(pc) =	sbr.rel @p0 .LBB2_16-.Ltmp7, $4  }
0x237: {  	s21 =	smov.u32 s20;
	v6 =	vmul.f32 $3.200000000e+01, v6;
	v5 =	vld [tilespmem:s20+$0xC160];
	[tilespmem:s20+$0x14170] =	vst v3;
	s20 =	sor.u32 s24, s8  }
0x238: {  	v3 =	vld [tilespmem:s20+$0xC170];
	[tilespmem:s21+$0x14100] =	vst v4;
	v10 =	vmul.f32 $3.200000000e+01, v10  }
0x239: {  	v4 =	vld [tilespmem:s20+$0xC100];
	[tilespmem:s21+$0x14110] =	vst v6;
	v9 =	vmul.f32 $3.200000000e+01, v9  }
0x23a: {  	v6 =	vld [tilespmem:s20+$0xC110];
	[tilespmem:s21+$0x14120] =	vst v10;
	v8 =	vmul.f32 $3.200000000e+01, v8  }
0x23b: {  	v10 =	vld [tilespmem:s20+$0xC120];
	[tilespmem:s21+$0x14130] =	vst v9;
	v7 =	vmul.f32 $3.200000000e+01, v7  }
0x23c: {  	v9 =	vld [tilespmem:s20+$0xC130];
	[tilespmem:s21+$0x14140] =	vst v8;
	v5 =	vmul.f32 $3.200000000e+01, v5  }
0x23d: {  	v8 =	vld [tilespmem:s20+$0xC140];
	v3 =	vmul.f32 $3.200000000e+01, v3;
	[tilespmem:s21+$0x14150] =	vst v7  }
0x23e: {  	v7 =	vld [tilespmem:s20+$0xC150];
	v4 =	vmul.f32 $3.200000000e+01, v4;
	[tilespmem:s21+$0x14160] =	vst v5  }
0x23f: {  	v5 =	vmul.f32 $3.200000000e+01, v6;
	v6 =	vld [tilespmem:s20+$0xC160];
	[tilespmem:s20+$0x14170] =	vst v3  }
0x240: {  	[tilespmem:s20+$0x14100] =	vst v4;
	v3 =	vmul.f32 $3.200000000e+01, v10  }
0x241: {  	v4 =	vmul.f32 $3.200000000e+01, v9;
	[tilespmem:s20+$0x14110] =	vst v5  }
0x242: {  	[tilespmem:s20+$0x14120] =	vst v3;
	v3 =	vmul.f32 $3.200000000e+01, v8  }
0x243: {  	[tilespmem:s20+$0x14130] =	vst v4;
	v4 =	vmul.f32 $3.200000000e+01, v7  }
0x244: {  	[tilespmem:s20+$0x14140] =	vst v3;
	v3 =	vmul.f32 $3.200000000e+01, v6  }
0x245: {  	[tilespmem:s20+$0x14150] =	vst v4  }
0x246: {  	[tilespmem:s20+$0x14160] =	vst v3  }
0x247: {  	s8 =	simm.s32 $0x0;
	s20 =	rddreg [dreg:$0xd]  }
0x248: {  	[hbm4b:s20+s8] =	stream.linear.scatter [tilespmem:s12], [sflag:$0x6], $0x4000, $0x38;
	[tilespmem:$0x1C100] =	vst v63  }
0x249: {  	v3 =	vld [tilespmem:$0xB0];
	_ =	sdelay $0x4  }
0x24a: {  	v4 =	vshll.u32 v3, $0x3  }
0x24b: {  	v3 =	vand.u32 $0x7, v3;
	v4 =	vand.u32 $0xFFFFFFC0, v4  }
0x24c: {  	v3 =	vor.u32 v3, v4  }
0x24d: {  	v4 =	vperm.xlane v3, v0;
	_ =	sdelay $0x1  }
0x24e: {  	v4 =	vadd.s32 v1, v4;
	_ =	sdelay $0x3  }
0x24f: {  	s23 =	simm.s32 $0xC100  }
0x250: {  	[tilespmem:s23], [sflag:$0x4] =	stream.indirect_vreg.gather [hbm4b:s1+s8], $0x80, v4, vm0, $0xb8;
	[tilespmem:$0x1C100] =	vst v63  }
0x251: {  	v3 =	vperm.xlane v3, v2  }
0x252: {  	[tilespmem:s28], [sflag:$0x4] =	stream.indirect_vreg.gather [hbm4b:s5+s8], $0x80, v4, vm0, $0xb8;
	[tilespmem:$0x1C100] =	vst v63  }
0x253: {  	v3 =	vadd.s32 v1, v3  }
0x254: {  	[tilespmem:s29], [sflag:$0x4] =	stream.indirect_vreg.gather [hbm4b:s6+s8], $0x80, v4, vm0, $0xb8;
	[tilespmem:$0x1C100] =	vst v63  }
0x255: {  	_ = 	snop  }
0x256: {  	[tilespmem:s30], [sflag:$0x4] =	stream.indirect_vreg.gather [hbm4b:s7+s8], $0x80, v4, vm0, $0xb8;
	[tilespmem:$0x1C100] =	vst v63  }
0x257: {  	_ = 	snop  }
0x258: {  	[tilespmem:s31], [sflag:$0x4] =	stream.indirect_vreg.gather [hbm4b:s1+s8], $0x80, v3, vm0, $0xb8;
	[tilespmem:$0x1C100] =	vst v63  }
0x259: {  	_ = 	snop  }
0x25a: {  	[tilespmem:s0], [sflag:$0x4] =	stream.indirect_vreg.gather [hbm4b:s5+s8], $0x80, v3, vm0, $0xb8;
	[tilespmem:$0x1C100] =	vst v63  }
0x25b: {  	_ = 	snop  }
0x25c: {  	[tilespmem:s2], [sflag:$0x4] =	stream.indirect_vreg.gather [hbm4b:s6+s8], $0x80, v3, vm0, $0xb8;
	[tilespmem:$0x1C100] =	vst v63  }
0x25d: {  	_ = 	snop  }
0x25e: {  	[tilespmem:s4], [sflag:$0x4] =	stream.indirect_vreg.gather [hbm4b:s7+s8], $0x80, v3, vm0, $0xb8;
	[tilespmem:$0x1C100] =	vst v63  }
0x25f: {  	_ =	swait.ge [sflag:s9], $0x4000  }
0x260: {  	[sflag:s9] =	ssyncset.done $0x0  }
0x261: {  	s24 =	simm.s32 $0x0;
	s25 =	simm.s32 $0x0;
	[sflag:s9] =	ssyncadd.s32 $0xFFFFC000  }
0x262: {  	s20 =	sand.u32 $0x2000, s24;
	s8 =	sand.u32 $0x1C00, s8;
	_ =	swait.ge [sflag:s18], $0x4000  }
0x263: {  	s22 =	sand.u32 $0x380, s25;
	s8 =	sor.u32 s8, s20;
	[sflag:s18] =	ssyncset.done $0x0  }
0x264: {  	s21 =	sor.u32 s22, s8;
	[sflag:s18] =	ssyncadd.s32 $0xFFFFC000  }
0x265: {  	v3 =	vld [tilespmem:s21+$0x170]  }
0x266: {  	v4 =	vld [tilespmem:s21+$0x100]  }
0x267: {  	v5 =	vld [tilespmem:s21+$0x110]  }
0x268: {  	v6 =	vld [tilespmem:s21+$0x120]  }
0x269: {  	s23 =	simm.s32 $0x80;
	s22 =	simm.s32 $0x400;
	v8 =	vld [tilespmem:s21+$0x130]  }
0x26a: {  	s8 =	sand.u32 $0x2000, s23;
	s23 =	simm.s32 $0x10;
	s24 =	sand.u32 $0x1C00, s22;
	v10 =	vld [tilespmem:s21+$0x140];
	v3 =	vmul.f32 $3.200000000e+01, v3  }
0x26b: {  	s25 =	sand.u32 $0x380, s23;
	s8 =	sor.u32 s24, s8;
	v7 =	vld [tilespmem:s21+$0x150];
	v4 =	vmul.f32 $3.200000000e+01, v4  }
0x26c: {  	s20 =	sor.u32 s25, s8;
	v9 =	vmul.f32 $3.200000000e+01, v5;
	v5 =	vld [tilespmem:s21+$0x160];
	[tilespmem:s21+$0x18170] =	vst v3  }
0x26d: {  	v11 =	vmul.f32 $3.200000000e+01, v6;
	v3 =	vld [tilespmem:s20+$0x170];
	[tilespmem:s21+$0x18100] =	vst v4  }
0x26e: {  	v4 =	vld [tilespmem:s20+$0x100];
	[tilespmem:s21+$0x18110] =	vst v9;
	v9 =	vmul.f32 $3.200000000e+01, v8  }
0x26f: {  	s23 =	simm.s32 $0x8;
	v6 =	vld [tilespmem:s20+$0x110];
	[tilespmem:s21+$0x18120] =	vst v11;
	v8 =	vmul.f32 $3.200000000e+01, v10  }
.LBB2_18:
0x270: {  	s23 =	sadd.s32 $0x8, s23;
	v10 =	vld [tilespmem:s20+$0x120];
	[tilespmem:s21+$0x18130] =	vst v9;
	v7 =	vmul.f32 $3.200000000e+01, v7  }
0x271: {  	s22 =	sadd.s32 $0x400, s22;
	s8 =	sshll.u32 s23, $0x4;
	p0 =	slt.u32 s23, $0x3F8;
	v9 =	vld [tilespmem:s20+$0x130];
	[tilespmem:s21+$0x18140] =	vst v8;
	v5 =	vmul.f32 $3.200000000e+01, v5  }
0x272: {  	s24 =	sand.u32 $0x1C00, s22;
	s25 =	sshll.u32 s23, $0x1;
	s8 =	sand.u32 $0x2000, s8;
	v8 =	vld [tilespmem:s20+$0x140];
	v3 =	vmul.f32 $3.200000000e+01, v3;
	[tilespmem:s21+$0x18150] =	vst v7  }
.Ltmp8:
0x273: {  	s8 =	sor.u32 s24, s8;
	s24 =	sand.u32 $0x380, s25;
	v4 =	vmul.f32 $3.200000000e+01, v4;
	v7 =	vld [tilespmem:s20+$0x150];
	[tilespmem:s21+$0x18160] =	vst v5;
	(pc) =	sbr.rel @p0 .LBB2_18-.Ltmp8, $4  }
0x274: {  	s21 =	smov.u32 s20;
	v6 =	vmul.f32 $3.200000000e+01, v6;
	v5 =	vld [tilespmem:s20+$0x160];
	[tilespmem:s20+$0x18170] =	vst v3;
	s20 =	sor.u32 s24, s8  }
0x275: {  	v3 =	vld [tilespmem:s20+$0x170];
	[tilespmem:s21+$0x18100] =	vst v4;
	v10 =	vmul.f32 $3.200000000e+01, v10  }
0x276: {  	v4 =	vld [tilespmem:s20+$0x100];
	[tilespmem:s21+$0x18110] =	vst v6;
	v9 =	vmul.f32 $3.200000000e+01, v9  }
0x277: {  	v6 =	vld [tilespmem:s20+$0x110];
	[tilespmem:s21+$0x18120] =	vst v10;
	v8 =	vmul.f32 $3.200000000e+01, v8  }
0x278: {  	v10 =	vld [tilespmem:s20+$0x120];
	[tilespmem:s21+$0x18130] =	vst v9;
	v7 =	vmul.f32 $3.200000000e+01, v7  }
0x279: {  	v9 =	vld [tilespmem:s20+$0x130];
	[tilespmem:s21+$0x18140] =	vst v8;
	v5 =	vmul.f32 $3.200000000e+01, v5  }
0x27a: {  	v8 =	vld [tilespmem:s20+$0x140];
	v3 =	vmul.f32 $3.200000000e+01, v3;
	[tilespmem:s21+$0x18150] =	vst v7  }
0x27b: {  	v7 =	vld [tilespmem:s20+$0x150];
	v4 =	vmul.f32 $3.200000000e+01, v4;
	[tilespmem:s21+$0x18160] =	vst v5  }
0x27c: {  	v5 =	vmul.f32 $3.200000000e+01, v6;
	v6 =	vld [tilespmem:s20+$0x160];
	[tilespmem:s20+$0x18170] =	vst v3  }
0x27d: {  	[tilespmem:s20+$0x18100] =	vst v4;
	v3 =	vmul.f32 $3.200000000e+01, v10  }
0x27e: {  	v4 =	vmul.f32 $3.200000000e+01, v9;
	[tilespmem:s20+$0x18110] =	vst v5  }
0x27f: {  	[tilespmem:s20+$0x18120] =	vst v3;
	v3 =	vmul.f32 $3.200000000e+01, v8  }
0x280: {  	[tilespmem:s20+$0x18130] =	vst v4;
	v4 =	vmul.f32 $3.200000000e+01, v7  }
0x281: {  	[tilespmem:s20+$0x18140] =	vst v3;
	v3 =	vmul.f32 $3.200000000e+01, v6  }
0x282: {  	[tilespmem:s20+$0x18150] =	vst v4  }
0x283: {  	[tilespmem:s20+$0x18160] =	vst v3  }
0x284: {  	s8 =	simm.s32 $0x0;
	s20 =	rddreg [dreg:$0xe]  }
0x285: {  	[hbm4b:s20+s8] =	stream.linear.scatter [tilespmem:s14], [sflag:$0x7], $0x4000, $0x38;
	[tilespmem:$0x1C100] =	vst v63  }
0x286: {  	v3 =	vld [tilespmem:$0xC0];
	_ =	sdelay $0x4  }
0x287: {  	v4 =	vshll.u32 v3, $0x3  }
0x288: {  	v3 =	vand.u32 $0x7, v3;
	v4 =	vand.u32 $0xFFFFFFC0, v4  }
0x289: {  	v3 =	vor.u32 v3, v4  }
0x28a: {  	v4 =	vperm.xlane v3, v0;
	_ =	sdelay $0x1  }
0x28b: {  	v4 =	vadd.s32 v1, v4;
	_ =	sdelay $0x3  }
0x28c: {  	s21 =	simm.s32 $0x100  }
0x28d: {  	[tilespmem:s21], [sflag:$0x1] =	stream.indirect_vreg.gather [hbm4b:s1+s8], $0x80, v4, vm0, $0xb8;
	[tilespmem:$0x1C100] =	vst v63  }
0x28e: {  	s22 =	simm.s32 $0x900;
	v3 =	vperm.xlane v3, v2  }
0x28f: {  	[tilespmem:s22], [sflag:$0x1] =	stream.indirect_vreg.gather [hbm4b:s5+s8], $0x80, v4, vm0, $0xb8;
	[tilespmem:$0x1C100] =	vst v63  }
0x290: {  	s23 =	simm.s32 $0x1100;
	v3 =	vadd.s32 v1, v3  }
0x291: {  	[tilespmem:s23], [sflag:$0x1] =	stream.indirect_vreg.gather [hbm4b:s6+s8], $0x80, v4, vm0, $0xb8;
	[tilespmem:$0x1C100] =	vst v63  }
0x292: {  	s24 =	simm.s32 $0x1900  }
0x293: {  	[tilespmem:s24], [sflag:$0x1] =	stream.indirect_vreg.gather [hbm4b:s7+s8], $0x80, v4, vm0, $0xb8;
	[tilespmem:$0x1C100] =	vst v63  }
0x294: {  	s25 =	simm.s32 $0x2100  }
0x295: {  	[tilespmem:s25], [sflag:$0x1] =	stream.indirect_vreg.gather [hbm4b:s1+s8], $0x80, v3, vm0, $0xb8;
	[tilespmem:$0x1C100] =	vst v63  }
0x296: {  	s21 =	simm.s32 $0x2900  }
0x297: {  	[tilespmem:s21], [sflag:$0x1] =	stream.indirect_vreg.gather [hbm4b:s5+s8], $0x80, v3, vm0, $0xb8;
	[tilespmem:$0x1C100] =	vst v63  }
0x298: {  	s22 =	simm.s32 $0x3100  }
0x299: {  	[tilespmem:s22], [sflag:$0x1] =	stream.indirect_vreg.gather [hbm4b:s6+s8], $0x80, v3, vm0, $0xb8;
	[tilespmem:$0x1C100] =	vst v63  }
0x29a: {  	s23 =	simm.s32 $0x3900  }
0x29b: {  	[tilespmem:s23], [sflag:$0x1] =	stream.indirect_vreg.gather [hbm4b:s7+s8], $0x80, v3, vm0, $0xb8;
	[tilespmem:$0x1C100] =	vst v63  }
0x29c: {  	_ =	swait.ge [sflag:s11], $0x4000  }
0x29d: {  	s24 =	simm.s32 $0x0;
	[sflag:s11] =	ssyncset.done $0x0  }
0x29e: {  	s20 =	sand.u32 $0x2000, s24;
	[sflag:s11] =	ssyncadd.s32 $0xFFFFC000  }
0x29f: {  	s25 =	simm.s32 $0x0;
	s8 =	sand.u32 $0x1C00, s8;
	_ =	swait.ge [sflag:s16], $0x4000  }
0x2a0: {  	s22 =	sand.u32 $0x380, s25;
	s8 =	sor.u32 s8, s20;
	[sflag:s16] =	ssyncset.done $0x0  }
0x2a1: {  	s21 =	sor.u32 s22, s8;
	[sflag:s16] =	ssyncadd.s32 $0xFFFFC000  }
0x2a2: {  	v3 =	vld [tilespmem:s21+$0x4170]  }
0x2a3: {  	v4 =	vld [tilespmem:s21+$0x4100]  }
0x2a4: {  	v5 =	vld [tilespmem:s21+$0x4110]  }
0x2a5: {  	v6 =	vld [tilespmem:s21+$0x4120]  }
0x2a6: {  	s23 =	simm.s32 $0x80;
	s22 =	simm.s32 $0x400;
	v8 =	vld [tilespmem:s21+$0x4130]  }
0x2a7: {  	s8 =	sand.u32 $0x2000, s23;
	s23 =	simm.s32 $0x10;
	s24 =	sand.u32 $0x1C00, s22;
	v10 =	vld [tilespmem:s21+$0x4140];
	v3 =	vmul.f32 $3.200000000e+01, v3  }
0x2a8: {  	s25 =	sand.u32 $0x380, s23;
	s8 =	sor.u32 s24, s8;
	v7 =	vld [tilespmem:s21+$0x4150];
	v4 =	vmul.f32 $3.200000000e+01, v4  }
0x2a9: {  	s20 =	sor.u32 s25, s8;
	v9 =	vmul.f32 $3.200000000e+01, v5;
	v5 =	vld [tilespmem:s21+$0x4160];
	[tilespmem:s21+$0x10170] =	vst v3  }
0x2aa: {  	v11 =	vmul.f32 $3.200000000e+01, v6;
	v3 =	vld [tilespmem:s20+$0x4170];
	[tilespmem:s21+$0x10100] =	vst v4  }
0x2ab: {  	v4 =	vld [tilespmem:s20+$0x4100];
	[tilespmem:s21+$0x10110] =	vst v9;
	v9 =	vmul.f32 $3.200000000e+01, v8  }
0x2ac: {  	s23 =	simm.s32 $0x8;
	v6 =	vld [tilespmem:s20+$0x4110];
	[tilespmem:s21+$0x10120] =	vst v11;
	v8 =	vmul.f32 $3.200000000e+01, v10  }
.LBB2_20:
0x2ad: {  	s23 =	sadd.s32 $0x8, s23;
	v10 =	vld [tilespmem:s20+$0x4120];
	[tilespmem:s21+$0x10130] =	vst v9;
	v7 =	vmul.f32 $3.200000000e+01, v7  }
0x2ae: {  	s22 =	sadd.s32 $0x400, s22;
	s8 =	sshll.u32 s23, $0x4;
	p0 =	slt.u32 s23, $0x3F8;
	v9 =	vld [tilespmem:s20+$0x4130];
	[tilespmem:s21+$0x10140] =	vst v8;
	v5 =	vmul.f32 $3.200000000e+01, v5  }
0x2af: {  	s24 =	sand.u32 $0x1C00, s22;
	s25 =	sshll.u32 s23, $0x1;
	s8 =	sand.u32 $0x2000, s8;
	v8 =	vld [tilespmem:s20+$0x4140];
	v3 =	vmul.f32 $3.200000000e+01, v3;
	[tilespmem:s21+$0x10150] =	vst v7  }
.Ltmp9:
0x2b0: {  	s8 =	sor.u32 s24, s8;
	s24 =	sand.u32 $0x380, s25;
	v4 =	vmul.f32 $3.200000000e+01, v4;
	v7 =	vld [tilespmem:s20+$0x4150];
	[tilespmem:s21+$0x10160] =	vst v5;
	(pc) =	sbr.rel @p0 .LBB2_20-.Ltmp9, $4  }
0x2b1: {  	s21 =	smov.u32 s20;
	v6 =	vmul.f32 $3.200000000e+01, v6;
	v5 =	vld [tilespmem:s20+$0x4160];
	[tilespmem:s20+$0x10170] =	vst v3;
	s20 =	sor.u32 s24, s8  }
0x2b2: {  	v3 =	vld [tilespmem:s20+$0x4170];
	[tilespmem:s21+$0x10100] =	vst v4;
	v10 =	vmul.f32 $3.200000000e+01, v10  }
0x2b3: {  	v4 =	vld [tilespmem:s20+$0x4100];
	[tilespmem:s21+$0x10110] =	vst v6;
	v9 =	vmul.f32 $3.200000000e+01, v9  }
0x2b4: {  	v6 =	vld [tilespmem:s20+$0x4110];
	[tilespmem:s21+$0x10120] =	vst v10;
	v8 =	vmul.f32 $3.200000000e+01, v8  }
0x2b5: {  	v10 =	vld [tilespmem:s20+$0x4120];
	[tilespmem:s21+$0x10130] =	vst v9;
	v7 =	vmul.f32 $3.200000000e+01, v7  }
0x2b6: {  	v9 =	vld [tilespmem:s20+$0x4130];
	[tilespmem:s21+$0x10140] =	vst v8;
	v5 =	vmul.f32 $3.200000000e+01, v5  }
0x2b7: {  	v8 =	vld [tilespmem:s20+$0x4140];
	v3 =	vmul.f32 $3.200000000e+01, v3;
	[tilespmem:s21+$0x10150] =	vst v7  }
0x2b8: {  	v7 =	vld [tilespmem:s20+$0x4150];
	v4 =	vmul.f32 $3.200000000e+01, v4;
	[tilespmem:s21+$0x10160] =	vst v5  }
0x2b9: {  	v5 =	vmul.f32 $3.200000000e+01, v6;
	v6 =	vld [tilespmem:s20+$0x4160];
	[tilespmem:s20+$0x10170] =	vst v3  }
0x2ba: {  	[tilespmem:s20+$0x10100] =	vst v4;
	v3 =	vmul.f32 $3.200000000e+01, v10  }
0x2bb: {  	v4 =	vmul.f32 $3.200000000e+01, v9;
	[tilespmem:s20+$0x10110] =	vst v5  }
0x2bc: {  	[tilespmem:s20+$0x10120] =	vst v3;
	v3 =	vmul.f32 $3.200000000e+01, v8  }
0x2bd: {  	[tilespmem:s20+$0x10130] =	vst v4;
	v4 =	vmul.f32 $3.200000000e+01, v7  }
0x2be: {  	[tilespmem:s20+$0x10140] =	vst v3;
	v3 =	vmul.f32 $3.200000000e+01, v6  }
0x2bf: {  	[tilespmem:s20+$0x10150] =	vst v4  }
0x2c0: {  	[tilespmem:s20+$0x10160] =	vst v3  }
0x2c1: {  	s8 =	simm.s32 $0x0;
	s20 =	rddreg [dreg:$0xf]  }
0x2c2: {  	[hbm4b:s20+s8] =	stream.linear.scatter [tilespmem:s10], [sflag:$0x5], $0x4000, $0x38;
	[tilespmem:$0x1C100] =	vst v63  }
0x2c3: {  	v3 =	vld [tilespmem:$0xD0];
	_ =	sdelay $0x4  }
0x2c4: {  	v4 =	vshll.u32 v3, $0x3  }
0x2c5: {  	v3 =	vand.u32 $0x7, v3;
	v4 =	vand.u32 $0xFFFFFFC0, v4  }
0x2c6: {  	v3 =	vor.u32 v3, v4  }
0x2c7: {  	v4 =	vperm.xlane v3, v0;
	_ =	sdelay $0x1  }
0x2c8: {  	v4 =	vadd.s32 v1, v4;
	_ =	sdelay $0x3  }
0x2c9: {  	s21 =	simm.s32 $0x4100  }
0x2ca: {  	[tilespmem:s21], [sflag:$0x2] =	stream.indirect_vreg.gather [hbm4b:s1+s8], $0x80, v4, vm0, $0xb8;
	[tilespmem:$0x1C100] =	vst v63  }
0x2cb: {  	s22 =	simm.s32 $0x4900;
	v3 =	vperm.xlane v3, v2  }
0x2cc: {  	[tilespmem:s22], [sflag:$0x2] =	stream.indirect_vreg.gather [hbm4b:s5+s8], $0x80, v4, vm0, $0xb8;
	[tilespmem:$0x1C100] =	vst v63  }
0x2cd: {  	s23 =	simm.s32 $0x5100;
	v3 =	vadd.s32 v1, v3  }
0x2ce: {  	[tilespmem:s23], [sflag:$0x2] =	stream.indirect_vreg.gather [hbm4b:s6+s8], $0x80, v4, vm0, $0xb8;
	[tilespmem:$0x1C100] =	vst v63  }
0x2cf: {  	s24 =	simm.s32 $0x5900  }
0x2d0: {  	[tilespmem:s24], [sflag:$0x2] =	stream.indirect_vreg.gather [hbm4b:s7+s8], $0x80, v4, vm0, $0xb8;
	[tilespmem:$0x1C100] =	vst v63  }
0x2d1: {  	s25 =	simm.s32 $0x6100  }
0x2d2: {  	[tilespmem:s25], [sflag:$0x2] =	stream.indirect_vreg.gather [hbm4b:s1+s8], $0x80, v3, vm0, $0xb8;
	[tilespmem:$0x1C100] =	vst v63  }
0x2d3: {  	s21 =	simm.s32 $0x6900  }
0x2d4: {  	[tilespmem:s21], [sflag:$0x2] =	stream.indirect_vreg.gather [hbm4b:s5+s8], $0x80, v3, vm0, $0xb8;
	[tilespmem:$0x1C100] =	vst v63  }
0x2d5: {  	s22 =	simm.s32 $0x7100  }
0x2d6: {  	[tilespmem:s22], [sflag:$0x2] =	stream.indirect_vreg.gather [hbm4b:s6+s8], $0x80, v3, vm0, $0xb8;
	[tilespmem:$0x1C100] =	vst v63  }
0x2d7: {  	s23 =	simm.s32 $0x7900  }
0x2d8: {  	[tilespmem:s23], [sflag:$0x2] =	stream.indirect_vreg.gather [hbm4b:s7+s8], $0x80, v3, vm0, $0xb8;
	[tilespmem:$0x1C100] =	vst v63  }
0x2d9: {  	_ =	swait.ge [sflag:s13], $0x4000  }
0x2da: {  	s24 =	simm.s32 $0x0;
	[sflag:s13] =	ssyncset.done $0x0  }
0x2db: {  	s20 =	sand.u32 $0x2000, s24;
	[sflag:s13] =	ssyncadd.s32 $0xFFFFC000  }
0x2dc: {  	s25 =	simm.s32 $0x0;
	s8 =	sand.u32 $0x1C00, s8;
	_ =	swait.ge [sflag:s17], $0x4000  }
0x2dd: {  	s22 =	sand.u32 $0x380, s25;
	s8 =	sor.u32 s8, s20;
	[sflag:s17] =	ssyncset.done $0x0  }
0x2de: {  	s21 =	sor.u32 s22, s8;
	[sflag:s17] =	ssyncadd.s32 $0xFFFFC000  }
0x2df: {  	v3 =	vld [tilespmem:s21+$0x8170]  }
0x2e0: {  	v4 =	vld [tilespmem:s21+$0x8100]  }
0x2e1: {  	v5 =	vld [tilespmem:s21+$0x8110]  }
0x2e2: {  	v6 =	vld [tilespmem:s21+$0x8120]  }
0x2e3: {  	s23 =	simm.s32 $0x80;
	s22 =	simm.s32 $0x400;
	v8 =	vld [tilespmem:s21+$0x8130]  }
0x2e4: {  	s8 =	sand.u32 $0x2000, s23;
	s23 =	simm.s32 $0x10;
	s24 =	sand.u32 $0x1C00, s22;
	v10 =	vld [tilespmem:s21+$0x8140];
	v3 =	vmul.f32 $3.200000000e+01, v3  }
0x2e5: {  	s25 =	sand.u32 $0x380, s23;
	s8 =	sor.u32 s24, s8;
	v7 =	vld [tilespmem:s21+$0x8150];
	v4 =	vmul.f32 $3.200000000e+01, v4  }
0x2e6: {  	s20 =	sor.u32 s25, s8;
	v9 =	vmul.f32 $3.200000000e+01, v5;
	v5 =	vld [tilespmem:s21+$0x8160];
	[tilespmem:s21+$0x14170] =	vst v3  }
0x2e7: {  	v11 =	vmul.f32 $3.200000000e+01, v6;
	v3 =	vld [tilespmem:s20+$0x8170];
	[tilespmem:s21+$0x14100] =	vst v4  }
0x2e8: {  	v4 =	vld [tilespmem:s20+$0x8100];
	[tilespmem:s21+$0x14110] =	vst v9;
	v9 =	vmul.f32 $3.200000000e+01, v8  }
0x2e9: {  	s23 =	simm.s32 $0x8;
	v6 =	vld [tilespmem:s20+$0x8110];
	[tilespmem:s21+$0x14120] =	vst v11;
	v8 =	vmul.f32 $3.200000000e+01, v10  }
.LBB2_22:
0x2ea: {  	s23 =	sadd.s32 $0x8, s23;
	v10 =	vld [tilespmem:s20+$0x8120];
	[tilespmem:s21+$0x14130] =	vst v9;
	v7 =	vmul.f32 $3.200000000e+01, v7  }
0x2eb: {  	s22 =	sadd.s32 $0x400, s22;
	s8 =	sshll.u32 s23, $0x4;
	p0 =	slt.u32 s23, $0x3F8;
	v9 =	vld [tilespmem:s20+$0x8130];
	[tilespmem:s21+$0x14140] =	vst v8;
	v5 =	vmul.f32 $3.200000000e+01, v5  }
0x2ec: {  	s24 =	sand.u32 $0x1C00, s22;
	s25 =	sshll.u32 s23, $0x1;
	s8 =	sand.u32 $0x2000, s8;
	v8 =	vld [tilespmem:s20+$0x8140];
	v3 =	vmul.f32 $3.200000000e+01, v3;
	[tilespmem:s21+$0x14150] =	vst v7  }
.Ltmp10:
0x2ed: {  	s8 =	sor.u32 s24, s8;
	s24 =	sand.u32 $0x380, s25;
	v4 =	vmul.f32 $3.200000000e+01, v4;
	v7 =	vld [tilespmem:s20+$0x8150];
	[tilespmem:s21+$0x14160] =	vst v5;
	(pc) =	sbr.rel @p0 .LBB2_22-.Ltmp10, $4  }
0x2ee: {  	s21 =	smov.u32 s20;
	v6 =	vmul.f32 $3.200000000e+01, v6;
	v5 =	vld [tilespmem:s20+$0x8160];
	[tilespmem:s20+$0x14170] =	vst v3;
	s20 =	sor.u32 s24, s8  }
0x2ef: {  	v3 =	vld [tilespmem:s20+$0x8170];
	[tilespmem:s21+$0x14100] =	vst v4;
	v10 =	vmul.f32 $3.200000000e+01, v10  }
0x2f0: {  	v4 =	vld [tilespmem:s20+$0x8100];
	[tilespmem:s21+$0x14110] =	vst v6;
	v9 =	vmul.f32 $3.200000000e+01, v9  }
0x2f1: {  	v6 =	vld [tilespmem:s20+$0x8110];
	[tilespmem:s21+$0x14120] =	vst v10;
	v8 =	vmul.f32 $3.200000000e+01, v8  }
0x2f2: {  	v10 =	vld [tilespmem:s20+$0x8120];
	[tilespmem:s21+$0x14130] =	vst v9;
	v7 =	vmul.f32 $3.200000000e+01, v7  }
0x2f3: {  	v9 =	vld [tilespmem:s20+$0x8130];
	[tilespmem:s21+$0x14140] =	vst v8;
	v5 =	vmul.f32 $3.200000000e+01, v5  }
0x2f4: {  	v8 =	vld [tilespmem:s20+$0x8140];
	v3 =	vmul.f32 $3.200000000e+01, v3;
	[tilespmem:s21+$0x14150] =	vst v7  }
0x2f5: {  	v7 =	vld [tilespmem:s20+$0x8150];
	v4 =	vmul.f32 $3.200000000e+01, v4;
	[tilespmem:s21+$0x14160] =	vst v5  }
0x2f6: {  	v5 =	vmul.f32 $3.200000000e+01, v6;
	v6 =	vld [tilespmem:s20+$0x8160];
	[tilespmem:s20+$0x14170] =	vst v3  }
0x2f7: {  	[tilespmem:s20+$0x14100] =	vst v4;
	v3 =	vmul.f32 $3.200000000e+01, v10  }
0x2f8: {  	v4 =	vmul.f32 $3.200000000e+01, v9;
	[tilespmem:s20+$0x14110] =	vst v5  }
0x2f9: {  	[tilespmem:s20+$0x14120] =	vst v3;
	v3 =	vmul.f32 $3.200000000e+01, v8  }
0x2fa: {  	[tilespmem:s20+$0x14130] =	vst v4;
	v4 =	vmul.f32 $3.200000000e+01, v7  }
0x2fb: {  	[tilespmem:s20+$0x14140] =	vst v3;
	v3 =	vmul.f32 $3.200000000e+01, v6  }
0x2fc: {  	[tilespmem:s20+$0x14150] =	vst v4  }
0x2fd: {  	[tilespmem:s20+$0x14160] =	vst v3  }
0x2fe: {  	s8 =	simm.s32 $0x0;
	s20 =	rddreg [dreg:$0x10]  }
0x2ff: {  	[hbm4b:s20+s8] =	stream.linear.scatter [tilespmem:s12], [sflag:$0x6], $0x4000, $0x38;
	[tilespmem:$0x1C100] =	vst v63  }
0x300: {  	v3 =	vld [tilespmem:$0xE0];
	_ =	sdelay $0x4  }
0x301: {  	v4 =	vshll.u32 v3, $0x3  }
0x302: {  	v3 =	vand.u32 $0x7, v3;
	v4 =	vand.u32 $0xFFFFFFC0, v4  }
0x303: {  	v3 =	vor.u32 v3, v4  }
0x304: {  	v4 =	vperm.xlane v3, v0;
	_ =	sdelay $0x1  }
0x305: {  	v4 =	vadd.s32 v1, v4;
	_ =	sdelay $0x3  }
0x306: {  	s21 =	simm.s32 $0x8100  }
0x307: {  	[tilespmem:s21], [sflag:$0x3] =	stream.indirect_vreg.gather [hbm4b:s1+s8], $0x80, v4, vm0, $0xb8;
	[tilespmem:$0x1C100] =	vst v63  }
0x308: {  	s22 =	simm.s32 $0x8900;
	v3 =	vperm.xlane v3, v2  }
0x309: {  	[tilespmem:s22], [sflag:$0x3] =	stream.indirect_vreg.gather [hbm4b:s5+s8], $0x80, v4, vm0, $0xb8;
	[tilespmem:$0x1C100] =	vst v63  }
0x30a: {  	s23 =	simm.s32 $0x9100;
	v3 =	vadd.s32 v1, v3  }
0x30b: {  	[tilespmem:s23], [sflag:$0x3] =	stream.indirect_vreg.gather [hbm4b:s6+s8], $0x80, v4, vm0, $0xb8;
	[tilespmem:$0x1C100] =	vst v63  }
0x30c: {  	s24 =	simm.s32 $0x9900  }
0x30d: {  	[tilespmem:s24], [sflag:$0x3] =	stream.indirect_vreg.gather [hbm4b:s7+s8], $0x80, v4, vm0, $0xb8;
	[tilespmem:$0x1C100] =	vst v63  }
0x30e: {  	s25 =	simm.s32 $0xA100  }
0x30f: {  	[tilespmem:s25], [sflag:$0x3] =	stream.indirect_vreg.gather [hbm4b:s1+s8], $0x80, v3, vm0, $0xb8;
	[tilespmem:$0x1C100] =	vst v63  }
0x310: {  	s21 =	simm.s32 $0xA900  }
0x311: {  	[tilespmem:s21], [sflag:$0x3] =	stream.indirect_vreg.gather [hbm4b:s5+s8], $0x80, v3, vm0, $0xb8;
	[tilespmem:$0x1C100] =	vst v63  }
0x312: {  	s22 =	simm.s32 $0xB100  }
0x313: {  	[tilespmem:s22], [sflag:$0x3] =	stream.indirect_vreg.gather [hbm4b:s6+s8], $0x80, v3, vm0, $0xb8;
	[tilespmem:$0x1C100] =	vst v63  }
0x314: {  	s23 =	simm.s32 $0xB900  }
0x315: {  	[tilespmem:s23], [sflag:$0x3] =	stream.indirect_vreg.gather [hbm4b:s7+s8], $0x80, v3, vm0, $0xb8;
	[tilespmem:$0x1C100] =	vst v63  }
0x316: {  	_ =	swait.ge [sflag:s15], $0x4000  }
0x317: {  	s24 =	simm.s32 $0x0;
	[sflag:s15] =	ssyncset.done $0x0  }
0x318: {  	s20 =	sand.u32 $0x2000, s24;
	[sflag:s15] =	ssyncadd.s32 $0xFFFFC000  }
0x319: {  	s25 =	simm.s32 $0x0;
	s8 =	sand.u32 $0x1C00, s8;
	_ =	swait.ge [sflag:s18], $0x4000  }
0x31a: {  	s22 =	sand.u32 $0x380, s25;
	s8 =	sor.u32 s8, s20;
	[sflag:s18] =	ssyncset.done $0x0  }
0x31b: {  	s21 =	sor.u32 s22, s8;
	[sflag:s18] =	ssyncadd.s32 $0xFFFFC000  }
0x31c: {  	v3 =	vld [tilespmem:s21+$0xC170]  }
0x31d: {  	v4 =	vld [tilespmem:s21+$0xC100]  }
0x31e: {  	v5 =	vld [tilespmem:s21+$0xC110]  }
0x31f: {  	v6 =	vld [tilespmem:s21+$0xC120]  }
0x320: {  	s23 =	simm.s32 $0x80;
	s22 =	simm.s32 $0x400;
	v8 =	vld [tilespmem:s21+$0xC130]  }
0x321: {  	s8 =	sand.u32 $0x2000, s23;
	s23 =	simm.s32 $0x10;
	s24 =	sand.u32 $0x1C00, s22;
	v10 =	vld [tilespmem:s21+$0xC140];
	v3 =	vmul.f32 $3.200000000e+01, v3  }
0x322: {  	s25 =	sand.u32 $0x380, s23;
	s8 =	sor.u32 s24, s8;
	v7 =	vld [tilespmem:s21+$0xC150];
	v4 =	vmul.f32 $3.200000000e+01, v4  }
0x323: {  	s20 =	sor.u32 s25, s8;
	v9 =	vmul.f32 $3.200000000e+01, v5;
	v5 =	vld [tilespmem:s21+$0xC160];
	[tilespmem:s21+$0x18170] =	vst v3  }
0x324: {  	v11 =	vmul.f32 $3.200000000e+01, v6;
	v3 =	vld [tilespmem:s20+$0xC170];
	[tilespmem:s21+$0x18100] =	vst v4  }
0x325: {  	v4 =	vld [tilespmem:s20+$0xC100];
	[tilespmem:s21+$0x18110] =	vst v9;
	v9 =	vmul.f32 $3.200000000e+01, v8  }
0x326: {  	s23 =	simm.s32 $0x8;
	v6 =	vld [tilespmem:s20+$0xC110];
	[tilespmem:s21+$0x18120] =	vst v11;
	v8 =	vmul.f32 $3.200000000e+01, v10  }
.LBB2_24:
0x327: {  	s23 =	sadd.s32 $0x8, s23;
	v10 =	vld [tilespmem:s20+$0xC120];
	[tilespmem:s21+$0x18130] =	vst v9;
	v7 =	vmul.f32 $3.200000000e+01, v7  }
0x328: {  	s22 =	sadd.s32 $0x400, s22;
	s8 =	sshll.u32 s23, $0x4;
	p0 =	slt.u32 s23, $0x3F8;
	v9 =	vld [tilespmem:s20+$0xC130];
	[tilespmem:s21+$0x18140] =	vst v8;
	v5 =	vmul.f32 $3.200000000e+01, v5  }
0x329: {  	s24 =	sand.u32 $0x1C00, s22;
	s25 =	sshll.u32 s23, $0x1;
	s8 =	sand.u32 $0x2000, s8;
	v8 =	vld [tilespmem:s20+$0xC140];
	v3 =	vmul.f32 $3.200000000e+01, v3;
	[tilespmem:s21+$0x18150] =	vst v7  }
.Ltmp11:
0x32a: {  	s8 =	sor.u32 s24, s8;
	s24 =	sand.u32 $0x380, s25;
	v4 =	vmul.f32 $3.200000000e+01, v4;
	v7 =	vld [tilespmem:s20+$0xC150];
	[tilespmem:s21+$0x18160] =	vst v5;
	(pc) =	sbr.rel @p0 .LBB2_24-.Ltmp11, $4  }
0x32b: {  	s21 =	smov.u32 s20;
	v6 =	vmul.f32 $3.200000000e+01, v6;
	v5 =	vld [tilespmem:s20+$0xC160];
	[tilespmem:s20+$0x18170] =	vst v3;
	s20 =	sor.u32 s24, s8  }
0x32c: {  	v3 =	vld [tilespmem:s20+$0xC170];
	[tilespmem:s21+$0x18100] =	vst v4;
	v10 =	vmul.f32 $3.200000000e+01, v10  }
0x32d: {  	v4 =	vld [tilespmem:s20+$0xC100];
	[tilespmem:s21+$0x18110] =	vst v6;
	v9 =	vmul.f32 $3.200000000e+01, v9  }
0x32e: {  	v6 =	vld [tilespmem:s20+$0xC110];
	[tilespmem:s21+$0x18120] =	vst v10;
	v8 =	vmul.f32 $3.200000000e+01, v8  }
0x32f: {  	v10 =	vld [tilespmem:s20+$0xC120];
	[tilespmem:s21+$0x18130] =	vst v9;
	v7 =	vmul.f32 $3.200000000e+01, v7  }
0x330: {  	v9 =	vld [tilespmem:s20+$0xC130];
	[tilespmem:s21+$0x18140] =	vst v8;
	v5 =	vmul.f32 $3.200000000e+01, v5  }
0x331: {  	v8 =	vld [tilespmem:s20+$0xC140];
	v3 =	vmul.f32 $3.200000000e+01, v3;
	[tilespmem:s21+$0x18150] =	vst v7  }
0x332: {  	v7 =	vld [tilespmem:s20+$0xC150];
	v4 =	vmul.f32 $3.200000000e+01, v4;
	[tilespmem:s21+$0x18160] =	vst v5  }
0x333: {  	v5 =	vmul.f32 $3.200000000e+01, v6;
	v6 =	vld [tilespmem:s20+$0xC160];
	[tilespmem:s20+$0x18170] =	vst v3  }
0x334: {  	[tilespmem:s20+$0x18100] =	vst v4;
	v3 =	vmul.f32 $3.200000000e+01, v10  }
0x335: {  	v4 =	vmul.f32 $3.200000000e+01, v9;
	[tilespmem:s20+$0x18110] =	vst v5  }
0x336: {  	[tilespmem:s20+$0x18120] =	vst v3;
	v3 =	vmul.f32 $3.200000000e+01, v8  }
0x337: {  	[tilespmem:s20+$0x18130] =	vst v4;
	v4 =	vmul.f32 $3.200000000e+01, v7  }
0x338: {  	[tilespmem:s20+$0x18140] =	vst v3;
	v3 =	vmul.f32 $3.200000000e+01, v6  }
0x339: {  	[tilespmem:s20+$0x18150] =	vst v4  }
0x33a: {  	[tilespmem:s20+$0x18160] =	vst v3  }
0x33b: {  	s8 =	simm.s32 $0x0;
	s20 =	rddreg [dreg:$0x11]  }
0x33c: {  	[hbm4b:s20+s8] =	stream.linear.scatter [tilespmem:s14], [sflag:$0x7], $0x4000, $0x38;
	[tilespmem:$0x1C100] =	vst v63  }
0x33d: {  	v3 =	vld [tilespmem:$0xF0];
	_ =	sdelay $0x4  }
0x33e: {  	v4 =	vshll.u32 v3, $0x3  }
0x33f: {  	v3 =	vand.u32 $0x7, v3;
	v4 =	vand.u32 $0xFFFFFFC0, v4  }
0x340: {  	v3 =	vor.u32 v3, v4  }
0x341: {  	v4 =	vperm.xlane v3, v0;
	_ =	sdelay $0x1  }
0x342: {  	v4 =	vadd.s32 v1, v4;
	_ =	sdelay $0x3  }
0x343: {  	s23 =	simm.s32 $0xC100  }
0x344: {  	[tilespmem:s23], [sflag:$0x4] =	stream.indirect_vreg.gather [hbm4b:s1+s8], $0x80, v4, vm0, $0xb8;
	[tilespmem:$0x1C100] =	vst v63  }
0x345: {  	v3 =	vperm.xlane v3, v2  }
0x346: {  	[tilespmem:s28], [sflag:$0x4] =	stream.indirect_vreg.gather [hbm4b:s5+s8], $0x80, v4, vm0, $0xb8;
	[tilespmem:$0x1C100] =	vst v63  }
0x347: {  	v3 =	vadd.s32 v1, v3  }
0x348: {  	[tilespmem:s29], [sflag:$0x4] =	stream.indirect_vreg.gather [hbm4b:s6+s8], $0x80, v4, vm0, $0xb8;
	[tilespmem:$0x1C100] =	vst v63  }
0x349: {  	_ = 	snop  }
0x34a: {  	[tilespmem:s30], [sflag:$0x4] =	stream.indirect_vreg.gather [hbm4b:s7+s8], $0x80, v4, vm0, $0xb8;
	[tilespmem:$0x1C100] =	vst v63  }
0x34b: {  	_ = 	snop  }
0x34c: {  	[tilespmem:s31], [sflag:$0x4] =	stream.indirect_vreg.gather [hbm4b:s1+s8], $0x80, v3, vm0, $0xb8;
	[tilespmem:$0x1C100] =	vst v63  }
0x34d: {  	_ = 	snop  }
0x34e: {  	[tilespmem:s0], [sflag:$0x4] =	stream.indirect_vreg.gather [hbm4b:s5+s8], $0x80, v3, vm0, $0xb8;
	[tilespmem:$0x1C100] =	vst v63  }
0x34f: {  	_ = 	snop  }
0x350: {  	[tilespmem:s2], [sflag:$0x4] =	stream.indirect_vreg.gather [hbm4b:s6+s8], $0x80, v3, vm0, $0xb8;
	[tilespmem:$0x1C100] =	vst v63  }
0x351: {  	_ = 	snop  }
0x352: {  	[tilespmem:s4], [sflag:$0x4] =	stream.indirect_vreg.gather [hbm4b:s7+s8], $0x80, v3, vm0, $0xb8;
	[tilespmem:$0x1C100] =	vst v63  }
0x353: {  	_ =	swait.ge [sflag:s9], $0x4000  }
0x354: {  	[sflag:s9] =	ssyncset.done $0x0  }
0x355: {  	s24 =	simm.s32 $0x0;
	s25 =	simm.s32 $0x0;
	[sflag:s9] =	ssyncadd.s32 $0xFFFFC000  }
0x356: {  	s20 =	sand.u32 $0x2000, s24;
	s8 =	sand.u32 $0x1C00, s8;
	_ =	swait.ge [sflag:s16], $0x4000  }
0x357: {  	s22 =	sand.u32 $0x380, s25;
	s8 =	sor.u32 s8, s20;
	[sflag:s16] =	ssyncset.done $0x0  }
0x358: {  	s21 =	sor.u32 s22, s8;
	[sflag:s16] =	ssyncadd.s32 $0xFFFFC000  }
0x359: {  	v3 =	vld [tilespmem:s21+$0x170]  }
0x35a: {  	v4 =	vld [tilespmem:s21+$0x100]  }
0x35b: {  	v5 =	vld [tilespmem:s21+$0x110]  }
0x35c: {  	v6 =	vld [tilespmem:s21+$0x120]  }
0x35d: {  	s23 =	simm.s32 $0x80;
	s22 =	simm.s32 $0x400;
	v8 =	vld [tilespmem:s21+$0x130]  }
0x35e: {  	s8 =	sand.u32 $0x2000, s23;
	s23 =	simm.s32 $0x10;
	s24 =	sand.u32 $0x1C00, s22;
	v10 =	vld [tilespmem:s21+$0x140];
	v3 =	vmul.f32 $3.200000000e+01, v3  }
0x35f: {  	s25 =	sand.u32 $0x380, s23;
	s8 =	sor.u32 s24, s8;
	v7 =	vld [tilespmem:s21+$0x150];
	v4 =	vmul.f32 $3.200000000e+01, v4  }
0x360: {  	s20 =	sor.u32 s25, s8;
	v9 =	vmul.f32 $3.200000000e+01, v5;
	v5 =	vld [tilespmem:s21+$0x160];
	[tilespmem:s21+$0x10170] =	vst v3  }
0x361: {  	v11 =	vmul.f32 $3.200000000e+01, v6;
	v3 =	vld [tilespmem:s20+$0x170];
	[tilespmem:s21+$0x10100] =	vst v4  }
0x362: {  	v4 =	vld [tilespmem:s20+$0x100];
	[tilespmem:s21+$0x10110] =	vst v9;
	v9 =	vmul.f32 $3.200000000e+01, v8  }
0x363: {  	s23 =	simm.s32 $0x8;
	v6 =	vld [tilespmem:s20+$0x110];
	[tilespmem:s21+$0x10120] =	vst v11;
	v8 =	vmul.f32 $3.200000000e+01, v10  }
.LBB2_26:
0x364: {  	s23 =	sadd.s32 $0x8, s23;
	v10 =	vld [tilespmem:s20+$0x120];
	[tilespmem:s21+$0x10130] =	vst v9;
	v7 =	vmul.f32 $3.200000000e+01, v7  }
0x365: {  	s22 =	sadd.s32 $0x400, s22;
	s8 =	sshll.u32 s23, $0x4;
	p0 =	slt.u32 s23, $0x3F8;
	v9 =	vld [tilespmem:s20+$0x130];
	[tilespmem:s21+$0x10140] =	vst v8;
	v5 =	vmul.f32 $3.200000000e+01, v5  }
0x366: {  	s24 =	sand.u32 $0x1C00, s22;
	s25 =	sshll.u32 s23, $0x1;
	s8 =	sand.u32 $0x2000, s8;
	v8 =	vld [tilespmem:s20+$0x140];
	v3 =	vmul.f32 $3.200000000e+01, v3;
	[tilespmem:s21+$0x10150] =	vst v7  }
.Ltmp12:
0x367: {  	s8 =	sor.u32 s24, s8;
	s24 =	sand.u32 $0x380, s25;
	v4 =	vmul.f32 $3.200000000e+01, v4;
	v7 =	vld [tilespmem:s20+$0x150];
	[tilespmem:s21+$0x10160] =	vst v5;
	(pc) =	sbr.rel @p0 .LBB2_26-.Ltmp12, $4  }
0x368: {  	s21 =	smov.u32 s20;
	v6 =	vmul.f32 $3.200000000e+01, v6;
	v5 =	vld [tilespmem:s20+$0x160];
	[tilespmem:s20+$0x10170] =	vst v3;
	s20 =	sor.u32 s24, s8  }
0x369: {  	v3 =	vld [tilespmem:s20+$0x170];
	[tilespmem:s21+$0x10100] =	vst v4;
	v10 =	vmul.f32 $3.200000000e+01, v10  }
0x36a: {  	v4 =	vld [tilespmem:s20+$0x100];
	[tilespmem:s21+$0x10110] =	vst v6;
	v9 =	vmul.f32 $3.200000000e+01, v9  }
0x36b: {  	v6 =	vld [tilespmem:s20+$0x110];
	[tilespmem:s21+$0x10120] =	vst v10;
	v8 =	vmul.f32 $3.200000000e+01, v8  }
0x36c: {  	v10 =	vld [tilespmem:s20+$0x120];
	[tilespmem:s21+$0x10130] =	vst v9;
	v7 =	vmul.f32 $3.200000000e+01, v7  }
0x36d: {  	v9 =	vld [tilespmem:s20+$0x130];
	[tilespmem:s21+$0x10140] =	vst v8;
	v5 =	vmul.f32 $3.200000000e+01, v5  }
0x36e: {  	v8 =	vld [tilespmem:s20+$0x140];
	v3 =	vmul.f32 $3.200000000e+01, v3;
	[tilespmem:s21+$0x10150] =	vst v7  }
0x36f: {  	v7 =	vld [tilespmem:s20+$0x150];
	v4 =	vmul.f32 $3.200000000e+01, v4;
	[tilespmem:s21+$0x10160] =	vst v5  }
0x370: {  	v5 =	vmul.f32 $3.200000000e+01, v6;
	v6 =	vld [tilespmem:s20+$0x160];
	[tilespmem:s20+$0x10170] =	vst v3  }
0x371: {  	[tilespmem:s20+$0x10100] =	vst v4;
	v3 =	vmul.f32 $3.200000000e+01, v10  }
0x372: {  	v4 =	vmul.f32 $3.200000000e+01, v9;
	[tilespmem:s20+$0x10110] =	vst v5  }
0x373: {  	[tilespmem:s20+$0x10120] =	vst v3;
	v3 =	vmul.f32 $3.200000000e+01, v8  }
0x374: {  	[tilespmem:s20+$0x10130] =	vst v4;
	v4 =	vmul.f32 $3.200000000e+01, v7  }
0x375: {  	[tilespmem:s20+$0x10140] =	vst v3;
	v3 =	vmul.f32 $3.200000000e+01, v6  }
0x376: {  	[tilespmem:s20+$0x10150] =	vst v4  }
0x377: {  	[tilespmem:s20+$0x10160] =	vst v3  }
0x378: {  	s8 =	simm.s32 $0x0;
	s20 =	rddreg [dreg:$0x12]  }
0x379: {  	[hbm4b:s20+s8] =	stream.linear.scatter [tilespmem:s10], [sflag:$0x5], $0x4000, $0x38;
	[tilespmem:$0x1C100] =	vst v63  }
0x37a: {  	_ =	swait.ge [sflag:s11], $0x4000  }
0x37b: {  	[sflag:s11] =	ssyncset.done $0x0  }
0x37c: {  	s24 =	simm.s32 $0x0;
	s25 =	simm.s32 $0x0;
	[sflag:s11] =	ssyncadd.s32 $0xFFFFC000  }
0x37d: {  	s20 =	sand.u32 $0x2000, s24;
	s8 =	sand.u32 $0x1C00, s8;
	_ =	swait.ge [sflag:s17], $0x4000  }
0x37e: {  	s22 =	sand.u32 $0x380, s25;
	s8 =	sor.u32 s8, s20;
	[sflag:s17] =	ssyncset.done $0x0  }
0x37f: {  	s21 =	sor.u32 s22, s8;
	[sflag:s17] =	ssyncadd.s32 $0xFFFFC000  }
0x380: {  	v3 =	vld [tilespmem:s21+$0x4170]  }
0x381: {  	v4 =	vld [tilespmem:s21+$0x4100]  }
0x382: {  	v5 =	vld [tilespmem:s21+$0x4110]  }
0x383: {  	v6 =	vld [tilespmem:s21+$0x4120]  }
0x384: {  	s23 =	simm.s32 $0x80;
	s22 =	simm.s32 $0x400;
	v8 =	vld [tilespmem:s21+$0x4130]  }
0x385: {  	s8 =	sand.u32 $0x2000, s23;
	s23 =	simm.s32 $0x10;
	s24 =	sand.u32 $0x1C00, s22;
	v10 =	vld [tilespmem:s21+$0x4140];
	v3 =	vmul.f32 $3.200000000e+01, v3  }
0x386: {  	s25 =	sand.u32 $0x380, s23;
	s8 =	sor.u32 s24, s8;
	v7 =	vld [tilespmem:s21+$0x4150];
	v4 =	vmul.f32 $3.200000000e+01, v4  }
0x387: {  	s20 =	sor.u32 s25, s8;
	v9 =	vmul.f32 $3.200000000e+01, v5;
	v5 =	vld [tilespmem:s21+$0x4160];
	[tilespmem:s21+$0x14170] =	vst v3  }
0x388: {  	v11 =	vmul.f32 $3.200000000e+01, v6;
	v3 =	vld [tilespmem:s20+$0x4170];
	[tilespmem:s21+$0x14100] =	vst v4  }
0x389: {  	v4 =	vld [tilespmem:s20+$0x4100];
	[tilespmem:s21+$0x14110] =	vst v9;
	v9 =	vmul.f32 $3.200000000e+01, v8  }
0x38a: {  	s23 =	simm.s32 $0x8;
	v6 =	vld [tilespmem:s20+$0x4110];
	[tilespmem:s21+$0x14120] =	vst v11;
	v8 =	vmul.f32 $3.200000000e+01, v10  }
.LBB2_28:
0x38b: {  	s23 =	sadd.s32 $0x8, s23;
	v10 =	vld [tilespmem:s20+$0x4120];
	[tilespmem:s21+$0x14130] =	vst v9;
	v7 =	vmul.f32 $3.200000000e+01, v7  }
0x38c: {  	s22 =	sadd.s32 $0x400, s22;
	s8 =	sshll.u32 s23, $0x4;
	p0 =	slt.u32 s23, $0x3F8;
	v9 =	vld [tilespmem:s20+$0x4130];
	[tilespmem:s21+$0x14140] =	vst v8;
	v5 =	vmul.f32 $3.200000000e+01, v5  }
0x38d: {  	s24 =	sand.u32 $0x1C00, s22;
	s25 =	sshll.u32 s23, $0x1;
	s8 =	sand.u32 $0x2000, s8;
	v8 =	vld [tilespmem:s20+$0x4140];
	v3 =	vmul.f32 $3.200000000e+01, v3;
	[tilespmem:s21+$0x14150] =	vst v7  }
.Ltmp13:
0x38e: {  	s8 =	sor.u32 s24, s8;
	s24 =	sand.u32 $0x380, s25;
	v4 =	vmul.f32 $3.200000000e+01, v4;
	v7 =	vld [tilespmem:s20+$0x4150];
	[tilespmem:s21+$0x14160] =	vst v5;
	(pc) =	sbr.rel @p0 .LBB2_28-.Ltmp13, $4  }
0x38f: {  	s21 =	smov.u32 s20;
	v6 =	vmul.f32 $3.200000000e+01, v6;
	v5 =	vld [tilespmem:s20+$0x4160];
	[tilespmem:s20+$0x14170] =	vst v3;
	s20 =	sor.u32 s24, s8  }
0x390: {  	v3 =	vld [tilespmem:s20+$0x4170];
	[tilespmem:s21+$0x14100] =	vst v4;
	v10 =	vmul.f32 $3.200000000e+01, v10  }
0x391: {  	v4 =	vld [tilespmem:s20+$0x4100];
	[tilespmem:s21+$0x14110] =	vst v6;
	v9 =	vmul.f32 $3.200000000e+01, v9  }
0x392: {  	v6 =	vld [tilespmem:s20+$0x4110];
	[tilespmem:s21+$0x14120] =	vst v10;
	v8 =	vmul.f32 $3.200000000e+01, v8  }
0x393: {  	v10 =	vld [tilespmem:s20+$0x4120];
	[tilespmem:s21+$0x14130] =	vst v9;
	v7 =	vmul.f32 $3.200000000e+01, v7  }
0x394: {  	v9 =	vld [tilespmem:s20+$0x4130];
	[tilespmem:s21+$0x14140] =	vst v8;
	v5 =	vmul.f32 $3.200000000e+01, v5  }
0x395: {  	v8 =	vld [tilespmem:s20+$0x4140];
	v3 =	vmul.f32 $3.200000000e+01, v3;
	[tilespmem:s21+$0x14150] =	vst v7  }
0x396: {  	v7 =	vld [tilespmem:s20+$0x4150];
	v4 =	vmul.f32 $3.200000000e+01, v4;
	[tilespmem:s21+$0x14160] =	vst v5  }
0x397: {  	v5 =	vmul.f32 $3.200000000e+01, v6;
	v6 =	vld [tilespmem:s20+$0x4160];
	[tilespmem:s20+$0x14170] =	vst v3  }
0x398: {  	[tilespmem:s20+$0x14100] =	vst v4;
	v3 =	vmul.f32 $3.200000000e+01, v10  }
0x399: {  	v4 =	vmul.f32 $3.200000000e+01, v9;
	[tilespmem:s20+$0x14110] =	vst v5  }
0x39a: {  	[tilespmem:s20+$0x14120] =	vst v3;
	v3 =	vmul.f32 $3.200000000e+01, v8  }
0x39b: {  	[tilespmem:s20+$0x14130] =	vst v4;
	v4 =	vmul.f32 $3.200000000e+01, v7  }
0x39c: {  	[tilespmem:s20+$0x14140] =	vst v3;
	v3 =	vmul.f32 $3.200000000e+01, v6  }
0x39d: {  	[tilespmem:s20+$0x14150] =	vst v4  }
0x39e: {  	[tilespmem:s20+$0x14160] =	vst v3  }
0x39f: {  	s8 =	simm.s32 $0x0;
	s20 =	rddreg [dreg:$0x13]  }
0x3a0: {  	[hbm4b:s20+s8] =	stream.linear.scatter [tilespmem:s12], [sflag:$0x6], $0x4000, $0x38;
	[tilespmem:$0x1C100] =	vst v63  }
0x3a1: {  	_ =	swait.ge [sflag:s13], $0x4000  }
0x3a2: {  	[sflag:s13] =	ssyncset.done $0x0  }
0x3a3: {  	s24 =	simm.s32 $0x0;
	s25 =	simm.s32 $0x0;
	[sflag:s13] =	ssyncadd.s32 $0xFFFFC000  }
0x3a4: {  	s20 =	sand.u32 $0x2000, s24;
	s8 =	sand.u32 $0x1C00, s8;
	_ =	swait.ge [sflag:s18], $0x4000  }
0x3a5: {  	s22 =	sand.u32 $0x380, s25;
	s8 =	sor.u32 s8, s20;
	[sflag:s18] =	ssyncset.done $0x0  }
0x3a6: {  	s21 =	sor.u32 s22, s8;
	[sflag:s18] =	ssyncadd.s32 $0xFFFFC000  }
0x3a7: {  	v3 =	vld [tilespmem:s21+$0x8170]  }
0x3a8: {  	v4 =	vld [tilespmem:s21+$0x8100]  }
0x3a9: {  	v5 =	vld [tilespmem:s21+$0x8110]  }
0x3aa: {  	v6 =	vld [tilespmem:s21+$0x8120]  }
0x3ab: {  	s23 =	simm.s32 $0x80;
	s22 =	simm.s32 $0x400;
	v8 =	vld [tilespmem:s21+$0x8130]  }
0x3ac: {  	s8 =	sand.u32 $0x2000, s23;
	s23 =	simm.s32 $0x10;
	s24 =	sand.u32 $0x1C00, s22;
	v10 =	vld [tilespmem:s21+$0x8140];
	v3 =	vmul.f32 $3.200000000e+01, v3  }
0x3ad: {  	s25 =	sand.u32 $0x380, s23;
	s8 =	sor.u32 s24, s8;
	v7 =	vld [tilespmem:s21+$0x8150];
	v4 =	vmul.f32 $3.200000000e+01, v4  }
0x3ae: {  	s20 =	sor.u32 s25, s8;
	v9 =	vmul.f32 $3.200000000e+01, v5;
	v5 =	vld [tilespmem:s21+$0x8160];
	[tilespmem:s21+$0x18170] =	vst v3  }
0x3af: {  	v11 =	vmul.f32 $3.200000000e+01, v6;
	v3 =	vld [tilespmem:s20+$0x8170];
	[tilespmem:s21+$0x18100] =	vst v4  }
0x3b0: {  	v4 =	vld [tilespmem:s20+$0x8100];
	[tilespmem:s21+$0x18110] =	vst v9;
	v9 =	vmul.f32 $3.200000000e+01, v8  }
0x3b1: {  	s23 =	simm.s32 $0x8;
	v6 =	vld [tilespmem:s20+$0x8110];
	[tilespmem:s21+$0x18120] =	vst v11;
	v8 =	vmul.f32 $3.200000000e+01, v10  }
.LBB2_30:
0x3b2: {  	s23 =	sadd.s32 $0x8, s23;
	v10 =	vld [tilespmem:s20+$0x8120];
	[tilespmem:s21+$0x18130] =	vst v9;
	v7 =	vmul.f32 $3.200000000e+01, v7  }
0x3b3: {  	s22 =	sadd.s32 $0x400, s22;
	s8 =	sshll.u32 s23, $0x4;
	p0 =	slt.u32 s23, $0x3F8;
	v9 =	vld [tilespmem:s20+$0x8130];
	[tilespmem:s21+$0x18140] =	vst v8;
	v5 =	vmul.f32 $3.200000000e+01, v5  }
0x3b4: {  	s24 =	sand.u32 $0x1C00, s22;
	s25 =	sshll.u32 s23, $0x1;
	s8 =	sand.u32 $0x2000, s8;
	v8 =	vld [tilespmem:s20+$0x8140];
	v3 =	vmul.f32 $3.200000000e+01, v3;
	[tilespmem:s21+$0x18150] =	vst v7  }
.Ltmp14:
0x3b5: {  	s8 =	sor.u32 s24, s8;
	s24 =	sand.u32 $0x380, s25;
	v4 =	vmul.f32 $3.200000000e+01, v4;
	v7 =	vld [tilespmem:s20+$0x8150];
	[tilespmem:s21+$0x18160] =	vst v5;
	(pc) =	sbr.rel @p0 .LBB2_30-.Ltmp14, $4  }
0x3b6: {  	s21 =	smov.u32 s20;
	v6 =	vmul.f32 $3.200000000e+01, v6;
	v5 =	vld [tilespmem:s20+$0x8160];
	[tilespmem:s20+$0x18170] =	vst v3;
	s20 =	sor.u32 s24, s8  }
0x3b7: {  	v3 =	vld [tilespmem:s20+$0x8170];
	[tilespmem:s21+$0x18100] =	vst v4;
	v10 =	vmul.f32 $3.200000000e+01, v10  }
0x3b8: {  	v4 =	vld [tilespmem:s20+$0x8100];
	[tilespmem:s21+$0x18110] =	vst v6;
	v9 =	vmul.f32 $3.200000000e+01, v9  }
0x3b9: {  	v6 =	vld [tilespmem:s20+$0x8110];
	[tilespmem:s21+$0x18120] =	vst v10;
	v8 =	vmul.f32 $3.200000000e+01, v8  }
0x3ba: {  	v10 =	vld [tilespmem:s20+$0x8120];
	[tilespmem:s21+$0x18130] =	vst v9;
	v7 =	vmul.f32 $3.200000000e+01, v7  }
0x3bb: {  	v9 =	vld [tilespmem:s20+$0x8130];
	[tilespmem:s21+$0x18140] =	vst v8;
	v5 =	vmul.f32 $3.200000000e+01, v5  }
0x3bc: {  	v8 =	vld [tilespmem:s20+$0x8140];
	v3 =	vmul.f32 $3.200000000e+01, v3;
	[tilespmem:s21+$0x18150] =	vst v7  }
0x3bd: {  	v7 =	vld [tilespmem:s20+$0x8150];
	v4 =	vmul.f32 $3.200000000e+01, v4;
	[tilespmem:s21+$0x18160] =	vst v5  }
0x3be: {  	v5 =	vmul.f32 $3.200000000e+01, v6;
	v6 =	vld [tilespmem:s20+$0x8160];
	[tilespmem:s20+$0x18170] =	vst v3  }
0x3bf: {  	[tilespmem:s20+$0x18100] =	vst v4;
	v3 =	vmul.f32 $3.200000000e+01, v10  }
0x3c0: {  	v4 =	vmul.f32 $3.200000000e+01, v9;
	[tilespmem:s20+$0x18110] =	vst v5  }
0x3c1: {  	[tilespmem:s20+$0x18120] =	vst v3;
	v3 =	vmul.f32 $3.200000000e+01, v8  }
0x3c2: {  	[tilespmem:s20+$0x18130] =	vst v4;
	v4 =	vmul.f32 $3.200000000e+01, v7  }
0x3c3: {  	[tilespmem:s20+$0x18140] =	vst v3;
	v3 =	vmul.f32 $3.200000000e+01, v6  }
0x3c4: {  	[tilespmem:s20+$0x18150] =	vst v4  }
0x3c5: {  	[tilespmem:s20+$0x18160] =	vst v3  }
0x3c6: {  	s8 =	simm.s32 $0x0;
	s20 =	rddreg [dreg:$0x14]  }
0x3c7: {  	[hbm4b:s20+s8] =	stream.linear.scatter [tilespmem:s14], [sflag:$0x7], $0x4000, $0x38;
	[tilespmem:$0x1C100] =	vst v63  }
0x3c8: {  	_ =	swait.ge [sflag:s15], $0x4000  }
0x3c9: {  	[sflag:s15] =	ssyncset.done $0x0  }
0x3ca: {  	s24 =	simm.s32 $0x0;
	s25 =	simm.s32 $0x0;
	[sflag:s15] =	ssyncadd.s32 $0xFFFFC000  }
0x3cb: {  	s20 =	sand.u32 $0x2000, s24;
	s8 =	sand.u32 $0x1C00, s8;
	_ =	swait.ge [sflag:s16], $0x4000  }
0x3cc: {  	s22 =	sand.u32 $0x380, s25;
	s8 =	sor.u32 s8, s20;
	[sflag:s16] =	ssyncset.done $0x0  }
0x3cd: {  	s21 =	sor.u32 s22, s8;
	[sflag:s16] =	ssyncadd.s32 $0xFFFFC000  }
0x3ce: {  	v3 =	vld [tilespmem:s21+$0xC170]  }
0x3cf: {  	v4 =	vld [tilespmem:s21+$0xC100]  }
0x3d0: {  	v5 =	vld [tilespmem:s21+$0xC110]  }
0x3d1: {  	v6 =	vld [tilespmem:s21+$0xC120]  }
0x3d2: {  	s23 =	simm.s32 $0x80;
	s22 =	simm.s32 $0x400;
	v8 =	vld [tilespmem:s21+$0xC130]  }
0x3d3: {  	s8 =	sand.u32 $0x2000, s23;
	s23 =	simm.s32 $0x10;
	s24 =	sand.u32 $0x1C00, s22;
	v10 =	vld [tilespmem:s21+$0xC140];
	v3 =	vmul.f32 $3.200000000e+01, v3  }
0x3d4: {  	s25 =	sand.u32 $0x380, s23;
	s8 =	sor.u32 s24, s8;
	v7 =	vld [tilespmem:s21+$0xC150];
	v4 =	vmul.f32 $3.200000000e+01, v4  }
0x3d5: {  	s20 =	sor.u32 s25, s8;
	v9 =	vmul.f32 $3.200000000e+01, v5;
	v5 =	vld [tilespmem:s21+$0xC160];
	[tilespmem:s21+$0x10170] =	vst v3  }
0x3d6: {  	v11 =	vmul.f32 $3.200000000e+01, v6;
	v3 =	vld [tilespmem:s20+$0xC170];
	[tilespmem:s21+$0x10100] =	vst v4  }
0x3d7: {  	v4 =	vld [tilespmem:s20+$0xC100];
	[tilespmem:s21+$0x10110] =	vst v9;
	v9 =	vmul.f32 $3.200000000e+01, v8  }
0x3d8: {  	s23 =	simm.s32 $0x8;
	v6 =	vld [tilespmem:s20+$0xC110];
	[tilespmem:s21+$0x10120] =	vst v11;
	v8 =	vmul.f32 $3.200000000e+01, v10  }
.LBB2_32:
0x3d9: {  	s23 =	sadd.s32 $0x8, s23;
	v10 =	vld [tilespmem:s20+$0xC120];
	[tilespmem:s21+$0x10130] =	vst v9;
	v7 =	vmul.f32 $3.200000000e+01, v7  }
0x3da: {  	s22 =	sadd.s32 $0x400, s22;
	s8 =	sshll.u32 s23, $0x4;
	p0 =	slt.u32 s23, $0x3F8;
	v9 =	vld [tilespmem:s20+$0xC130];
	[tilespmem:s21+$0x10140] =	vst v8;
	v5 =	vmul.f32 $3.200000000e+01, v5  }
0x3db: {  	s24 =	sand.u32 $0x1C00, s22;
	s25 =	sshll.u32 s23, $0x1;
	s8 =	sand.u32 $0x2000, s8;
	v8 =	vld [tilespmem:s20+$0xC140];
	v3 =	vmul.f32 $3.200000000e+01, v3;
	[tilespmem:s21+$0x10150] =	vst v7  }
.Ltmp15:
0x3dc: {  	s8 =	sor.u32 s24, s8;
	s24 =	sand.u32 $0x380, s25;
	v4 =	vmul.f32 $3.200000000e+01, v4;
	v7 =	vld [tilespmem:s20+$0xC150];
	[tilespmem:s21+$0x10160] =	vst v5;
	(pc) =	sbr.rel @p0 .LBB2_32-.Ltmp15, $4  }
0x3dd: {  	s21 =	smov.u32 s20;
	v6 =	vmul.f32 $3.200000000e+01, v6;
	v5 =	vld [tilespmem:s20+$0xC160];
	[tilespmem:s20+$0x10170] =	vst v3;
	s20 =	sor.u32 s24, s8  }
0x3de: {  	v3 =	vld [tilespmem:s20+$0xC170];
	[tilespmem:s21+$0x10100] =	vst v4;
	v10 =	vmul.f32 $3.200000000e+01, v10  }
0x3df: {  	v4 =	vld [tilespmem:s20+$0xC100];
	[tilespmem:s21+$0x10110] =	vst v6;
	v9 =	vmul.f32 $3.200000000e+01, v9  }
0x3e0: {  	v6 =	vld [tilespmem:s20+$0xC110];
	[tilespmem:s21+$0x10120] =	vst v10;
	v8 =	vmul.f32 $3.200000000e+01, v8  }
0x3e1: {  	v10 =	vld [tilespmem:s20+$0xC120];
	[tilespmem:s21+$0x10130] =	vst v9;
	v7 =	vmul.f32 $3.200000000e+01, v7  }
0x3e2: {  	v57 =	vld [tilespmem:s20+$0xC130];
	[tilespmem:s21+$0x10140] =	vst v8;
	v5 =	vmul.f32 $3.200000000e+01, v5  }
0x3e3: {  	v58 =	vld [tilespmem:s20+$0xC140];
	v3 =	vmul.f32 $3.200000000e+01, v3;
	[tilespmem:s21+$0x10150] =	vst v7  }
0x3e4: {  	v59 =	vld [tilespmem:s20+$0xC150];
	v4 =	vmul.f32 $3.200000000e+01, v4;
	[tilespmem:s21+$0x10160] =	vst v5  }
0x3e5: {  	v61 =	vld [tilespmem:s20+$0xC160];
	v60 =	vmul.f32 $3.200000000e+01, v6;
	[tilespmem:s20+$0x10170] =	vst v3  }
0x3e6: {  	[tilespmem:s20+$0x10100] =	vst v4;
	v3 =	vmul.f32 $3.200000000e+01, v10  }
0x3e7: {  	v62 =	vmul.f32 $3.200000000e+01, v57;
	[tilespmem:s20+$0x10110] =	vst v60  }
0x3e8: {  	[tilespmem:s20+$0x10120] =	vst v3;
	v3 =	vmul.f32 $3.200000000e+01, v58  }
0x3e9: {  	v63 =	vmul.f32 $3.200000000e+01, v59;
	[tilespmem:s20+$0x10130] =	vst v62  }
0x3ea: {  	[tilespmem:s20+$0x10140] =	vst v3;
	v3 =	vmul.f32 $3.200000000e+01, v61  }
0x3eb: {  	[tilespmem:s20+$0x10150] =	vst v63  }
0x3ec: {  	[tilespmem:s20+$0x10160] =	vst v3  }
0x3ed: {  	s8 =	rddreg [dreg:$0x15]  }
0x3ee: {  	[hbm4b:s8+s3] =	stream.linear.scatter [tilespmem:s10], [sflag:$0x5], $0x4000, $0x38;
	[tilespmem:$0x1C100] =	vst v63  }
0x3ef: {  	_ =	swait.ge [sflag:s16], $0x4000  }
0x3f0: {  	[sflag:s16] =	ssyncset.done $0x0  }
0x3f1: {  	[sflag:s16] =	ssyncadd.s32 $0xFFFFC000  }
0x3f2: {  	_ =	swait.ge [sflag:s17], $0x4000  }
0x3f3: {  	[sflag:s17] =	ssyncset.done $0x0  }
0x3f4: {  	[sflag:s17] =	ssyncadd.s32 $0xFFFFC000  }
0x3f5: {  	_ =	swait.ge [sflag:s18], $0x4000  }
0x3f6: {  	s19 =	sadd.s32 $0x1, s19;
	s25 =	rddreg [dreg:$0x16]  }
0x3f7: {  	p0 =	sne.s32 s19, s25  }
.Ltmp16:
0x3f8: {  	_ = 	snop;
	(pc) =	sbr.rel @p0 .LBB2_1-.Ltmp16, $3  }
0x3f9: {  	_ =	sdelay $0x1  }
0x3fa: {  	[sflag:s18] =	ssyncset.done $0x0  }
0x3fb: {  	[sflag:s18] =	ssyncadd.s32 $0xFFFFC000  }
0x3fc: {  	_ =	sfence.sel $0x180000  }
0x3fd: {  	[bflag:$0x0] =	sbarrier.arrive $0xFFFF  }
0x3fe: {  	_ =	strace $0x90000047  }
0x3ff: {  	s0 =	stileid.u32;
	[bflag:$0x2] =	sbarrier.arrive $0xFFFF  }
0x400: {  	p0 =	sne.s32 s0, $0x0;
	s0 =	rddreg [dreg:$0x3]  }
0x401: {  	s0 =	sadd.s32 @!p0 $0x100000, s0  }
0x402: {  	[sflag:s0] =	ssyncadd.tile.s32 @!p0 $0x1;
	_ =	shalt  }
.Lfunc_end2:
_tile_overlayer_lowered:
.L_overlay_start_2:
0x403: {  	(tag) =	ssettag $0x2  }
0x404: {  	s0 =	rddreg [dreg:$0x0];
	s2 =	stileid.u32  }
0x405: {  	s1 =	rddreg [dreg:$0x1];
	p0 =	sne.s32 s2, $0x0  }
0x406: {  	s3 =	rddreg [dreg:$0x2];
	[bflag:$0x3] =	sbarrier.arrive $0xFFFF;
	s2 =	simm.s32 @!p0 $0x1C08  }
0x407: {  	[timem:s3], [sflag:s2] =	dma.local @!p0 [hbm:s0], s1  }
0x408: {  	s0 =	simm.s32 @!p0 $0x8  }
0x409: {  	_ =	swait.ge @!p0 [sflag:s0], s1  }
0x40a: {  	s1 =	ssub.s32 @!p0 $0x0, s1;
	[sflag:s0] =	ssyncset.done @!p0 $0x0  }
0x40b: {  	[sflag:s0] =	ssyncadd.s32 @!p0 s1  }
0x40c: {  	[bflag:$0x3] =	sbarrier.arrive $0xFFFF  }
0x40d: {  	_ =	shalt  }

</sc_bundles>
